<compile_context>
chip_gen: v7x
topology: tpu7x:2x2x1
jax: 0.10.2.dev20260603
libtpu: 0.0.44.dev20260713+nightly
codegen_flags: <defaults>
</compile_context>

<pallas_src>
import functools

import jax
import jax.numpy as jnp
from jax import lax
from jax.experimental import pallas as pl
from jax.experimental.pallas import tpu as pltpu
from jax.experimental.pallas import tpu_sc as plsc

_SRC = 50
_V = 64
_B = 16384
_F = 100
_OF = _F - 1 + _V
_NC = 2
_NS = 16
_NW = _NC * _NS
_CW = _B // _NW
_C = 128
_NCHUNK = _CW // _C
_L = 16
_G = _C // _L


def _sc_body(xt_hbm, eps_hbm, outt_hbm, x_v, o_v, eps_v, in_sems, out_sems):
    wid = lax.axis_index("s") * _NC + lax.axis_index("c")

    zero = jnp.zeros((_L,), jnp.float32)
    lane = lax.iota(jnp.int32, _L)

    def _in_copy(ci, b):
        base = wid * _CW + ci * _C
        return pltpu.make_async_copy(
            xt_hbm.at[:, pl.ds(base, _C)], x_v.at[b], in_sems.at[b])


    def _out_copy(ci, b):
        base = wid * _CW + ci * _C
        return pltpu.make_async_copy(
            o_v.at[b], outt_hbm.at[:, pl.ds(base, _C)], out_sems.at[b])

    def _compute(ci, b):
        xb = x_v.at[ci]
        ob = o_v.at[b]

        def _left(r, _):
            for g in range(_G):
                ob[r, pl.ds(g * _L, _L)] = xb[r, pl.ds(g * _L, _L)]
            return 0

        lax.fori_loop(0, _SRC, _left, 0)

        def _right(r, _):
            for g in range(_G):
                ob[r + _V - 1, pl.ds(g * _L, _L)] = xb[r, pl.ds(g * _L, _L)]
            return 0

        lax.fori_loop(_SRC + 1, _F, _right, 0)

        def _zero_row(r, _):
            for g in range(_G):
                ob[r, pl.ds(g * _L, _L)] = zero
            return 0

        lax.fori_loop(_SRC, _SRC + _V, _zero_row, 0)

        for g in range(_G):
            cols = lane + g * _L
            codes = xb[_SRC, pl.ds(g * _L, _L)].astype(jnp.int32)
            mask = (codes >= 0) & (codes < _V)
            plsc.store_scatter(ob, [codes + _SRC, cols], eps_vec, mask=mask)

    for ci in range(_NCHUNK):
        _in_copy(ci, ci).start()
    pltpu.sync_copy(eps_hbm, eps_v)
    eps_vec = eps_v[...]
    for ci in range(_NCHUNK):
        b = ci % 2
        _in_copy(ci, ci).wait()
        if ci >= 2:
            _out_copy(ci - 2, b).wait()
        _compute(ci, b)
        _out_copy(ci, b).start()
    _out_copy(_NCHUNK - 2, _NCHUNK % 2).wait()
    _out_copy(_NCHUNK - 1, (_NCHUNK - 1) % 2).wait()


def kernel(x, eps):
    xt = x.T
    eps_r = jnp.broadcast_to(jnp.reshape(eps, (1,)), (_L,))
    mesh = plsc.VectorSubcoreMesh(core_axis_name="c", subcore_axis_name="s")
    k = functools.partial(
        pl.kernel,
        mesh=mesh,
        compiler_params=pltpu.CompilerParams(
            use_tc_tiling_on_sc=True, needs_layout_passes=False),
        out_type=jax.ShapeDtypeStruct((_OF, _B), jnp.float32),
        scratch_types=[
            pltpu.VMEM((_NCHUNK, _F, _C), jnp.float32),
            pltpu.VMEM((2, _OF, _C), jnp.float32),
            pltpu.VMEM((_L,), jnp.float32),
            pltpu.SemaphoreType.DMA((_NCHUNK,)),
            pltpu.SemaphoreType.DMA((2,)),
        ],
    )(_sc_body)
    outt = k(xt, eps_r)
    return outt.T

# --- scband reference (transcript-rebuilt; emitter-appended) ---
"""Pipeline reference for scband-one-hot-encode-11544872092149 (READ-ONLY COPY).

The authoritative reference and input builder live on the scoring server;
editing this copy changes nothing except your own understanding.
"""

import jax, jax.numpy as jnp
import numpy as np

SOURCE_IDX = 50
TARGET_VALS = list(range(64))


def setup_inputs(seed: int = 0) -> dict:
    key = jax.random.key(seed)
    # x holds integer-valued categorical codes stored as float32 so equality
    # against target_vals actually fires (values in [0, 64)).
    x = jax.random.randint(key, (16384, 100), 0, 64).astype(jnp.float32)
    # _eps buffer from the torch module
    eps = jnp.asarray(1.0, dtype=jnp.float32)
    return {"x": x, "eps": eps}


def reference(x, eps):
    vals = jnp.asarray(TARGET_VALS, dtype=x.dtype)
    col = x[:, SOURCE_IDX:SOURCE_IDX + 1]  # [B, 1]
    # onehot[:, i] = eps * (x[:, source_idx] == target_vals[i])
    onehot = eps * (col == vals[None, :]).astype(x.dtype)  # [B, V]
    out = jnp.concatenate(
        [x[:, :SOURCE_IDX], onehot, x[:, SOURCE_IDX + 1:]], axis=1
    )  # [B, F - 1 + V]
    return out

if __name__ == "__main__":
    import jax
    _d = setup_inputs()
    print(jax.jit(kernel)(*tuple(_d.values())))

</pallas_src>

<mosaic_0001>
#map = affine_map<(d0, d1) -> (0, 0)>
#map1 = affine_map<(d0, d1) -> (0)>
module attributes {stable_mosaic.version = 14 : i64} {
  func.func @_sc_body(%arg0: i32, %arg1: i32, %arg2: memref<100x16384xf32, #tpu.memory_space<hbm>>, %arg3: memref<16xf32, #tpu.memory_space<hbm>>, %arg4: memref<163x16384xf32, #tpu.memory_space<hbm>>, %arg5: memref<4x100x128xf32, #tpu.memory_space<vmem>>, %arg6: memref<2x163x128xf32, #tpu.memory_space<vmem>>, %arg7: memref<16xf32, #tpu.memory_space<vmem>>, %arg8: memref<4x!tpu.dma_semaphore, #tpu.memory_space<semaphore_mem>>, %arg9: memref<2x!tpu.dma_semaphore, #tpu.memory_space<semaphore_mem>>) attributes {dimension_semantics = [#tpu.dimension_semantics<core_parallel>, #tpu.dimension_semantics<subcore_parallel>], iteration_bounds = array<i64: 2, 16>, scalar_prefetch = 0 : i64, scratch_operands = 5 : i64, tpu.core_type = #tpu.core_type<sc_vector_subcore>, window_params = [{transform_indices = #map}, {transform_indices = #map1}, {transform_indices = #map}]} {
    %mul3A = arith.constant 2 : i32
    %mul3A_0 = arith.muli %arg1, %mul3A : i32
    %add3A = arith.addi %mul3A_0, %arg0 : i32
    %broadcast_in_dim3A = arith.constant 0.000000e+00 : f32
    %broadcast_in_dim3A_1 = vector.broadcast %broadcast_in_dim3A : f32 to vector<16xf32>
    %iota3A = tpu.iota {dimensions = array<i32: 0>} : vector<16xi32>
    %mul3A_2 = arith.constant 512 : i32
    %mul3A_3 = arith.muli %add3A, %mul3A_2 : i32
    %add3A_4 = arith.constant 0 : i32
    %add3A_5 = arith.addi %mul3A_3, %add3A_4 : i32
    %dma_start3A = arith.constant 0 : i32
    %dma_start3A_6 = arith.constant 0 : i32
    %dma_start3A_7 = arith.constant 0 : i32
    %dma_start3A_8 = arith.constant 0 : i32
    %dma_start3A_9 = tpu.memref_slice %arg5[%dma_start3A, %dma_start3A_7, %dma_start3A_8] : memref<4x100x128xf32, #tpu.memory_space<vmem>> -> memref<1x100x128xf32, #tpu.memory_space<vmem>>
    %dma_start3A_10 = tpu.memref_squeeze %dma_start3A_9 : memref<1x100x128xf32, #tpu.memory_space<vmem>> -> memref<100x128xf32, #tpu.memory_space<vmem>>
    %dma_start3A_11 = arith.constant 0 : i32
    %dma_start3A_12 = tpu.memref_slice %arg2[%dma_start3A_11, %add3A_5] : memref<100x16384xf32, #tpu.memory_space<hbm>> -> memref<100x128xf32, #tpu.memory_space<hbm>>
    %dma_start3A_13 = tpu.memref_slice %arg8[%dma_start3A_6] : memref<4x!tpu.dma_semaphore, #tpu.memory_space<semaphore_mem>> -> memref<1x!tpu.dma_semaphore, #tpu.memory_space<semaphore_mem>>
    %dma_start3A_14 = tpu.memref_squeeze %dma_start3A_13 : memref<1x!tpu.dma_semaphore, #tpu.memory_space<semaphore_mem>> -> memref<!tpu.dma_semaphore, #tpu.memory_space<semaphore_mem>>
    %dma_start3A_15 = arith.constant 0 : i32
    %dma_start3A_16 = arith.constant 0 : i32
    %dma_start3A_17 = tpu.memref_slice %arg5[%dma_start3A, %dma_start3A_15, %dma_start3A_16] : memref<4x100x128xf32, #tpu.memory_space<vmem>> -> memref<1x100x128xf32, #tpu.memory_space<vmem>>
    %dma_start3A_18 = tpu.memref_squeeze %dma_start3A_17 : memref<1x100x128xf32, #tpu.memory_space<vmem>> -> memref<100x128xf32, #tpu.memory_space<vmem>>
    %dma_start3A_19 = arith.constant 0 : i32
    %dma_start3A_20 = tpu.memref_slice %arg2[%dma_start3A_19, %add3A_5] : memref<100x16384xf32, #tpu.memory_space<hbm>> -> memref<100x128xf32, #tpu.memory_space<hbm>>
    tpu.enqueue_dma source(%dma_start3A_20 : memref<100x128xf32, #tpu.memory_space<hbm>>) target(%dma_start3A_18 : memref<100x128xf32, #tpu.memory_space<vmem>>) target_semaphore(%dma_start3A_14 : memref<!tpu.dma_semaphore, #tpu.memory_space<semaphore_mem>>)
    %mul3A_21 = arith.constant 512 : i32
    %mul3A_22 = arith.muli %add3A, %mul3A_21 : i32
    %add3A_23 = arith.constant 128 : i32
    %add3A_24 = arith.addi %mul3A_22, %add3A_23 : i32
    %dma_start3A_25 = arith.constant 1 : i32
    %dma_start3A_26 = arith.constant 1 : i32
    %dma_start3A_27 = arith.constant 0 : i32
    %dma_start3A_28 = arith.constant 0 : i32
    %dma_start3A_29 = tpu.memref_slice %arg5[%dma_start3A_25, %dma_start3A_27, %dma_start3A_28] : memref<4x100x128xf32, #tpu.memory_space<vmem>> -> memref<1x100x128xf32, #tpu.memory_space<vmem>>
    %dma_start3A_30 = tpu.memref_squeeze %dma_start3A_29 : memref<1x100x128xf32, #tpu.memory_space<vmem>> -> memref<100x128xf32, #tpu.memory_space<vmem>>
    %dma_start3A_31 = arith.constant 0 : i32
    %dma_start3A_32 = tpu.memref_slice %arg2[%dma_start3A_31, %add3A_24] : memref<100x16384xf32, #tpu.memory_space<hbm>> -> memref<100x128xf32, #tpu.memory_space<hbm>>
    %dma_start3A_33 = tpu.memref_slice %arg8[%dma_start3A_26] : memref<4x!tpu.dma_semaphore, #tpu.memory_space<semaphore_mem>> -> memref<1x!tpu.dma_semaphore, #tpu.memory_space<semaphore_mem>>
    %dma_start3A_34 = tpu.memref_squeeze %dma_start3A_33 : memref<1x!tpu.dma_semaphore, #tpu.memory_space<semaphore_mem>> -> memref<!tpu.dma_semaphore, #tpu.memory_space<semaphore_mem>>
    %dma_start3A_35 = arith.constant 0 : i32
    %dma_start3A_36 = arith.constant 0 : i32
    %dma_start3A_37 = tpu.memref_slice %arg5[%dma_start3A_25, %dma_start3A_35, %dma_start3A_36] : memref<4x100x128xf32, #tpu.memory_space<vmem>> -> memref<1x100x128xf32, #tpu.memory_space<vmem>>
    %dma_start3A_38 = tpu.memref_squeeze %dma_start3A_37 : memref<1x100x128xf32, #tpu.memory_space<vmem>> -> memref<100x128xf32, #tpu.memory_space<vmem>>
    %dma_start3A_39 = arith.constant 0 : i32
    %dma_start3A_40 = tpu.memref_slice %arg2[%dma_start3A_39, %add3A_24] : memref<100x16384xf32, #tpu.memory_space<hbm>> -> memref<100x128xf32, #tpu.memory_space<hbm>>
    tpu.enqueue_dma source(%dma_start3A_40 : memref<100x128xf32, #tpu.memory_space<hbm>>) target(%dma_start3A_38 : memref<100x128xf32, #tpu.memory_space<vmem>>) target_semaphore(%dma_start3A_34 : memref<!tpu.dma_semaphore, #tpu.memory_space<semaphore_mem>>)
    %mul3A_41 = arith.constant 512 : i32
    %mul3A_42 = arith.muli %add3A, %mul3A_41 : i32
    %add3A_43 = arith.constant 256 : i32
    %add3A_44 = arith.addi %mul3A_42, %add3A_43 : i32
    %dma_start3A_45 = arith.constant 2 : i32
    %dma_start3A_46 = arith.constant 2 : i32
    %dma_start3A_47 = arith.constant 0 : i32
    %dma_start3A_48 = arith.constant 0 : i32
    %dma_start3A_49 = tpu.memref_slice %arg5[%dma_start3A_45, %dma_start3A_47, %dma_start3A_48] : memref<4x100x128xf32, #tpu.memory_space<vmem>> -> memref<1x100x128xf32, #tpu.memory_space<vmem>>
    %dma_start3A_50 = tpu.memref_squeeze %dma_start3A_49 : memref<1x100x128xf32, #tpu.memory_space<vmem>> -> memref<100x128xf32, #tpu.memory_space<vmem>>
    %dma_start3A_51 = arith.constant 0 : i32
    %dma_start3A_52 = tpu.memref_slice %arg2[%dma_start3A_51, %add3A_44] : memref<100x16384xf32, #tpu.memory_space<hbm>> -> memref<100x128xf32, #tpu.memory_space<hbm>>
    %dma_start3A_53 = tpu.memref_slice %arg8[%dma_start3A_46] : memref<4x!tpu.dma_semaphore, #tpu.memory_space<semaphore_mem>> -> memref<1x!tpu.dma_semaphore, #tpu.memory_space<semaphore_mem>>
    %dma_start3A_54 = tpu.memref_squeeze %dma_start3A_53 : memref<1x!tpu.dma_semaphore, #tpu.memory_space<semaphore_mem>> -> memref<!tpu.dma_semaphore, #tpu.memory_space<semaphore_mem>>
    %dma_start3A_55 = arith.constant 0 : i32
    %dma_start3A_56 = arith.constant 0 : i32
    %dma_start3A_57 = tpu.memref_slice %arg5[%dma_start3A_45, %dma_start3A_55, %dma_start3A_56] : memref<4x100x128xf32, #tpu.memory_space<vmem>> -> memref<1x100x128xf32, #tpu.memory_space<vmem>>
    %dma_start3A_58 = tpu.memref_squeeze %dma_start3A_57 : memref<1x100x128xf32, #tpu.memory_space<vmem>> -> memref<100x128xf32, #tpu.memory_space<vmem>>
    %dma_start3A_59 = arith.constant 0 : i32
    %dma_start3A_60 = tpu.memref_slice %arg2[%dma_start3A_59, %add3A_44] : memref<100x16384xf32, #tpu.memory_space<hbm>> -> memref<100x128xf32, #tpu.memory_space<hbm>>
    tpu.enqueue_dma source(%dma_start3A_60 : memref<100x128xf32, #tpu.memory_space<hbm>>) target(%dma_start3A_58 : memref<100x128xf32, #tpu.memory_space<vmem>>) target_semaphore(%dma_start3A_54 : memref<!tpu.dma_semaphore, #tpu.memory_space<semaphore_mem>>)
    %mul3A_61 = arith.constant 512 : i32
    %mul3A_62 = arith.muli %add3A, %mul3A_61 : i32
    %add3A_63 = arith.constant 384 : i32
    %add3A_64 = arith.addi %mul3A_62, %add3A_63 : i32
    %dma_start3A_65 = arith.constant 3 : i32
    %dma_start3A_66 = arith.constant 3 : i32
    %dma_start3A_67 = arith.constant 0 : i32
    %dma_start3A_68 = arith.constant 0 : i32
    %dma_start3A_69 = tpu.memref_slice %arg5[%dma_start3A_65, %dma_start3A_67, %dma_start3A_68] : memref<4x100x128xf32, #tpu.memory_space<vmem>> -> memref<1x100x128xf32, #tpu.memory_space<vmem>>
    %dma_start3A_70 = tpu.memref_squeeze %dma_start3A_69 : memref<1x100x128xf32, #tpu.memory_space<vmem>> -> memref<100x128xf32, #tpu.memory_space<vmem>>
    %dma_start3A_71 = arith.constant 0 : i32
    %dma_start3A_72 = tpu.memref_slice %arg2[%dma_start3A_71, %add3A_64] : memref<100x16384xf32, #tpu.memory_space<hbm>> -> memref<100x128xf32, #tpu.memory_space<hbm>>
    %dma_start3A_73 = tpu.memref_slice %arg8[%dma_start3A_66] : memref<4x!tpu.dma_semaphore, #tpu.memory_space<semaphore_mem>> -> memref<1x!tpu.dma_semaphore, #tpu.memory_space<semaphore_mem>>
    %dma_start3A_74 = tpu.memref_squeeze %dma_start3A_73 : memref<1x!tpu.dma_semaphore, #tpu.memory_space<semaphore_mem>> -> memref<!tpu.dma_semaphore, #tpu.memory_space<semaphore_mem>>
    %dma_start3A_75 = arith.constant 0 : i32
    %dma_start3A_76 = arith.constant 0 : i32
    %dma_start3A_77 = tpu.memref_slice %arg5[%dma_start3A_65, %dma_start3A_75, %dma_start3A_76] : memref<4x100x128xf32, #tpu.memory_space<vmem>> -> memref<1x100x128xf32, #tpu.memory_space<vmem>>
    %dma_start3A_78 = tpu.memref_squeeze %dma_start3A_77 : memref<1x100x128xf32, #tpu.memory_space<vmem>> -> memref<100x128xf32, #tpu.memory_space<vmem>>
    %dma_start3A_79 = arith.constant 0 : i32
    %dma_start3A_80 = tpu.memref_slice %arg2[%dma_start3A_79, %add3A_64] : memref<100x16384xf32, #tpu.memory_space<hbm>> -> memref<100x128xf32, #tpu.memory_space<hbm>>
    tpu.enqueue_dma source(%dma_start3A_80 : memref<100x128xf32, #tpu.memory_space<hbm>>) target(%dma_start3A_78 : memref<100x128xf32, #tpu.memory_space<vmem>>) target_semaphore(%dma_start3A_74 : memref<!tpu.dma_semaphore, #tpu.memory_space<semaphore_mem>>)
    "tpu.region"() ({
      %run_scoped3A = tpu.sem_alloc : memref<!tpu.dma_semaphore, #tpu.memory_space<semaphore_mem>>
      tpu.enqueue_dma source(%arg3 : memref<16xf32, #tpu.memory_space<hbm>>) target(%arg7 : memref<16xf32, #tpu.memory_space<vmem>>) target_semaphore(%run_scoped3A : memref<!tpu.dma_semaphore, #tpu.memory_space<semaphore_mem>>)
      tpu.wait_dma2 semaphore(%run_scoped3A : memref<!tpu.dma_semaphore, #tpu.memory_space<semaphore_mem>>) src(%arg3 : memref<16xf32, #tpu.memory_space<hbm>>) dst(%arg7 : memref<16xf32, #tpu.memory_space<vmem>>)
      tpu.yield
    }) : () -> ()
    %get3A = arith.constant 0 : index
    %get3A_81 = tpu.vector_load %arg7[%get3A] {strides = array<i32>} : memref<16xf32, #tpu.memory_space<vmem>>, vector<16xf32>,
    %mul3A_82 = arith.constant 512 : i32
    %mul3A_83 = arith.muli %add3A, %mul3A_82 : i32
    %add3A_84 = arith.constant 0 : i32
    %add3A_85 = arith.addi %mul3A_83, %add3A_84 : i32
    %dma_wait3A = arith.constant 0 : i32
    %dma_wait3A_86 = arith.constant 0 : i32
    %dma_wait3A_87 = arith.constant 0 : i32
    %dma_wait3A_88 = arith.constant 0 : i32
    %dma_wait3A_89 = tpu.memref_slice %arg5[%dma_wait3A, %dma_wait3A_87, %dma_wait3A_88] : memref<4x100x128xf32, #tpu.memory_space<vmem>> -> memref<1x100x128xf32, #tpu.memory_space<vmem>>
    %dma_wait3A_90 = tpu.memref_squeeze %dma_wait3A_89 : memref<1x100x128xf32, #tpu.memory_space<vmem>> -> memref<100x128xf32, #tpu.memory_space<vmem>>
    %dma_wait3A_91 = arith.constant 0 : i32
    %dma_wait3A_92 = tpu.memref_slice %arg2[%dma_wait3A_91, %add3A_85] : memref<100x16384xf32, #tpu.memory_space<hbm>> -> memref<100x128xf32, #tpu.memory_space<hbm>>
    %dma_wait3A_93 = tpu.memref_slice %arg8[%dma_wait3A_86] : memref<4x!tpu.dma_semaphore, #tpu.memory_space<semaphore_mem>> -> memref<1x!tpu.dma_semaphore, #tpu.memory_space<semaphore_mem>>
    %dma_wait3A_94 = tpu.memref_squeeze %dma_wait3A_93 : memref<1x!tpu.dma_semaphore, #tpu.memory_space<semaphore_mem>> -> memref<!tpu.dma_semaphore, #tpu.memory_space<semaphore_mem>>
    %dma_wait3A_95 = arith.constant 0 : i32
    %dma_wait3A_96 = arith.constant 0 : i32
    %dma_wait3A_97 = tpu.memref_slice %arg5[%dma_wait3A, %dma_wait3A_95, %dma_wait3A_96] : memref<4x100x128xf32, #tpu.memory_space<vmem>> -> memref<1x100x128xf32, #tpu.memory_space<vmem>>
    %dma_wait3A_98 = tpu.memref_squeeze %dma_wait3A_97 : memref<1x100x128xf32, #tpu.memory_space<vmem>> -> memref<100x128xf32, #tpu.memory_space<vmem>>
    %dma_wait3A_99 = arith.constant 0 : i32
    %dma_wait3A_100 = tpu.memref_slice %arg2[%dma_wait3A_99, %add3A_85] : memref<100x16384xf32, #tpu.memory_space<hbm>> -> memref<100x128xf32, #tpu.memory_space<hbm>>
    tpu.wait_dma2 semaphore(%dma_wait3A_94 : memref<!tpu.dma_semaphore, #tpu.memory_space<semaphore_mem>>) src(%dma_wait3A_100 : memref<100x128xf32, #tpu.memory_space<hbm>>) dst(%dma_wait3A_98 : memref<100x128xf32, #tpu.memory_space<vmem>>)
    %scan3A = arith.constant 0 : i32
    %scan3A_101 = arith.constant 0 : i32
    %scan3A_102 = arith.constant 0 : i32
    %scan3A_103 = arith.constant 0 : i32
    %scan3A_104 = arith.constant 50 : i32
    %scan3A_105 = arith.addi %scan3A_103, %scan3A_104 : i32
    %scan3A_106 = arith.constant 1 : i32
    %scan3A_107 = scf.for %scan3A_1315 = %scan3A_103 to %scan3A_105 step %scan3A_106 iter_args(%scan3A_1316 = %scan3A_102) -> (i32)  : i32 {
      %get3A_1317 = arith.constant 0 : i32
      %get3A_1318 = arith.constant 0 : i32
      %get3A_1319 = tpu.memref_slice %arg5[%scan3A, %get3A_1317, %get3A_1318] : memref<4x100x128xf32, #tpu.memory_space<vmem>> -> memref<1x100x128xf32, #tpu.memory_space<vmem>>
      %get3A_1320 = tpu.memref_squeeze %get3A_1319 : memref<1x100x128xf32, #tpu.memory_space<vmem>> -> memref<100x128xf32, #tpu.memory_space<vmem>>
      %get3A_1321 = arith.index_cast %scan3A_1315 : i32 to index
      %get3A_1322 = arith.constant 0 : index
      %get3A_1323 = tpu.vector_load %get3A_1320[%get3A_1321, %get3A_1322] {strides = array<i32>} : memref<100x128xf32, #tpu.memory_space<vmem>>, vector<16xf32>,
      %swap3A = arith.constant 0 : i32
      %swap3A_1324 = arith.constant 0 : i32
      %swap3A_1325 = tpu.memref_slice %arg6[%scan3A_101, %swap3A, %swap3A_1324] : memref<2x163x128xf32, #tpu.memory_space<vmem>> -> memref<1x163x128xf32, #tpu.memory_space<vmem>>
      %swap3A_1326 = tpu.memref_squeeze %swap3A_1325 : memref<1x163x128xf32, #tpu.memory_space<vmem>> -> memref<163x128xf32, #tpu.memory_space<vmem>>
      %swap3A_1327 = arith.index_cast %scan3A_1315 : i32 to index
      %swap3A_1328 = arith.constant 0 : index
      %swap3A_1329 = tpu.vector_load %swap3A_1326[%swap3A_1327, %swap3A_1328] {strides = array<i32>} : memref<163x128xf32, #tpu.memory_space<vmem>>, vector<16xf32>,
      tpu.vector_store %swap3A_1326[%swap3A_1327, %swap3A_1328], %get3A_1323 {strides = array<i32>} : memref<163x128xf32, #tpu.memory_space<vmem>>, vector<16xf32>,
      %get3A_1330 = arith.constant 0 : i32
      %get3A_1331 = arith.constant 0 : i32
      %get3A_1332 = tpu.memref_slice %arg5[%scan3A, %get3A_1330, %get3A_1331] : memref<4x100x128xf32, #tpu.memory_space<vmem>> -> memref<1x100x128xf32, #tpu.memory_space<vmem>>
      %get3A_1333 = tpu.memref_squeeze %get3A_1332 : memref<1x100x128xf32, #tpu.memory_space<vmem>> -> memref<100x128xf32, #tpu.memory_space<vmem>>
      %get3A_1334 = arith.index_cast %scan3A_1315 : i32 to index
      %get3A_1335 = arith.constant 16 : index
      %get3A_1336 = tpu.vector_load %get3A_1333[%get3A_1334, %get3A_1335] {strides = array<i32>} : memref<100x128xf32, #tpu.memory_space<vmem>>, vector<16xf32>,
      %swap3A_1337 = arith.constant 0 : i32
      %swap3A_1338 = arith.constant 0 : i32
      %swap3A_1339 = tpu.memref_slice %arg6[%scan3A_101, %swap3A_1337, %swap3A_1338] : memref<2x163x128xf32, #tpu.memory_space<vmem>> -> memref<1x163x128xf32, #tpu.memory_space<vmem>>
      %swap3A_1340 = tpu.memref_squeeze %swap3A_1339 : memref<1x163x128xf32, #tpu.memory_space<vmem>> -> memref<163x128xf32, #tpu.memory_space<vmem>>
      %swap3A_1341 = arith.index_cast %scan3A_1315 : i32 to index
      %swap3A_1342 = arith.constant 16 : index
      %swap3A_1343 = tpu.vector_load %swap3A_1340[%swap3A_1341, %swap3A_1342] {strides = array<i32>} : memref<163x128xf32, #tpu.memory_space<vmem>>, vector<16xf32>,
      tpu.vector_store %swap3A_1340[%swap3A_1341, %swap3A_1342], %get3A_1336 {strides = array<i32>} : memref<163x128xf32, #tpu.memory_space<vmem>>, vector<16xf32>,
      %get3A_1344 = arith.constant 0 : i32
      %get3A_1345 = arith.constant 0 : i32
      %get3A_1346 = tpu.memref_slice %arg5[%scan3A, %get3A_1344, %get3A_1345] : memref<4x100x128xf32, #tpu.memory_space<vmem>> -> memref<1x100x128xf32, #tpu.memory_space<vmem>>
      %get3A_1347 = tpu.memref_squeeze %get3A_1346 : memref<1x100x128xf32, #tpu.memory_space<vmem>> -> memref<100x128xf32, #tpu.memory_space<vmem>>
      %get3A_1348 = arith.index_cast %scan3A_1315 : i32 to index
      %get3A_1349 = arith.constant 32 : index
      %get3A_1350 = tpu.vector_load %get3A_1347[%get3A_1348, %get3A_1349] {strides = array<i32>} : memref<100x128xf32, #tpu.memory_space<vmem>>, vector<16xf32>,
      %swap3A_1351 = arith.constant 0 : i32
      %swap3A_1352 = arith.constant 0 : i32
      %swap3A_1353 = tpu.memref_slice %arg6[%scan3A_101, %swap3A_1351, %swap3A_1352] : memref<2x163x128xf32, #tpu.memory_space<vmem>> -> memref<1x163x128xf32, #tpu.memory_space<vmem>>
      %swap3A_1354 = tpu.memref_squeeze %swap3A_1353 : memref<1x163x128xf32, #tpu.memory_space<vmem>> -> memref<163x128xf32, #tpu.memory_space<vmem>>
      %swap3A_1355 = arith.index_cast %scan3A_1315 : i32 to index
      %swap3A_1356 = arith.constant 32 : index
      %swap3A_1357 = tpu.vector_load %swap3A_1354[%swap3A_1355, %swap3A_1356] {strides = array<i32>} : memref<163x128xf32, #tpu.memory_space<vmem>>, vector<16xf32>,
      tpu.vector_store %swap3A_1354[%swap3A_1355, %swap3A_1356], %get3A_1350 {strides = array<i32>} : memref<163x128xf32, #tpu.memory_space<vmem>>, vector<16xf32>,
      %get3A_1358 = arith.constant 0 : i32
      %get3A_1359 = arith.constant 0 : i32
      %get3A_1360 = tpu.memref_slice %arg5[%scan3A, %get3A_1358, %get3A_1359] : memref<4x100x128xf32, #tpu.memory_space<vmem>> -> memref<1x100x128xf32, #tpu.memory_space<vmem>>
      %get3A_1361 = tpu.memref_squeeze %get3A_1360 : memref<1x100x128xf32, #tpu.memory_space<vmem>> -> memref<100x128xf32, #tpu.memory_space<vmem>>
      %get3A_1362 = arith.index_cast %scan3A_1315 : i32 to index
      %get3A_1363 = arith.constant 48 : index
      %get3A_1364 = tpu.vector_load %get3A_1361[%get3A_1362, %get3A_1363] {strides = array<i32>} : memref<100x128xf32, #tpu.memory_space<vmem>>, vector<16xf32>,
      %swap3A_1365 = arith.constant 0 : i32
      %swap3A_1366 = arith.constant 0 : i32
      %swap3A_1367 = tpu.memref_slice %arg6[%scan3A_101, %swap3A_1365, %swap3A_1366] : memref<2x163x128xf32, #tpu.memory_space<vmem>> -> memref<1x163x128xf32, #tpu.memory_space<vmem>>
      %swap3A_1368 = tpu.memref_squeeze %swap3A_1367 : memref<1x163x128xf32, #tpu.memory_space<vmem>> -> memref<163x128xf32, #tpu.memory_space<vmem>>
      %swap3A_1369 = arith.index_cast %scan3A_1315 : i32 to index
      %swap3A_1370 = arith.constant 48 : index
      %swap3A_1371 = tpu.vector_load %swap3A_1368[%swap3A_1369, %swap3A_1370] {strides = array<i32>} : memref<163x128xf32, #tpu.memory_space<vmem>>, vector<16xf32>,
      tpu.vector_store %swap3A_1368[%swap3A_1369, %swap3A_1370], %get3A_1364 {strides = array<i32>} : memref<163x128xf32, #tpu.memory_space<vmem>>, vector<16xf32>,
      %get3A_1372 = arith.constant 0 : i32
      %get3A_1373 = arith.constant 0 : i32
      %get3A_1374 = tpu.memref_slice %arg5[%scan3A, %get3A_1372, %get3A_1373] : memref<4x100x128xf32, #tpu.memory_space<vmem>> -> memref<1x100x128xf32, #tpu.memory_space<vmem>>
      %get3A_1375 = tpu.memref_squeeze %get3A_1374 : memref<1x100x128xf32, #tpu.memory_space<vmem>> -> memref<100x128xf32, #tpu.memory_space<vmem>>
      %get3A_1376 = arith.index_cast %scan3A_1315 : i32 to index
      %get3A_1377 = arith.constant 64 : index
      %get3A_1378 = tpu.vector_load %get3A_1375[%get3A_1376, %get3A_1377] {strides = array<i32>} : memref<100x128xf32, #tpu.memory_space<vmem>>, vector<16xf32>,
      %swap3A_1379 = arith.constant 0 : i32
      %swap3A_1380 = arith.constant 0 : i32
      %swap3A_1381 = tpu.memref_slice %arg6[%scan3A_101, %swap3A_1379, %swap3A_1380] : memref<2x163x128xf32, #tpu.memory_space<vmem>> -> memref<1x163x128xf32, #tpu.memory_space<vmem>>
      %swap3A_1382 = tpu.memref_squeeze %swap3A_1381 : memref<1x163x128xf32, #tpu.memory_space<vmem>> -> memref<163x128xf32, #tpu.memory_space<vmem>>
      %swap3A_1383 = arith.index_cast %scan3A_1315 : i32 to index
      %swap3A_1384 = arith.constant 64 : index
      %swap3A_1385 = tpu.vector_load %swap3A_1382[%swap3A_1383, %swap3A_1384] {strides = array<i32>} : memref<163x128xf32, #tpu.memory_space<vmem>>, vector<16xf32>,
      tpu.vector_store %swap3A_1382[%swap3A_1383, %swap3A_1384], %get3A_1378 {strides = array<i32>} : memref<163x128xf32, #tpu.memory_space<vmem>>, vector<16xf32>,
      %get3A_1386 = arith.constant 0 : i32
      %get3A_1387 = arith.constant 0 : i32
      %get3A_1388 = tpu.memref_slice %arg5[%scan3A, %get3A_1386, %get3A_1387] : memref<4x100x128xf32, #tpu.memory_space<vmem>> -> memref<1x100x128xf32, #tpu.memory_space<vmem>>
      %get3A_1389 = tpu.memref_squeeze %get3A_1388 : memref<1x100x128xf32, #tpu.memory_space<vmem>> -> memref<100x128xf32, #tpu.memory_space<vmem>>
      %get3A_1390 = arith.index_cast %scan3A_1315 : i32 to index
      %get3A_1391 = arith.constant 80 : index
      %get3A_1392 = tpu.vector_load %get3A_1389[%get3A_1390, %get3A_1391] {strides = array<i32>} : memref<100x128xf32, #tpu.memory_space<vmem>>, vector<16xf32>,
      %swap3A_1393 = arith.constant 0 : i32
      %swap3A_1394 = arith.constant 0 : i32
      %swap3A_1395 = tpu.memref_slice %arg6[%scan3A_101, %swap3A_1393, %swap3A_1394] : memref<2x163x128xf32, #tpu.memory_space<vmem>> -> memref<1x163x128xf32, #tpu.memory_space<vmem>>
      %swap3A_1396 = tpu.memref_squeeze %swap3A_1395 : memref<1x163x128xf32, #tpu.memory_space<vmem>> -> memref<163x128xf32, #tpu.memory_space<vmem>>
      %swap3A_1397 = arith.index_cast %scan3A_1315 : i32 to index
      %swap3A_1398 = arith.constant 80 : index
      %swap3A_1399 = tpu.vector_load %swap3A_1396[%swap3A_1397, %swap3A_1398] {strides = array<i32>} : memref<163x128xf32, #tpu.memory_space<vmem>>, vector<16xf32>,
      tpu.vector_store %swap3A_1396[%swap3A_1397, %swap3A_1398], %get3A_1392 {strides = array<i32>} : memref<163x128xf32, #tpu.memory_space<vmem>>, vector<16xf32>,
      %get3A_1400 = arith.constant 0 : i32
      %get3A_1401 = arith.constant 0 : i32
      %get3A_1402 = tpu.memref_slice %arg5[%scan3A, %get3A_1400, %get3A_1401] : memref<4x100x128xf32, #tpu.memory_space<vmem>> -> memref<1x100x128xf32, #tpu.memory_space<vmem>>
      %get3A_1403 = tpu.memref_squeeze %get3A_1402 : memref<1x100x128xf32, #tpu.memory_space<vmem>> -> memref<100x128xf32, #tpu.memory_space<vmem>>
      %get3A_1404 = arith.index_cast %scan3A_1315 : i32 to index
      %get3A_1405 = arith.constant 96 : index
      %get3A_1406 = tpu.vector_load %get3A_1403[%get3A_1404, %get3A_1405] {strides = array<i32>} : memref<100x128xf32, #tpu.memory_space<vmem>>, vector<16xf32>,
      %swap3A_1407 = arith.constant 0 : i32
      %swap3A_1408 = arith.constant 0 : i32
      %swap3A_1409 = tpu.memref_slice %arg6[%scan3A_101, %swap3A_1407, %swap3A_1408] : memref<2x163x128xf32, #tpu.memory_space<vmem>> -> memref<1x163x128xf32, #tpu.memory_space<vmem>>
      %swap3A_1410 = tpu.memref_squeeze %swap3A_1409 : memref<1x163x128xf32, #tpu.memory_space<vmem>> -> memref<163x128xf32, #tpu.memory_space<vmem>>
      %swap3A_1411 = arith.index_cast %scan3A_1315 : i32 to index
      %swap3A_1412 = arith.constant 96 : index
      %swap3A_1413 = tpu.vector_load %swap3A_1410[%swap3A_1411, %swap3A_1412] {strides = array<i32>} : memref<163x128xf32, #tpu.memory_space<vmem>>, vector<16xf32>,
      tpu.vector_store %swap3A_1410[%swap3A_1411, %swap3A_1412], %get3A_1406 {strides = array<i32>} : memref<163x128xf32, #tpu.memory_space<vmem>>, vector<16xf32>,
      %get3A_1414 = arith.constant 0 : i32
      %get3A_1415 = arith.constant 0 : i32
      %get3A_1416 = tpu.memref_slice %arg5[%scan3A, %get3A_1414, %get3A_1415] : memref<4x100x128xf32, #tpu.memory_space<vmem>> -> memref<1x100x128xf32, #tpu.memory_space<vmem>>
      %get3A_1417 = tpu.memref_squeeze %get3A_1416 : memref<1x100x128xf32, #tpu.memory_space<vmem>> -> memref<100x128xf32, #tpu.memory_space<vmem>>
      %get3A_1418 = arith.index_cast %scan3A_1315 : i32 to index
      %get3A_1419 = arith.constant 112 : index
      %get3A_1420 = tpu.vector_load %get3A_1417[%get3A_1418, %get3A_1419] {strides = array<i32>} : memref<100x128xf32, #tpu.memory_space<vmem>>, vector<16xf32>,
      %swap3A_1421 = arith.constant 0 : i32
      %swap3A_1422 = arith.constant 0 : i32
      %swap3A_1423 = tpu.memref_slice %arg6[%scan3A_101, %swap3A_1421, %swap3A_1422] : memref<2x163x128xf32, #tpu.memory_space<vmem>> -> memref<1x163x128xf32, #tpu.memory_space<vmem>>
      %swap3A_1424 = tpu.memref_squeeze %swap3A_1423 : memref<1x163x128xf32, #tpu.memory_space<vmem>> -> memref<163x128xf32, #tpu.memory_space<vmem>>
      %swap3A_1425 = arith.index_cast %scan3A_1315 : i32 to index
      %swap3A_1426 = arith.constant 112 : index
      %swap3A_1427 = tpu.vector_load %swap3A_1424[%swap3A_1425, %swap3A_1426] {strides = array<i32>} : memref<163x128xf32, #tpu.memory_space<vmem>>, vector<16xf32>,
      tpu.vector_store %swap3A_1424[%swap3A_1425, %swap3A_1426], %get3A_1420 {strides = array<i32>} : memref<163x128xf32, #tpu.memory_space<vmem>>, vector<16xf32>,
      %scan3A_1428 = arith.constant 0 : i32
      scf.yield %scan3A_1428 : i32
    }
    %scan3A_108 = arith.constant 50 : i32
    %scan3A_109 = arith.constant 0 : i32
    %scan3A_110 = arith.constant 0 : i32
    %scan3A_111 = arith.constant 0 : i32
    %scan3A_112 = arith.constant 51 : i32
    %scan3A_113 = arith.constant 49 : i32
    %scan3A_114 = arith.addi %scan3A_112, %scan3A_113 : i32
    %scan3A_115 = arith.constant 1 : i32
    %scan3A_116 = scf.for %scan3A_1315 = %scan3A_112 to %scan3A_114 step %scan3A_115 iter_args(%scan3A_1316 = %scan3A_111) -> (i32)  : i32 {
      %get3A_1317 = arith.constant 0 : i32
      %get3A_1318 = arith.constant 0 : i32
      %get3A_1319 = tpu.memref_slice %arg5[%scan3A_109, %get3A_1317, %get3A_1318] : memref<4x100x128xf32, #tpu.memory_space<vmem>> -> memref<1x100x128xf32, #tpu.memory_space<vmem>>
      %get3A_1320 = tpu.memref_squeeze %get3A_1319 : memref<1x100x128xf32, #tpu.memory_space<vmem>> -> memref<100x128xf32, #tpu.memory_space<vmem>>
      %get3A_1321 = arith.index_cast %scan3A_1315 : i32 to index
      %get3A_1322 = arith.constant 0 : index
      %get3A_1323 = tpu.vector_load %get3A_1320[%get3A_1321, %get3A_1322] {strides = array<i32>} : memref<100x128xf32, #tpu.memory_space<vmem>>, vector<16xf32>,
      %add3A_1324 = arith.constant 64 : i32
      %add3A_1325 = arith.addi %scan3A_1315, %add3A_1324 : i32
      %sub3A = arith.constant 1 : i32
      %sub3A_1326 = arith.subi %add3A_1325, %sub3A : i32
      %swap3A = arith.constant 0 : i32
      %swap3A_1327 = arith.constant 0 : i32
      %swap3A_1328 = tpu.memref_slice %arg6[%scan3A_110, %swap3A, %swap3A_1327] : memref<2x163x128xf32, #tpu.memory_space<vmem>> -> memref<1x163x128xf32, #tpu.memory_space<vmem>>
      %swap3A_1329 = tpu.memref_squeeze %swap3A_1328 : memref<1x163x128xf32, #tpu.memory_space<vmem>> -> memref<163x128xf32, #tpu.memory_space<vmem>>
      %swap3A_1330 = arith.index_cast %sub3A_1326 : i32 to index
      %swap3A_1331 = arith.constant 0 : index
      %swap3A_1332 = tpu.vector_load %swap3A_1329[%swap3A_1330, %swap3A_1331] {strides = array<i32>} : memref<163x128xf32, #tpu.memory_space<vmem>>, vector<16xf32>,
      tpu.vector_store %swap3A_1329[%swap3A_1330, %swap3A_1331], %get3A_1323 {strides = array<i32>} : memref<163x128xf32, #tpu.memory_space<vmem>>, vector<16xf32>,
      %get3A_1333 = arith.constant 0 : i32
      %get3A_1334 = arith.constant 0 : i32
      %get3A_1335 = tpu.memref_slice %arg5[%scan3A_109, %get3A_1333, %get3A_1334] : memref<4x100x128xf32, #tpu.memory_space<vmem>> -> memref<1x100x128xf32, #tpu.memory_space<vmem>>
      %get3A_1336 = tpu.memref_squeeze %get3A_1335 : memref<1x100x128xf32, #tpu.memory_space<vmem>> -> memref<100x128xf32, #tpu.memory_space<vmem>>
      %get3A_1337 = arith.index_cast %scan3A_1315 : i32 to index
      %get3A_1338 = arith.constant 16 : index
      %get3A_1339 = tpu.vector_load %get3A_1336[%get3A_1337, %get3A_1338] {strides = array<i32>} : memref<100x128xf32, #tpu.memory_space<vmem>>, vector<16xf32>,
      %add3A_1340 = arith.constant 64 : i32
      %add3A_1341 = arith.addi %scan3A_1315, %add3A_1340 : i32
      %sub3A_1342 = arith.constant 1 : i32
      %sub3A_1343 = arith.subi %add3A_1341, %sub3A_1342 : i32
      %swap3A_1344 = arith.constant 0 : i32
      %swap3A_1345 = arith.constant 0 : i32
      %swap3A_1346 = tpu.memref_slice %arg6[%scan3A_110, %swap3A_1344, %swap3A_1345] : memref<2x163x128xf32, #tpu.memory_space<vmem>> -> memref<1x163x128xf32, #tpu.memory_space<vmem>>
      %swap3A_1347 = tpu.memref_squeeze %swap3A_1346 : memref<1x163x128xf32, #tpu.memory_space<vmem>> -> memref<163x128xf32, #tpu.memory_space<vmem>>
      %swap3A_1348 = arith.index_cast %sub3A_1343 : i32 to index
      %swap3A_1349 = arith.constant 16 : index
      %swap3A_1350 = tpu.vector_load %swap3A_1347[%swap3A_1348, %swap3A_1349] {strides = array<i32>} : memref<163x128xf32, #tpu.memory_space<vmem>>, vector<16xf32>,
      tpu.vector_store %swap3A_1347[%swap3A_1348, %swap3A_1349], %get3A_1339 {strides = array<i32>} : memref<163x128xf32, #tpu.memory_space<vmem>>, vector<16xf32>,
      %get3A_1351 = arith.constant 0 : i32
      %get3A_1352 = arith.constant 0 : i32
      %get3A_1353 = tpu.memref_slice %arg5[%scan3A_109, %get3A_1351, %get3A_1352] : memref<4x100x128xf32, #tpu.memory_space<vmem>> -> memref<1x100x128xf32, #tpu.memory_space<vmem>>
      %get3A_1354 = tpu.memref_squeeze %get3A_1353 : memref<1x100x128xf32, #tpu.memory_space<vmem>> -> memref<100x128xf32, #tpu.memory_space<vmem>>
      %get3A_1355 = arith.index_cast %scan3A_1315 : i32 to index
      %get3A_1356 = arith.constant 32 : index
      %get3A_1357 = tpu.vector_load %get3A_1354[%get3A_1355, %get3A_1356] {strides = array<i32>} : memref<100x128xf32, #tpu.memory_space<vmem>>, vector<16xf32>,
      %add3A_1358 = arith.constant 64 : i32
      %add3A_1359 = arith.addi %scan3A_1315, %add3A_1358 : i32
      %sub3A_1360 = arith.constant 1 : i32
      %sub3A_1361 = arith.subi %add3A_1359, %sub3A_1360 : i32
      %swap3A_1362 = arith.constant 0 : i32
      %swap3A_1363 = arith.constant 0 : i32
      %swap3A_1364 = tpu.memref_slice %arg6[%scan3A_110, %swap3A_1362, %swap3A_1363] : memref<2x163x128xf32, #tpu.memory_space<vmem>> -> memref<1x163x128xf32, #tpu.memory_space<vmem>>
      %swap3A_1365 = tpu.memref_squeeze %swap3A_1364 : memref<1x163x128xf32, #tpu.memory_space<vmem>> -> memref<163x128xf32, #tpu.memory_space<vmem>>
      %swap3A_1366 = arith.index_cast %sub3A_1361 : i32 to index
      %swap3A_1367 = arith.constant 32 : index
      %swap3A_1368 = tpu.vector_load %swap3A_1365[%swap3A_1366, %swap3A_1367] {strides = array<i32>} : memref<163x128xf32, #tpu.memory_space<vmem>>, vector<16xf32>,
      tpu.vector_store %swap3A_1365[%swap3A_1366, %swap3A_1367], %get3A_1357 {strides = array<i32>} : memref<163x128xf32, #tpu.memory_space<vmem>>, vector<16xf32>,
      %get3A_1369 = arith.constant 0 : i32
      %get3A_1370 = arith.constant 0 : i32
      %get3A_1371 = tpu.memref_slice %arg5[%scan3A_109, %get3A_1369, %get3A_1370] : memref<4x100x128xf32, #tpu.memory_space<vmem>> -> memref<1x100x128xf32, #tpu.memory_space<vmem>>
      %get3A_1372 = tpu.memref_squeeze %get3A_1371 : memref<1x100x128xf32, #tpu.memory_space<vmem>> -> memref<100x128xf32, #tpu.memory_space<vmem>>
      %get3A_1373 = arith.index_cast %scan3A_1315 : i32 to index
      %get3A_1374 = arith.constant 48 : index
      %get3A_1375 = tpu.vector_load %get3A_1372[%get3A_1373, %get3A_1374] {strides = array<i32>} : memref<100x128xf32, #tpu.memory_space<vmem>>, vector<16xf32>,
      %add3A_1376 = arith.constant 64 : i32
      %add3A_1377 = arith.addi %scan3A_1315, %add3A_1376 : i32
      %sub3A_1378 = arith.constant 1 : i32
      %sub3A_1379 = arith.subi %add3A_1377, %sub3A_1378 : i32
      %swap3A_1380 = arith.constant 0 : i32
      %swap3A_1381 = arith.constant 0 : i32
      %swap3A_1382 = tpu.memref_slice %arg6[%scan3A_110, %swap3A_1380, %swap3A_1381] : memref<2x163x128xf32, #tpu.memory_space<vmem>> -> memref<1x163x128xf32, #tpu.memory_space<vmem>>
      %swap3A_1383 = tpu.memref_squeeze %swap3A_1382 : memref<1x163x128xf32, #tpu.memory_space<vmem>> -> memref<163x128xf32, #tpu.memory_space<vmem>>
      %swap3A_1384 = arith.index_cast %sub3A_1379 : i32 to index
      %swap3A_1385 = arith.constant 48 : index
      %swap3A_1386 = tpu.vector_load %swap3A_1383[%swap3A_1384, %swap3A_1385] {strides = array<i32>} : memref<163x128xf32, #tpu.memory_space<vmem>>, vector<16xf32>,
      tpu.vector_store %swap3A_1383[%swap3A_1384, %swap3A_1385], %get3A_1375 {strides = array<i32>} : memref<163x128xf32, #tpu.memory_space<vmem>>, vector<16xf32>,
      %get3A_1387 = arith.constant 0 : i32
      %get3A_1388 = arith.constant 0 : i32
      %get3A_1389 = tpu.memref_slice %arg5[%scan3A_109, %get3A_1387, %get3A_1388] : memref<4x100x128xf32, #tpu.memory_space<vmem>> -> memref<1x100x128xf32, #tpu.memory_space<vmem>>
      %get3A_1390 = tpu.memref_squeeze %get3A_1389 : memref<1x100x128xf32, #tpu.memory_space<vmem>> -> memref<100x128xf32, #tpu.memory_space<vmem>>
      %get3A_1391 = arith.index_cast %scan3A_1315 : i32 to index
      %get3A_1392 = arith.constant 64 : index
      %get3A_1393 = tpu.vector_load %get3A_1390[%get3A_1391, %get3A_1392] {strides = array<i32>} : memref<100x128xf32, #tpu.memory_space<vmem>>, vector<16xf32>,
      %add3A_1394 = arith.constant 64 : i32
      %add3A_1395 = arith.addi %scan3A_1315, %add3A_1394 : i32
      %sub3A_1396 = arith.constant 1 : i32
      %sub3A_1397 = arith.subi %add3A_1395, %sub3A_1396 : i32
      %swap3A_1398 = arith.constant 0 : i32
      %swap3A_1399 = arith.constant 0 : i32
      %swap3A_1400 = tpu.memref_slice %arg6[%scan3A_110, %swap3A_1398, %swap3A_1399] : memref<2x163x128xf32, #tpu.memory_space<vmem>> -> memref<1x163x128xf32, #tpu.memory_space<vmem>>
      %swap3A_1401 = tpu.memref_squeeze %swap3A_1400 : memref<1x163x128xf32, #tpu.memory_space<vmem>> -> memref<163x128xf32, #tpu.memory_space<vmem>>
      %swap3A_1402 = arith.index_cast %sub3A_1397 : i32 to index
      %swap3A_1403 = arith.constant 64 : index
      %swap3A_1404 = tpu.vector_load %swap3A_1401[%swap3A_1402, %swap3A_1403] {strides = array<i32>} : memref<163x128xf32, #tpu.memory_space<vmem>>, vector<16xf32>,
      tpu.vector_store %swap3A_1401[%swap3A_1402, %swap3A_1403], %get3A_1393 {strides = array<i32>} : memref<163x128xf32, #tpu.memory_space<vmem>>, vector<16xf32>,
      %get3A_1405 = arith.constant 0 : i32
      %get3A_1406 = arith.constant 0 : i32
      %get3A_1407 = tpu.memref_slice %arg5[%scan3A_109, %get3A_1405, %get3A_1406] : memref<4x100x128xf32, #tpu.memory_space<vmem>> -> memref<1x100x128xf32, #tpu.memory_space<vmem>>
      %get3A_1408 = tpu.memref_squeeze %get3A_1407 : memref<1x100x128xf32, #tpu.memory_space<vmem>> -> memref<100x128xf32, #tpu.memory_space<vmem>>
      %get3A_1409 = arith.index_cast %scan3A_1315 : i32 to index
      %get3A_1410 = arith.constant 80 : index
      %get3A_1411 = tpu.vector_load %get3A_1408[%get3A_1409, %get3A_1410] {strides = array<i32>} : memref<100x128xf32, #tpu.memory_space<vmem>>, vector<16xf32>,
      %add3A_1412 = arith.constant 64 : i32
      %add3A_1413 = arith.addi %scan3A_1315, %add3A_1412 : i32
      %sub3A_1414 = arith.constant 1 : i32
      %sub3A_1415 = arith.subi %add3A_1413, %sub3A_1414 : i32
      %swap3A_1416 = arith.constant 0 : i32
      %swap3A_1417 = arith.constant 0 : i32
      %swap3A_1418 = tpu.memref_slice %arg6[%scan3A_110, %swap3A_1416, %swap3A_1417] : memref<2x163x128xf32, #tpu.memory_space<vmem>> -> memref<1x163x128xf32, #tpu.memory_space<vmem>>
      %swap3A_1419 = tpu.memref_squeeze %swap3A_1418 : memref<1x163x128xf32, #tpu.memory_space<vmem>> -> memref<163x128xf32, #tpu.memory_space<vmem>>
      %swap3A_1420 = arith.index_cast %sub3A_1415 : i32 to index
      %swap3A_1421 = arith.constant 80 : index
      %swap3A_1422 = tpu.vector_load %swap3A_1419[%swap3A_1420, %swap3A_1421] {strides = array<i32>} : memref<163x128xf32, #tpu.memory_space<vmem>>, vector<16xf32>,
      tpu.vector_store %swap3A_1419[%swap3A_1420, %swap3A_1421], %get3A_1411 {strides = array<i32>} : memref<163x128xf32, #tpu.memory_space<vmem>>, vector<16xf32>,
      %get3A_1423 = arith.constant 0 : i32
      %get3A_1424 = arith.constant 0 : i32
      %get3A_1425 = tpu.memref_slice %arg5[%scan3A_109, %get3A_1423, %get3A_1424] : memref<4x100x128xf32, #tpu.memory_space<vmem>> -> memref<1x100x128xf32, #tpu.memory_space<vmem>>
      %get3A_1426 = tpu.memref_squeeze %get3A_1425 : memref<1x100x128xf32, #tpu.memory_space<vmem>> -> memref<100x128xf32, #tpu.memory_space<vmem>>
      %get3A_1427 = arith.index_cast %scan3A_1315 : i32 to index
      %get3A_1428 = arith.constant 96 : index
      %get3A_1429 = tpu.vector_load %get3A_1426[%get3A_1427, %get3A_1428] {strides = array<i32>} : memref<100x128xf32, #tpu.memory_space<vmem>>, vector<16xf32>,
      %add3A_1430 = arith.constant 64 : i32
      %add3A_1431 = arith.addi %scan3A_1315, %add3A_1430 : i32
      %sub3A_1432 = arith.constant 1 : i32
      %sub3A_1433 = arith.subi %add3A_1431, %sub3A_1432 : i32
      %swap3A_1434 = arith.constant 0 : i32
      %swap3A_1435 = arith.constant 0 : i32
      %swap3A_1436 = tpu.memref_slice %arg6[%scan3A_110, %swap3A_1434, %swap3A_1435] : memref<2x163x128xf32, #tpu.memory_space<vmem>> -> memref<1x163x128xf32, #tpu.memory_space<vmem>>
      %swap3A_1437 = tpu.memref_squeeze %swap3A_1436 : memref<1x163x128xf32, #tpu.memory_space<vmem>> -> memref<163x128xf32, #tpu.memory_space<vmem>>
      %swap3A_1438 = arith.index_cast %sub3A_1433 : i32 to index
      %swap3A_1439 = arith.constant 96 : index
      %swap3A_1440 = tpu.vector_load %swap3A_1437[%swap3A_1438, %swap3A_1439] {strides = array<i32>} : memref<163x128xf32, #tpu.memory_space<vmem>>, vector<16xf32>,
      tpu.vector_store %swap3A_1437[%swap3A_1438, %swap3A_1439], %get3A_1429 {strides = array<i32>} : memref<163x128xf32, #tpu.memory_space<vmem>>, vector<16xf32>,
      %get3A_1441 = arith.constant 0 : i32
      %get3A_1442 = arith.constant 0 : i32
      %get3A_1443 = tpu.memref_slice %arg5[%scan3A_109, %get3A_1441, %get3A_1442] : memref<4x100x128xf32, #tpu.memory_space<vmem>> -> memref<1x100x128xf32, #tpu.memory_space<vmem>>
      %get3A_1444 = tpu.memref_squeeze %get3A_1443 : memref<1x100x128xf32, #tpu.memory_space<vmem>> -> memref<100x128xf32, #tpu.memory_space<vmem>>
      %get3A_1445 = arith.index_cast %scan3A_1315 : i32 to index
      %get3A_1446 = arith.constant 112 : index
      %get3A_1447 = tpu.vector_load %get3A_1444[%get3A_1445, %get3A_1446] {strides = array<i32>} : memref<100x128xf32, #tpu.memory_space<vmem>>, vector<16xf32>,
      %add3A_1448 = arith.constant 64 : i32
      %add3A_1449 = arith.addi %scan3A_1315, %add3A_1448 : i32
      %sub3A_1450 = arith.constant 1 : i32
      %sub3A_1451 = arith.subi %add3A_1449, %sub3A_1450 : i32
      %swap3A_1452 = arith.constant 0 : i32
      %swap3A_1453 = arith.constant 0 : i32
      %swap3A_1454 = tpu.memref_slice %arg6[%scan3A_110, %swap3A_1452, %swap3A_1453] : memref<2x163x128xf32, #tpu.memory_space<vmem>> -> memref<1x163x128xf32, #tpu.memory_space<vmem>>
      %swap3A_1455 = tpu.memref_squeeze %swap3A_1454 : memref<1x163x128xf32, #tpu.memory_space<vmem>> -> memref<163x128xf32, #tpu.memory_space<vmem>>
      %swap3A_1456 = arith.index_cast %sub3A_1451 : i32 to index
      %swap3A_1457 = arith.constant 112 : index
      %swap3A_1458 = tpu.vector_load %swap3A_1455[%swap3A_1456, %swap3A_1457] {strides = array<i32>} : memref<163x128xf32, #tpu.memory_space<vmem>>, vector<16xf32>,
      tpu.vector_store %swap3A_1455[%swap3A_1456, %swap3A_1457], %get3A_1447 {strides = array<i32>} : memref<163x128xf32, #tpu.memory_space<vmem>>, vector<16xf32>,
      %scan3A_1459 = arith.constant 0 : i32
      scf.yield %scan3A_1459 : i32
    }
    %scan3A_117 = arith.constant 49 : i32
    %scan3A_118 = arith.constant 0 : i32
    %scan3A_119 = arith.constant 0 : i32
    %scan3A_120 = arith.constant 50 : i32
    %scan3A_121 = arith.constant 64 : i32
    %scan3A_122 = arith.addi %scan3A_120, %scan3A_121 : i32
    %scan3A_123 = arith.constant 1 : i32
    %scan3A_124 = scf.for %scan3A_1315 = %scan3A_120 to %scan3A_122 step %scan3A_123 iter_args(%scan3A_1316 = %scan3A_119) -> (i32)  : i32 {
      %swap3A = arith.constant 0 : i32
      %swap3A_1317 = arith.constant 0 : i32
      %swap3A_1318 = tpu.memref_slice %arg6[%scan3A_118, %swap3A, %swap3A_1317] : memref<2x163x128xf32, #tpu.memory_space<vmem>> -> memref<1x163x128xf32, #tpu.memory_space<vmem>>
      %swap3A_1319 = tpu.memref_squeeze %swap3A_1318 : memref<1x163x128xf32, #tpu.memory_space<vmem>> -> memref<163x128xf32, #tpu.memory_space<vmem>>
      %swap3A_1320 = arith.index_cast %scan3A_1315 : i32 to index
      %swap3A_1321 = arith.constant 0 : index
      %swap3A_1322 = tpu.vector_load %swap3A_1319[%swap3A_1320, %swap3A_1321] {strides = array<i32>} : memref<163x128xf32, #tpu.memory_space<vmem>>, vector<16xf32>,
      tpu.vector_store %swap3A_1319[%swap3A_1320, %swap3A_1321], %broadcast_in_dim3A_1 {strides = array<i32>} : memref<163x128xf32, #tpu.memory_space<vmem>>, vector<16xf32>,
      %swap3A_1323 = arith.constant 0 : i32
      %swap3A_1324 = arith.constant 0 : i32
      %swap3A_1325 = tpu.memref_slice %arg6[%scan3A_118, %swap3A_1323, %swap3A_1324] : memref<2x163x128xf32, #tpu.memory_space<vmem>> -> memref<1x163x128xf32, #tpu.memory_space<vmem>>
      %swap3A_1326 = tpu.memref_squeeze %swap3A_1325 : memref<1x163x128xf32, #tpu.memory_space<vmem>> -> memref<163x128xf32, #tpu.memory_space<vmem>>
      %swap3A_1327 = arith.index_cast %scan3A_1315 : i32 to index
      %swap3A_1328 = arith.constant 16 : index
      %swap3A_1329 = tpu.vector_load %swap3A_1326[%swap3A_1327, %swap3A_1328] {strides = array<i32>} : memref<163x128xf32, #tpu.memory_space<vmem>>, vector<16xf32>,
      tpu.vector_store %swap3A_1326[%swap3A_1327, %swap3A_1328], %broadcast_in_dim3A_1 {strides = array<i32>} : memref<163x128xf32, #tpu.memory_space<vmem>>, vector<16xf32>,
      %swap3A_1330 = arith.constant 0 : i32
      %swap3A_1331 = arith.constant 0 : i32
      %swap3A_1332 = tpu.memref_slice %arg6[%scan3A_118, %swap3A_1330, %swap3A_1331] : memref<2x163x128xf32, #tpu.memory_space<vmem>> -> memref<1x163x128xf32, #tpu.memory_space<vmem>>
      %swap3A_1333 = tpu.memref_squeeze %swap3A_1332 : memref<1x163x128xf32, #tpu.memory_space<vmem>> -> memref<163x128xf32, #tpu.memory_space<vmem>>
      %swap3A_1334 = arith.index_cast %scan3A_1315 : i32 to index
      %swap3A_1335 = arith.constant 32 : index
      %swap3A_1336 = tpu.vector_load %swap3A_1333[%swap3A_1334, %swap3A_1335] {strides = array<i32>} : memref<163x128xf32, #tpu.memory_space<vmem>>, vector<16xf32>,
      tpu.vector_store %swap3A_1333[%swap3A_1334, %swap3A_1335], %broadcast_in_dim3A_1 {strides = array<i32>} : memref<163x128xf32, #tpu.memory_space<vmem>>, vector<16xf32>,
      %swap3A_1337 = arith.constant 0 : i32
      %swap3A_1338 = arith.constant 0 : i32
      %swap3A_1339 = tpu.memref_slice %arg6[%scan3A_118, %swap3A_1337, %swap3A_1338] : memref<2x163x128xf32, #tpu.memory_space<vmem>> -> memref<1x163x128xf32, #tpu.memory_space<vmem>>
      %swap3A_1340 = tpu.memref_squeeze %swap3A_1339 : memref<1x163x128xf32, #tpu.memory_space<vmem>> -> memref<163x128xf32, #tpu.memory_space<vmem>>
      %swap3A_1341 = arith.index_cast %scan3A_1315 : i32 to index
      %swap3A_1342 = arith.constant 48 : index
      %swap3A_1343 = tpu.vector_load %swap3A_1340[%swap3A_1341, %swap3A_1342] {strides = array<i32>} : memref<163x128xf32, #tpu.memory_space<vmem>>, vector<16xf32>,
      tpu.vector_store %swap3A_1340[%swap3A_1341, %swap3A_1342], %broadcast_in_dim3A_1 {strides = array<i32>} : memref<163x128xf32, #tpu.memory_space<vmem>>, vector<16xf32>,
      %swap3A_1344 = arith.constant 0 : i32
      %swap3A_1345 = arith.constant 0 : i32
      %swap3A_1346 = tpu.memref_slice %arg6[%scan3A_118, %swap3A_1344, %swap3A_1345] : memref<2x163x128xf32, #tpu.memory_space<vmem>> -> memref<1x163x128xf32, #tpu.memory_space<vmem>>
      %swap3A_1347 = tpu.memref_squeeze %swap3A_1346 : memref<1x163x128xf32, #tpu.memory_space<vmem>> -> memref<163x128xf32, #tpu.memory_space<vmem>>
      %swap3A_1348 = arith.index_cast %scan3A_1315 : i32 to index
      %swap3A_1349 = arith.constant 64 : index
      %swap3A_1350 = tpu.vector_load %swap3A_1347[%swap3A_1348, %swap3A_1349] {strides = array<i32>} : memref<163x128xf32, #tpu.memory_space<vmem>>, vector<16xf32>,
      tpu.vector_store %swap3A_1347[%swap3A_1348, %swap3A_1349], %broadcast_in_dim3A_1 {strides = array<i32>} : memref<163x128xf32, #tpu.memory_space<vmem>>, vector<16xf32>,
      %swap3A_1351 = arith.constant 0 : i32
      %swap3A_1352 = arith.constant 0 : i32
      %swap3A_1353 = tpu.memref_slice %arg6[%scan3A_118, %swap3A_1351, %swap3A_1352] : memref<2x163x128xf32, #tpu.memory_space<vmem>> -> memref<1x163x128xf32, #tpu.memory_space<vmem>>
      %swap3A_1354 = tpu.memref_squeeze %swap3A_1353 : memref<1x163x128xf32, #tpu.memory_space<vmem>> -> memref<163x128xf32, #tpu.memory_space<vmem>>
      %swap3A_1355 = arith.index_cast %scan3A_1315 : i32 to index
      %swap3A_1356 = arith.constant 80 : index
      %swap3A_1357 = tpu.vector_load %swap3A_1354[%swap3A_1355, %swap3A_1356] {strides = array<i32>} : memref<163x128xf32, #tpu.memory_space<vmem>>, vector<16xf32>,
      tpu.vector_store %swap3A_1354[%swap3A_1355, %swap3A_1356], %broadcast_in_dim3A_1 {strides = array<i32>} : memref<163x128xf32, #tpu.memory_space<vmem>>, vector<16xf32>,
      %swap3A_1358 = arith.constant 0 : i32
      %swap3A_1359 = arith.constant 0 : i32
      %swap3A_1360 = tpu.memref_slice %arg6[%scan3A_118, %swap3A_1358, %swap3A_1359] : memref<2x163x128xf32, #tpu.memory_space<vmem>> -> memref<1x163x128xf32, #tpu.memory_space<vmem>>
      %swap3A_1361 = tpu.memref_squeeze %swap3A_1360 : memref<1x163x128xf32, #tpu.memory_space<vmem>> -> memref<163x128xf32, #tpu.memory_space<vmem>>
      %swap3A_1362 = arith.index_cast %scan3A_1315 : i32 to index
      %swap3A_1363 = arith.constant 96 : index
      %swap3A_1364 = tpu.vector_load %swap3A_1361[%swap3A_1362, %swap3A_1363] {strides = array<i32>} : memref<163x128xf32, #tpu.memory_space<vmem>>, vector<16xf32>,
      tpu.vector_store %swap3A_1361[%swap3A_1362, %swap3A_1363], %broadcast_in_dim3A_1 {strides = array<i32>} : memref<163x128xf32, #tpu.memory_space<vmem>>, vector<16xf32>,
      %swap3A_1365 = arith.constant 0 : i32
      %swap3A_1366 = arith.constant 0 : i32
      %swap3A_1367 = tpu.memref_slice %arg6[%scan3A_118, %swap3A_1365, %swap3A_1366] : memref<2x163x128xf32, #tpu.memory_space<vmem>> -> memref<1x163x128xf32, #tpu.memory_space<vmem>>
      %swap3A_1368 = tpu.memref_squeeze %swap3A_1367 : memref<1x163x128xf32, #tpu.memory_space<vmem>> -> memref<163x128xf32, #tpu.memory_space<vmem>>
      %swap3A_1369 = arith.index_cast %scan3A_1315 : i32 to index
      %swap3A_1370 = arith.constant 112 : index
      %swap3A_1371 = tpu.vector_load %swap3A_1368[%swap3A_1369, %swap3A_1370] {strides = array<i32>} : memref<163x128xf32, #tpu.memory_space<vmem>>, vector<16xf32>,
      tpu.vector_store %swap3A_1368[%swap3A_1369, %swap3A_1370], %broadcast_in_dim3A_1 {strides = array<i32>} : memref<163x128xf32, #tpu.memory_space<vmem>>, vector<16xf32>,
      %scan3A_1372 = arith.constant 0 : i32
      scf.yield %scan3A_1372 : i32
    }
    %scan3A_125 = arith.constant 64 : i32
    %add3A_126 = arith.constant 0 : i32
    %add3A_127 = vector.broadcast %add3A_126 : i32 to vector<16xi32>
    %add3A_128 = arith.addi %iota3A, %add3A_127 : vector<16xi32>
    %get3A_129 = arith.constant 0 : i32
    %get3A_130 = arith.constant 50 : i32
    %get3A_131 = arith.constant 0 : i32
    %get3A_132 = arith.constant 0 : i32
    %get3A_133 = tpu.memref_slice %arg5[%get3A_129, %get3A_131, %get3A_132] : memref<4x100x128xf32, #tpu.memory_space<vmem>> -> memref<1x100x128xf32, #tpu.memory_space<vmem>>
    %get3A_134 = tpu.memref_squeeze %get3A_133 : memref<1x100x128xf32, #tpu.memory_space<vmem>> -> memref<100x128xf32, #tpu.memory_space<vmem>>
    %get3A_135 = arith.index_cast %get3A_130 : i32 to index
    %get3A_136 = arith.constant 0 : index
    %get3A_137 = tpu.vector_load %get3A_134[%get3A_135, %get3A_136] {strides = array<i32>} : memref<100x128xf32, #tpu.memory_space<vmem>>, vector<16xf32>,
    %convert_element_type3A = arith.fptosi %get3A_137 : vector<16xf32> to vector<16xi32>
    %ge3A = arith.constant 0 : i32
    %ge3A_138 = vector.broadcast %ge3A : i32 to vector<16xi32>
    %ge3A_139 = arith.cmpi sge, %convert_element_type3A, %ge3A_138 : vector<16xi32>
    %lt3A = arith.constant 64 : i32
    %lt3A_140 = vector.broadcast %lt3A : i32 to vector<16xi32>
    %lt3A_141 = arith.cmpi slt, %convert_element_type3A, %lt3A_140 : vector<16xi32>
    %and3A = arith.andi %ge3A_139, %lt3A_141 : vector<16xi1>
    %add3A_142 = arith.constant 50 : i32
    %add3A_143 = vector.broadcast %add3A_142 : i32 to vector<16xi32>
    %add3A_144 = arith.addi %convert_element_type3A, %add3A_143 : vector<16xi32>
    %scatter3A = arith.constant 0 : i32
    %scatter3A_145 = arith.constant 0 : i32
    %scatter3A_146 = arith.constant 0 : i32
    %scatter3A_147 = tpu.memref_slice %arg6[%scatter3A, %scatter3A_145, %scatter3A_146] : memref<2x163x128xf32, #tpu.memory_space<vmem>> -> memref<1x163x128xf32, #tpu.memory_space<vmem>>
    %scatter3A_148 = tpu.memref_squeeze %scatter3A_147 : memref<1x163x128xf32, #tpu.memory_space<vmem>> -> memref<163x128xf32, #tpu.memory_space<vmem>>
    tpu.vector_store_idx %scatter3A_148[%add3A_144, %add3A_128], %get3A_81 masked %and3A : memref<163x128xf32, #tpu.memory_space<vmem>>[vector<16xi32>, vector<16xi32>], vector<16xf32>, vector<16xi1>
    %add3A_149 = arith.constant 16 : i32
    %add3A_150 = vector.broadcast %add3A_149 : i32 to vector<16xi32>
    %add3A_151 = arith.addi %iota3A, %add3A_150 : vector<16xi32>
    %get3A_152 = arith.constant 0 : i32
    %get3A_153 = arith.constant 50 : i32
    %get3A_154 = arith.constant 0 : i32
    %get3A_155 = arith.constant 0 : i32
    %get3A_156 = tpu.memref_slice %arg5[%get3A_152, %get3A_154, %get3A_155] : memref<4x100x128xf32, #tpu.memory_space<vmem>> -> memref<1x100x128xf32, #tpu.memory_space<vmem>>
    %get3A_157 = tpu.memref_squeeze %get3A_156 : memref<1x100x128xf32, #tpu.memory_space<vmem>> -> memref<100x128xf32, #tpu.memory_space<vmem>>
    %get3A_158 = arith.index_cast %get3A_153 : i32 to index
    %get3A_159 = arith.constant 16 : index
    %get3A_160 = tpu.vector_load %get3A_157[%get3A_158, %get3A_159] {strides = array<i32>} : memref<100x128xf32, #tpu.memory_space<vmem>>, vector<16xf32>,
    %convert_element_type3A_161 = arith.fptosi %get3A_160 : vector<16xf32> to vector<16xi32>
    %ge3A_162 = arith.constant 0 : i32
    %ge3A_163 = vector.broadcast %ge3A_162 : i32 to vector<16xi32>
    %ge3A_164 = arith.cmpi sge, %convert_element_type3A_161, %ge3A_163 : vector<16xi32>
    %lt3A_165 = arith.constant 64 : i32
    %lt3A_166 = vector.broadcast %lt3A_165 : i32 to vector<16xi32>
    %lt3A_167 = arith.cmpi slt, %convert_element_type3A_161, %lt3A_166 : vector<16xi32>
    %and3A_168 = arith.andi %ge3A_164, %lt3A_167 : vector<16xi1>
    %add3A_169 = arith.constant 50 : i32
    %add3A_170 = vector.broadcast %add3A_169 : i32 to vector<16xi32>
    %add3A_171 = arith.addi %convert_element_type3A_161, %add3A_170 : vector<16xi32>
    %scatter3A_172 = arith.constant 0 : i32
    %scatter3A_173 = arith.constant 0 : i32
    %scatter3A_174 = arith.constant 0 : i32
    %scatter3A_175 = tpu.memref_slice %arg6[%scatter3A_172, %scatter3A_173, %scatter3A_174] : memref<2x163x128xf32, #tpu.memory_space<vmem>> -> memref<1x163x128xf32, #tpu.memory_space<vmem>>
    %scatter3A_176 = tpu.memref_squeeze %scatter3A_175 : memref<1x163x128xf32, #tpu.memory_space<vmem>> -> memref<163x128xf32, #tpu.memory_space<vmem>>
    tpu.vector_store_idx %scatter3A_176[%add3A_171, %add3A_151], %get3A_81 masked %and3A_168 : memref<163x128xf32, #tpu.memory_space<vmem>>[vector<16xi32>, vector<16xi32>], vector<16xf32>, vector<16xi1>
    %add3A_177 = arith.constant 32 : i32
    %add3A_178 = vector.broadcast %add3A_177 : i32 to vector<16xi32>
    %add3A_179 = arith.addi %iota3A, %add3A_178 : vector<16xi32>
    %get3A_180 = arith.constant 0 : i32
    %get3A_181 = arith.constant 50 : i32
    %get3A_182 = arith.constant 0 : i32
    %get3A_183 = arith.constant 0 : i32
    %get3A_184 = tpu.memref_slice %arg5[%get3A_180, %get3A_182, %get3A_183] : memref<4x100x128xf32, #tpu.memory_space<vmem>> -> memref<1x100x128xf32, #tpu.memory_space<vmem>>
    %get3A_185 = tpu.memref_squeeze %get3A_184 : memref<1x100x128xf32, #tpu.memory_space<vmem>> -> memref<100x128xf32, #tpu.memory_space<vmem>>
    %get3A_186 = arith.index_cast %get3A_181 : i32 to index
    %get3A_187 = arith.constant 32 : index
    %get3A_188 = tpu.vector_load %get3A_185[%get3A_186, %get3A_187] {strides = array<i32>} : memref<100x128xf32, #tpu.memory_space<vmem>>, vector<16xf32>,
    %convert_element_type3A_189 = arith.fptosi %get3A_188 : vector<16xf32> to vector<16xi32>
    %ge3A_190 = arith.constant 0 : i32
    %ge3A_191 = vector.broadcast %ge3A_190 : i32 to vector<16xi32>
    %ge3A_192 = arith.cmpi sge, %convert_element_type3A_189, %ge3A_191 : vector<16xi32>
    %lt3A_193 = arith.constant 64 : i32
    %lt3A_194 = vector.broadcast %lt3A_193 : i32 to vector<16xi32>
    %lt3A_195 = arith.cmpi slt, %convert_element_type3A_189, %lt3A_194 : vector<16xi32>
    %and3A_196 = arith.andi %ge3A_192, %lt3A_195 : vector<16xi1>
    %add3A_197 = arith.constant 50 : i32
    %add3A_198 = vector.broadcast %add3A_197 : i32 to vector<16xi32>
    %add3A_199 = arith.addi %convert_element_type3A_189, %add3A_198 : vector<16xi32>
    %scatter3A_200 = arith.constant 0 : i32
    %scatter3A_201 = arith.constant 0 : i32
    %scatter3A_202 = arith.constant 0 : i32
    %scatter3A_203 = tpu.memref_slice %arg6[%scatter3A_200, %scatter3A_201, %scatter3A_202] : memref<2x163x128xf32, #tpu.memory_space<vmem>> -> memref<1x163x128xf32, #tpu.memory_space<vmem>>
    %scatter3A_204 = tpu.memref_squeeze %scatter3A_203 : memref<1x163x128xf32, #tpu.memory_space<vmem>> -> memref<163x128xf32, #tpu.memory_space<vmem>>
    tpu.vector_store_idx %scatter3A_204[%add3A_199, %add3A_179], %get3A_81 masked %and3A_196 : memref<163x128xf32, #tpu.memory_space<vmem>>[vector<16xi32>, vector<16xi32>], vector<16xf32>, vector<16xi1>
    %add3A_205 = arith.constant 48 : i32
    %add3A_206 = vector.broadcast %add3A_205 : i32 to vector<16xi32>
    %add3A_207 = arith.addi %iota3A, %add3A_206 : vector<16xi32>
    %get3A_208 = arith.constant 0 : i32
    %get3A_209 = arith.constant 50 : i32
    %get3A_210 = arith.constant 0 : i32
    %get3A_211 = arith.constant 0 : i32
    %get3A_212 = tpu.memref_slice %arg5[%get3A_208, %get3A_210, %get3A_211] : memref<4x100x128xf32, #tpu.memory_space<vmem>> -> memref<1x100x128xf32, #tpu.memory_space<vmem>>
    %get3A_213 = tpu.memref_squeeze %get3A_212 : memref<1x100x128xf32, #tpu.memory_space<vmem>> -> memref<100x128xf32, #tpu.memory_space<vmem>>
    %get3A_214 = arith.index_cast %get3A_209 : i32 to index
    %get3A_215 = arith.constant 48 : index
    %get3A_216 = tpu.vector_load %get3A_213[%get3A_214, %get3A_215] {strides = array<i32>} : memref<100x128xf32, #tpu.memory_space<vmem>>, vector<16xf32>,
    %convert_element_type3A_217 = arith.fptosi %get3A_216 : vector<16xf32> to vector<16xi32>
    %ge3A_218 = arith.constant 0 : i32
    %ge3A_219 = vector.broadcast %ge3A_218 : i32 to vector<16xi32>
    %ge3A_220 = arith.cmpi sge, %convert_element_type3A_217, %ge3A_219 : vector<16xi32>
    %lt3A_221 = arith.constant 64 : i32
    %lt3A_222 = vector.broadcast %lt3A_221 : i32 to vector<16xi32>
    %lt3A_223 = arith.cmpi slt, %convert_element_type3A_217, %lt3A_222 : vector<16xi32>
    %and3A_224 = arith.andi %ge3A_220, %lt3A_223 : vector<16xi1>
    %add3A_225 = arith.constant 50 : i32
    %add3A_226 = vector.broadcast %add3A_225 : i32 to vector<16xi32>
    %add3A_227 = arith.addi %convert_element_type3A_217, %add3A_226 : vector<16xi32>
    %scatter3A_228 = arith.constant 0 : i32
    %scatter3A_229 = arith.constant 0 : i32
    %scatter3A_230 = arith.constant 0 : i32
    %scatter3A_231 = tpu.memref_slice %arg6[%scatter3A_228, %scatter3A_229, %scatter3A_230] : memref<2x163x128xf32, #tpu.memory_space<vmem>> -> memref<1x163x128xf32, #tpu.memory_space<vmem>>
    %scatter3A_232 = tpu.memref_squeeze %scatter3A_231 : memref<1x163x128xf32, #tpu.memory_space<vmem>> -> memref<163x128xf32, #tpu.memory_space<vmem>>
    tpu.vector_store_idx %scatter3A_232[%add3A_227, %add3A_207], %get3A_81 masked %and3A_224 : memref<163x128xf32, #tpu.memory_space<vmem>>[vector<16xi32>, vector<16xi32>], vector<16xf32>, vector<16xi1>
    %add3A_233 = arith.constant 64 : i32
    %add3A_234 = vector.broadcast %add3A_233 : i32 to vector<16xi32>
    %add3A_235 = arith.addi %iota3A, %add3A_234 : vector<16xi32>
    %get3A_236 = arith.constant 0 : i32
    %get3A_237 = arith.constant 50 : i32
    %get3A_238 = arith.constant 0 : i32
    %get3A_239 = arith.constant 0 : i32
    %get3A_240 = tpu.memref_slice %arg5[%get3A_236, %get3A_238, %get3A_239] : memref<4x100x128xf32, #tpu.memory_space<vmem>> -> memref<1x100x128xf32, #tpu.memory_space<vmem>>
    %get3A_241 = tpu.memref_squeeze %get3A_240 : memref<1x100x128xf32, #tpu.memory_space<vmem>> -> memref<100x128xf32, #tpu.memory_space<vmem>>
    %get3A_242 = arith.index_cast %get3A_237 : i32 to index
    %get3A_243 = arith.constant 64 : index
    %get3A_244 = tpu.vector_load %get3A_241[%get3A_242, %get3A_243] {strides = array<i32>} : memref<100x128xf32, #tpu.memory_space<vmem>>, vector<16xf32>,
    %convert_element_type3A_245 = arith.fptosi %get3A_244 : vector<16xf32> to vector<16xi32>
    %ge3A_246 = arith.constant 0 : i32
    %ge3A_247 = vector.broadcast %ge3A_246 : i32 to vector<16xi32>
    %ge3A_248 = arith.cmpi sge, %convert_element_type3A_245, %ge3A_247 : vector<16xi32>
    %lt3A_249 = arith.constant 64 : i32
    %lt3A_250 = vector.broadcast %lt3A_249 : i32 to vector<16xi32>
    %lt3A_251 = arith.cmpi slt, %convert_element_type3A_245, %lt3A_250 : vector<16xi32>
    %and3A_252 = arith.andi %ge3A_248, %lt3A_251 : vector<16xi1>
    %add3A_253 = arith.constant 50 : i32
    %add3A_254 = vector.broadcast %add3A_253 : i32 to vector<16xi32>
    %add3A_255 = arith.addi %convert_element_type3A_245, %add3A_254 : vector<16xi32>
    %scatter3A_256 = arith.constant 0 : i32
    %scatter3A_257 = arith.constant 0 : i32
    %scatter3A_258 = arith.constant 0 : i32
    %scatter3A_259 = tpu.memref_slice %arg6[%scatter3A_256, %scatter3A_257, %scatter3A_258] : memref<2x163x128xf32, #tpu.memory_space<vmem>> -> memref<1x163x128xf32, #tpu.memory_space<vmem>>
    %scatter3A_260 = tpu.memref_squeeze %scatter3A_259 : memref<1x163x128xf32, #tpu.memory_space<vmem>> -> memref<163x128xf32, #tpu.memory_space<vmem>>
    tpu.vector_store_idx %scatter3A_260[%add3A_255, %add3A_235], %get3A_81 masked %and3A_252 : memref<163x128xf32, #tpu.memory_space<vmem>>[vector<16xi32>, vector<16xi32>], vector<16xf32>, vector<16xi1>
    %add3A_261 = arith.constant 80 : i32
    %add3A_262 = vector.broadcast %add3A_261 : i32 to vector<16xi32>
    %add3A_263 = arith.addi %iota3A, %add3A_262 : vector<16xi32>
    %get3A_264 = arith.constant 0 : i32
    %get3A_265 = arith.constant 50 : i32
    %get3A_266 = arith.constant 0 : i32
    %get3A_267 = arith.constant 0 : i32
    %get3A_268 = tpu.memref_slice %arg5[%get3A_264, %get3A_266, %get3A_267] : memref<4x100x128xf32, #tpu.memory_space<vmem>> -> memref<1x100x128xf32, #tpu.memory_space<vmem>>
    %get3A_269 = tpu.memref_squeeze %get3A_268 : memref<1x100x128xf32, #tpu.memory_space<vmem>> -> memref<100x128xf32, #tpu.memory_space<vmem>>
    %get3A_270 = arith.index_cast %get3A_265 : i32 to index
    %get3A_271 = arith.constant 80 : index
    %get3A_272 = tpu.vector_load %get3A_269[%get3A_270, %get3A_271] {strides = array<i32>} : memref<100x128xf32, #tpu.memory_space<vmem>>, vector<16xf32>,
    %convert_element_type3A_273 = arith.fptosi %get3A_272 : vector<16xf32> to vector<16xi32>
    %ge3A_274 = arith.constant 0 : i32
    %ge3A_275 = vector.broadcast %ge3A_274 : i32 to vector<16xi32>
    %ge3A_276 = arith.cmpi sge, %convert_element_type3A_273, %ge3A_275 : vector<16xi32>
    %lt3A_277 = arith.constant 64 : i32
    %lt3A_278 = vector.broadcast %lt3A_277 : i32 to vector<16xi32>
    %lt3A_279 = arith.cmpi slt, %convert_element_type3A_273, %lt3A_278 : vector<16xi32>
    %and3A_280 = arith.andi %ge3A_276, %lt3A_279 : vector<16xi1>
    %add3A_281 = arith.constant 50 : i32
    %add3A_282 = vector.broadcast %add3A_281 : i32 to vector<16xi32>
    %add3A_283 = arith.addi %convert_element_type3A_273, %add3A_282 : vector<16xi32>
    %scatter3A_284 = arith.constant 0 : i32
    %scatter3A_285 = arith.constant 0 : i32
    %scatter3A_286 = arith.constant 0 : i32
    %scatter3A_287 = tpu.memref_slice %arg6[%scatter3A_284, %scatter3A_285, %scatter3A_286] : memref<2x163x128xf32, #tpu.memory_space<vmem>> -> memref<1x163x128xf32, #tpu.memory_space<vmem>>
    %scatter3A_288 = tpu.memref_squeeze %scatter3A_287 : memref<1x163x128xf32, #tpu.memory_space<vmem>> -> memref<163x128xf32, #tpu.memory_space<vmem>>
    tpu.vector_store_idx %scatter3A_288[%add3A_283, %add3A_263], %get3A_81 masked %and3A_280 : memref<163x128xf32, #tpu.memory_space<vmem>>[vector<16xi32>, vector<16xi32>], vector<16xf32>, vector<16xi1>
    %add3A_289 = arith.constant 96 : i32
    %add3A_290 = vector.broadcast %add3A_289 : i32 to vector<16xi32>
    %add3A_291 = arith.addi %iota3A, %add3A_290 : vector<16xi32>
    %get3A_292 = arith.constant 0 : i32
    %get3A_293 = arith.constant 50 : i32
    %get3A_294 = arith.constant 0 : i32
    %get3A_295 = arith.constant 0 : i32
    %get3A_296 = tpu.memref_slice %arg5[%get3A_292, %get3A_294, %get3A_295] : memref<4x100x128xf32, #tpu.memory_space<vmem>> -> memref<1x100x128xf32, #tpu.memory_space<vmem>>
    %get3A_297 = tpu.memref_squeeze %get3A_296 : memref<1x100x128xf32, #tpu.memory_space<vmem>> -> memref<100x128xf32, #tpu.memory_space<vmem>>
    %get3A_298 = arith.index_cast %get3A_293 : i32 to index
    %get3A_299 = arith.constant 96 : index
    %get3A_300 = tpu.vector_load %get3A_297[%get3A_298, %get3A_299] {strides = array<i32>} : memref<100x128xf32, #tpu.memory_space<vmem>>, vector<16xf32>,
    %convert_element_type3A_301 = arith.fptosi %get3A_300 : vector<16xf32> to vector<16xi32>
    %ge3A_302 = arith.constant 0 : i32
    %ge3A_303 = vector.broadcast %ge3A_302 : i32 to vector<16xi32>
    %ge3A_304 = arith.cmpi sge, %convert_element_type3A_301, %ge3A_303 : vector<16xi32>
    %lt3A_305 = arith.constant 64 : i32
    %lt3A_306 = vector.broadcast %lt3A_305 : i32 to vector<16xi32>
    %lt3A_307 = arith.cmpi slt, %convert_element_type3A_301, %lt3A_306 : vector<16xi32>
    %and3A_308 = arith.andi %ge3A_304, %lt3A_307 : vector<16xi1>
    %add3A_309 = arith.constant 50 : i32
    %add3A_310 = vector.broadcast %add3A_309 : i32 to vector<16xi32>
    %add3A_311 = arith.addi %convert_element_type3A_301, %add3A_310 : vector<16xi32>
    %scatter3A_312 = arith.constant 0 : i32
    %scatter3A_313 = arith.constant 0 : i32
    %scatter3A_314 = arith.constant 0 : i32
    %scatter3A_315 = tpu.memref_slice %arg6[%scatter3A_312, %scatter3A_313, %scatter3A_314] : memref<2x163x128xf32, #tpu.memory_space<vmem>> -> memref<1x163x128xf32, #tpu.memory_space<vmem>>
    %scatter3A_316 = tpu.memref_squeeze %scatter3A_315 : memref<1x163x128xf32, #tpu.memory_space<vmem>> -> memref<163x128xf32, #tpu.memory_space<vmem>>
    tpu.vector_store_idx %scatter3A_316[%add3A_311, %add3A_291], %get3A_81 masked %and3A_308 : memref<163x128xf32, #tpu.memory_space<vmem>>[vector<16xi32>, vector<16xi32>], vector<16xf32>, vector<16xi1>
    %add3A_317 = arith.constant 112 : i32
    %add3A_318 = vector.broadcast %add3A_317 : i32 to vector<16xi32>
    %add3A_319 = arith.addi %iota3A, %add3A_318 : vector<16xi32>
    %get3A_320 = arith.constant 0 : i32
    %get3A_321 = arith.constant 50 : i32
    %get3A_322 = arith.constant 0 : i32
    %get3A_323 = arith.constant 0 : i32
    %get3A_324 = tpu.memref_slice %arg5[%get3A_320, %get3A_322, %get3A_323] : memref<4x100x128xf32, #tpu.memory_space<vmem>> -> memref<1x100x128xf32, #tpu.memory_space<vmem>>
    %get3A_325 = tpu.memref_squeeze %get3A_324 : memref<1x100x128xf32, #tpu.memory_space<vmem>> -> memref<100x128xf32, #tpu.memory_space<vmem>>
    %get3A_326 = arith.index_cast %get3A_321 : i32 to index
    %get3A_327 = arith.constant 112 : index
    %get3A_328 = tpu.vector_load %get3A_325[%get3A_326, %get3A_327] {strides = array<i32>} : memref<100x128xf32, #tpu.memory_space<vmem>>, vector<16xf32>,
    %convert_element_type3A_329 = arith.fptosi %get3A_328 : vector<16xf32> to vector<16xi32>
    %ge3A_330 = arith.constant 0 : i32
    %ge3A_331 = vector.broadcast %ge3A_330 : i32 to vector<16xi32>
    %ge3A_332 = arith.cmpi sge, %convert_element_type3A_329, %ge3A_331 : vector<16xi32>
    %lt3A_333 = arith.constant 64 : i32
    %lt3A_334 = vector.broadcast %lt3A_333 : i32 to vector<16xi32>
    %lt3A_335 = arith.cmpi slt, %convert_element_type3A_329, %lt3A_334 : vector<16xi32>
    %and3A_336 = arith.andi %ge3A_332, %lt3A_335 : vector<16xi1>
    %add3A_337 = arith.constant 50 : i32
    %add3A_338 = vector.broadcast %add3A_337 : i32 to vector<16xi32>
    %add3A_339 = arith.addi %convert_element_type3A_329, %add3A_338 : vector<16xi32>
    %scatter3A_340 = arith.constant 0 : i32
    %scatter3A_341 = arith.constant 0 : i32
    %scatter3A_342 = arith.constant 0 : i32
    %scatter3A_343 = tpu.memref_slice %arg6[%scatter3A_340, %scatter3A_341, %scatter3A_342] : memref<2x163x128xf32, #tpu.memory_space<vmem>> -> memref<1x163x128xf32, #tpu.memory_space<vmem>>
    %scatter3A_344 = tpu.memref_squeeze %scatter3A_343 : memref<1x163x128xf32, #tpu.memory_space<vmem>> -> memref<163x128xf32, #tpu.memory_space<vmem>>
    tpu.vector_store_idx %scatter3A_344[%add3A_339, %add3A_319], %get3A_81 masked %and3A_336 : memref<163x128xf32, #tpu.memory_space<vmem>>[vector<16xi32>, vector<16xi32>], vector<16xf32>, vector<16xi1>
    %mul3A_345 = arith.constant 512 : i32
    %mul3A_346 = arith.muli %add3A, %mul3A_345 : i32
    %add3A_347 = arith.constant 0 : i32
    %add3A_348 = arith.addi %mul3A_346, %add3A_347 : i32
    %dma_start3A_349 = arith.constant 0 : i32
    %dma_start3A_350 = arith.constant 0 : i32
    %dma_start3A_351 = arith.constant 0 : i32
    %dma_start3A_352 = arith.constant 0 : i32
    %dma_start3A_353 = tpu.memref_slice %arg6[%dma_start3A_349, %dma_start3A_351, %dma_start3A_352] : memref<2x163x128xf32, #tpu.memory_space<vmem>> -> memref<1x163x128xf32, #tpu.memory_space<vmem>>
    %dma_start3A_354 = tpu.memref_squeeze %dma_start3A_353 : memref<1x163x128xf32, #tpu.memory_space<vmem>> -> memref<163x128xf32, #tpu.memory_space<vmem>>
    %dma_start3A_355 = arith.constant 0 : i32
    %dma_start3A_356 = tpu.memref_slice %arg4[%dma_start3A_355, %add3A_348] : memref<163x16384xf32, #tpu.memory_space<hbm>> -> memref<163x128xf32, #tpu.memory_space<hbm>>
    %dma_start3A_357 = tpu.memref_slice %arg9[%dma_start3A_350] : memref<2x!tpu.dma_semaphore, #tpu.memory_space<semaphore_mem>> -> memref<1x!tpu.dma_semaphore, #tpu.memory_space<semaphore_mem>>
    %dma_start3A_358 = tpu.memref_squeeze %dma_start3A_357 : memref<1x!tpu.dma_semaphore, #tpu.memory_space<semaphore_mem>> -> memref<!tpu.dma_semaphore, #tpu.memory_space<semaphore_mem>>
    %dma_start3A_359 = arith.constant 0 : i32
    %dma_start3A_360 = tpu.memref_slice %arg4[%dma_start3A_359, %add3A_348] : memref<163x16384xf32, #tpu.memory_space<hbm>> -> memref<163x128xf32, #tpu.memory_space<hbm>>
    %dma_start3A_361 = arith.constant 0 : i32
    %dma_start3A_362 = arith.constant 0 : i32
    %dma_start3A_363 = tpu.memref_slice %arg6[%dma_start3A_349, %dma_start3A_361, %dma_start3A_362] : memref<2x163x128xf32, #tpu.memory_space<vmem>> -> memref<1x163x128xf32, #tpu.memory_space<vmem>>
    %dma_start3A_364 = tpu.memref_squeeze %dma_start3A_363 : memref<1x163x128xf32, #tpu.memory_space<vmem>> -> memref<163x128xf32, #tpu.memory_space<vmem>>
    tpu.enqueue_dma source(%dma_start3A_364 : memref<163x128xf32, #tpu.memory_space<vmem>>) target(%dma_start3A_360 : memref<163x128xf32, #tpu.memory_space<hbm>>) target_semaphore(%dma_start3A_358 : memref<!tpu.dma_semaphore, #tpu.memory_space<semaphore_mem>>)
    %mul3A_365 = arith.constant 512 : i32
    %mul3A_366 = arith.muli %add3A, %mul3A_365 : i32
    %add3A_367 = arith.constant 128 : i32
    %add3A_368 = arith.addi %mul3A_366, %add3A_367 : i32
    %dma_wait3A_369 = arith.constant 1 : i32
    %dma_wait3A_370 = arith.constant 1 : i32
    %dma_wait3A_371 = arith.constant 0 : i32
    %dma_wait3A_372 = arith.constant 0 : i32
    %dma_wait3A_373 = tpu.memref_slice %arg5[%dma_wait3A_369, %dma_wait3A_371, %dma_wait3A_372] : memref<4x100x128xf32, #tpu.memory_space<vmem>> -> memref<1x100x128xf32, #tpu.memory_space<vmem>>
    %dma_wait3A_374 = tpu.memref_squeeze %dma_wait3A_373 : memref<1x100x128xf32, #tpu.memory_space<vmem>> -> memref<100x128xf32, #tpu.memory_space<vmem>>
    %dma_wait3A_375 = arith.constant 0 : i32
    %dma_wait3A_376 = tpu.memref_slice %arg2[%dma_wait3A_375, %add3A_368] : memref<100x16384xf32, #tpu.memory_space<hbm>> -> memref<100x128xf32, #tpu.memory_space<hbm>>
    %dma_wait3A_377 = tpu.memref_slice %arg8[%dma_wait3A_370] : memref<4x!tpu.dma_semaphore, #tpu.memory_space<semaphore_mem>> -> memref<1x!tpu.dma_semaphore, #tpu.memory_space<semaphore_mem>>
    %dma_wait3A_378 = tpu.memref_squeeze %dma_wait3A_377 : memref<1x!tpu.dma_semaphore, #tpu.memory_space<semaphore_mem>> -> memref<!tpu.dma_semaphore, #tpu.memory_space<semaphore_mem>>
    %dma_wait3A_379 = arith.constant 0 : i32
    %dma_wait3A_380 = arith.constant 0 : i32
    %dma_wait3A_381 = tpu.memref_slice %arg5[%dma_wait3A_369, %dma_wait3A_379, %dma_wait3A_380] : memref<4x100x128xf32, #tpu.memory_space<vmem>> -> memref<1x100x128xf32, #tpu.memory_space<vmem>>
    %dma_wait3A_382 = tpu.memref_squeeze %dma_wait3A_381 : memref<1x100x128xf32, #tpu.memory_space<vmem>> -> memref<100x128xf32, #tpu.memory_space<vmem>>
    %dma_wait3A_383 = arith.constant 0 : i32
    %dma_wait3A_384 = tpu.memref_slice %arg2[%dma_wait3A_383, %add3A_368] : memref<100x16384xf32, #tpu.memory_space<hbm>> -> memref<100x128xf32, #tpu.memory_space<hbm>>
    tpu.wait_dma2 semaphore(%dma_wait3A_378 : memref<!tpu.dma_semaphore, #tpu.memory_space<semaphore_mem>>) src(%dma_wait3A_384 : memref<100x128xf32, #tpu.memory_space<hbm>>) dst(%dma_wait3A_382 : memref<100x128xf32, #tpu.memory_space<vmem>>)
    %scan3A_385 = arith.constant 1 : i32
    %scan3A_386 = arith.constant 1 : i32
    %scan3A_387 = arith.constant 0 : i32
    %scan3A_388 = arith.constant 0 : i32
    %scan3A_389 = arith.constant 50 : i32
    %scan3A_390 = arith.addi %scan3A_388, %scan3A_389 : i32
    %scan3A_391 = arith.constant 1 : i32
    %scan3A_392 = scf.for %scan3A_1315 = %scan3A_388 to %scan3A_390 step %scan3A_391 iter_args(%scan3A_1316 = %scan3A_387) -> (i32)  : i32 {
      %get3A_1317 = arith.constant 0 : i32
      %get3A_1318 = arith.constant 0 : i32
      %get3A_1319 = tpu.memref_slice %arg5[%scan3A_385, %get3A_1317, %get3A_1318] : memref<4x100x128xf32, #tpu.memory_space<vmem>> -> memref<1x100x128xf32, #tpu.memory_space<vmem>>
      %get3A_1320 = tpu.memref_squeeze %get3A_1319 : memref<1x100x128xf32, #tpu.memory_space<vmem>> -> memref<100x128xf32, #tpu.memory_space<vmem>>
      %get3A_1321 = arith.index_cast %scan3A_1315 : i32 to index
      %get3A_1322 = arith.constant 0 : index
      %get3A_1323 = tpu.vector_load %get3A_1320[%get3A_1321, %get3A_1322] {strides = array<i32>} : memref<100x128xf32, #tpu.memory_space<vmem>>, vector<16xf32>,
      %swap3A = arith.constant 0 : i32
      %swap3A_1324 = arith.constant 0 : i32
      %swap3A_1325 = tpu.memref_slice %arg6[%scan3A_386, %swap3A, %swap3A_1324] : memref<2x163x128xf32, #tpu.memory_space<vmem>> -> memref<1x163x128xf32, #tpu.memory_space<vmem>>
      %swap3A_1326 = tpu.memref_squeeze %swap3A_1325 : memref<1x163x128xf32, #tpu.memory_space<vmem>> -> memref<163x128xf32, #tpu.memory_space<vmem>>
      %swap3A_1327 = arith.index_cast %scan3A_1315 : i32 to index
      %swap3A_1328 = arith.constant 0 : index
      %swap3A_1329 = tpu.vector_load %swap3A_1326[%swap3A_1327, %swap3A_1328] {strides = array<i32>} : memref<163x128xf32, #tpu.memory_space<vmem>>, vector<16xf32>,
      tpu.vector_store %swap3A_1326[%swap3A_1327, %swap3A_1328], %get3A_1323 {strides = array<i32>} : memref<163x128xf32, #tpu.memory_space<vmem>>, vector<16xf32>,
      %get3A_1330 = arith.constant 0 : i32
      %get3A_1331 = arith.constant 0 : i32
      %get3A_1332 = tpu.memref_slice %arg5[%scan3A_385, %get3A_1330, %get3A_1331] : memref<4x100x128xf32, #tpu.memory_space<vmem>> -> memref<1x100x128xf32, #tpu.memory_space<vmem>>
      %get3A_1333 = tpu.memref_squeeze %get3A_1332 : memref<1x100x128xf32, #tpu.memory_space<vmem>> -> memref<100x128xf32, #tpu.memory_space<vmem>>
      %get3A_1334 = arith.index_cast %scan3A_1315 : i32 to index
      %get3A_1335 = arith.constant 16 : index
      %get3A_1336 = tpu.vector_load %get3A_1333[%get3A_1334, %get3A_1335] {strides = array<i32>} : memref<100x128xf32, #tpu.memory_space<vmem>>, vector<16xf32>,
      %swap3A_1337 = arith.constant 0 : i32
      %swap3A_1338 = arith.constant 0 : i32
      %swap3A_1339 = tpu.memref_slice %arg6[%scan3A_386, %swap3A_1337, %swap3A_1338] : memref<2x163x128xf32, #tpu.memory_space<vmem>> -> memref<1x163x128xf32, #tpu.memory_space<vmem>>
      %swap3A_1340 = tpu.memref_squeeze %swap3A_1339 : memref<1x163x128xf32, #tpu.memory_space<vmem>> -> memref<163x128xf32, #tpu.memory_space<vmem>>
      %swap3A_1341 = arith.index_cast %scan3A_1315 : i32 to index
      %swap3A_1342 = arith.constant 16 : index
      %swap3A_1343 = tpu.vector_load %swap3A_1340[%swap3A_1341, %swap3A_1342] {strides = array<i32>} : memref<163x128xf32, #tpu.memory_space<vmem>>, vector<16xf32>,
      tpu.vector_store %swap3A_1340[%swap3A_1341, %swap3A_1342], %get3A_1336 {strides = array<i32>} : memref<163x128xf32, #tpu.memory_space<vmem>>, vector<16xf32>,
      %get3A_1344 = arith.constant 0 : i32
      %get3A_1345 = arith.constant 0 : i32
      %get3A_1346 = tpu.memref_slice %arg5[%scan3A_385, %get3A_1344, %get3A_1345] : memref<4x100x128xf32, #tpu.memory_space<vmem>> -> memref<1x100x128xf32, #tpu.memory_space<vmem>>
      %get3A_1347 = tpu.memref_squeeze %get3A_1346 : memref<1x100x128xf32, #tpu.memory_space<vmem>> -> memref<100x128xf32, #tpu.memory_space<vmem>>
      %get3A_1348 = arith.index_cast %scan3A_1315 : i32 to index
      %get3A_1349 = arith.constant 32 : index
      %get3A_1350 = tpu.vector_load %get3A_1347[%get3A_1348, %get3A_1349] {strides = array<i32>} : memref<100x128xf32, #tpu.memory_space<vmem>>, vector<16xf32>,
      %swap3A_1351 = arith.constant 0 : i32
      %swap3A_1352 = arith.constant 0 : i32
      %swap3A_1353 = tpu.memref_slice %arg6[%scan3A_386, %swap3A_1351, %swap3A_1352] : memref<2x163x128xf32, #tpu.memory_space<vmem>> -> memref<1x163x128xf32, #tpu.memory_space<vmem>>
      %swap3A_1354 = tpu.memref_squeeze %swap3A_1353 : memref<1x163x128xf32, #tpu.memory_space<vmem>> -> memref<163x128xf32, #tpu.memory_space<vmem>>
      %swap3A_1355 = arith.index_cast %scan3A_1315 : i32 to index
      %swap3A_1356 = arith.constant 32 : index
      %swap3A_1357 = tpu.vector_load %swap3A_1354[%swap3A_1355, %swap3A_1356] {strides = array<i32>} : memref<163x128xf32, #tpu.memory_space<vmem>>, vector<16xf32>,
      tpu.vector_store %swap3A_1354[%swap3A_1355, %swap3A_1356], %get3A_1350 {strides = array<i32>} : memref<163x128xf32, #tpu.memory_space<vmem>>, vector<16xf32>,
      %get3A_1358 = arith.constant 0 : i32
      %get3A_1359 = arith.constant 0 : i32
      %get3A_1360 = tpu.memref_slice %arg5[%scan3A_385, %get3A_1358, %get3A_1359] : memref<4x100x128xf32, #tpu.memory_space<vmem>> -> memref<1x100x128xf32, #tpu.memory_space<vmem>>
      %get3A_1361 = tpu.memref_squeeze %get3A_1360 : memref<1x100x128xf32, #tpu.memory_space<vmem>> -> memref<100x128xf32, #tpu.memory_space<vmem>>
      %get3A_1362 = arith.index_cast %scan3A_1315 : i32 to index
      %get3A_1363 = arith.constant 48 : index
      %get3A_1364 = tpu.vector_load %get3A_1361[%get3A_1362, %get3A_1363] {strides = array<i32>} : memref<100x128xf32, #tpu.memory_space<vmem>>, vector<16xf32>,
      %swap3A_1365 = arith.constant 0 : i32
      %swap3A_1366 = arith.constant 0 : i32
      %swap3A_1367 = tpu.memref_slice %arg6[%scan3A_386, %swap3A_1365, %swap3A_1366] : memref<2x163x128xf32, #tpu.memory_space<vmem>> -> memref<1x163x128xf32, #tpu.memory_space<vmem>>
      %swap3A_1368 = tpu.memref_squeeze %swap3A_1367 : memref<1x163x128xf32, #tpu.memory_space<vmem>> -> memref<163x128xf32, #tpu.memory_space<vmem>>
      %swap3A_1369 = arith.index_cast %scan3A_1315 : i32 to index
      %swap3A_1370 = arith.constant 48 : index
      %swap3A_1371 = tpu.vector_load %swap3A_1368[%swap3A_1369, %swap3A_1370] {strides = array<i32>} : memref<163x128xf32, #tpu.memory_space<vmem>>, vector<16xf32>,
      tpu.vector_store %swap3A_1368[%swap3A_1369, %swap3A_1370], %get3A_1364 {strides = array<i32>} : memref<163x128xf32, #tpu.memory_space<vmem>>, vector<16xf32>,
      %get3A_1372 = arith.constant 0 : i32
      %get3A_1373 = arith.constant 0 : i32
      %get3A_1374 = tpu.memref_slice %arg5[%scan3A_385, %get3A_1372, %get3A_1373] : memref<4x100x128xf32, #tpu.memory_space<vmem>> -> memref<1x100x128xf32, #tpu.memory_space<vmem>>
      %get3A_1375 = tpu.memref_squeeze %get3A_1374 : memref<1x100x128xf32, #tpu.memory_space<vmem>> -> memref<100x128xf32, #tpu.memory_space<vmem>>
      %get3A_1376 = arith.index_cast %scan3A_1315 : i32 to index
      %get3A_1377 = arith.constant 64 : index
      %get3A_1378 = tpu.vector_load %get3A_1375[%get3A_1376, %get3A_1377] {strides = array<i32>} : memref<100x128xf32, #tpu.memory_space<vmem>>, vector<16xf32>,
      %swap3A_1379 = arith.constant 0 : i32
      %swap3A_1380 = arith.constant 0 : i32
      %swap3A_1381 = tpu.memref_slice %arg6[%scan3A_386, %swap3A_1379, %swap3A_1380] : memref<2x163x128xf32, #tpu.memory_space<vmem>> -> memref<1x163x128xf32, #tpu.memory_space<vmem>>
      %swap3A_1382 = tpu.memref_squeeze %swap3A_1381 : memref<1x163x128xf32, #tpu.memory_space<vmem>> -> memref<163x128xf32, #tpu.memory_space<vmem>>
      %swap3A_1383 = arith.index_cast %scan3A_1315 : i32 to index
      %swap3A_1384 = arith.constant 64 : index
      %swap3A_1385 = tpu.vector_load %swap3A_1382[%swap3A_1383, %swap3A_1384] {strides = array<i32>} : memref<163x128xf32, #tpu.memory_space<vmem>>, vector<16xf32>,
      tpu.vector_store %swap3A_1382[%swap3A_1383, %swap3A_1384], %get3A_1378 {strides = array<i32>} : memref<163x128xf32, #tpu.memory_space<vmem>>, vector<16xf32>,
      %get3A_1386 = arith.constant 0 : i32
      %get3A_1387 = arith.constant 0 : i32
      %get3A_1388 = tpu.memref_slice %arg5[%scan3A_385, %get3A_1386, %get3A_1387] : memref<4x100x128xf32, #tpu.memory_space<vmem>> -> memref<1x100x128xf32, #tpu.memory_space<vmem>>
      %get3A_1389 = tpu.memref_squeeze %get3A_1388 : memref<1x100x128xf32, #tpu.memory_space<vmem>> -> memref<100x128xf32, #tpu.memory_space<vmem>>
      %get3A_1390 = arith.index_cast %scan3A_1315 : i32 to index
      %get3A_1391 = arith.constant 80 : index
      %get3A_1392 = tpu.vector_load %get3A_1389[%get3A_1390, %get3A_1391] {strides = array<i32>} : memref<100x128xf32, #tpu.memory_space<vmem>>, vector<16xf32>,
      %swap3A_1393 = arith.constant 0 : i32
      %swap3A_1394 = arith.constant 0 : i32
      %swap3A_1395 = tpu.memref_slice %arg6[%scan3A_386, %swap3A_1393, %swap3A_1394] : memref<2x163x128xf32, #tpu.memory_space<vmem>> -> memref<1x163x128xf32, #tpu.memory_space<vmem>>
      %swap3A_1396 = tpu.memref_squeeze %swap3A_1395 : memref<1x163x128xf32, #tpu.memory_space<vmem>> -> memref<163x128xf32, #tpu.memory_space<vmem>>
      %swap3A_1397 = arith.index_cast %scan3A_1315 : i32 to index
      %swap3A_1398 = arith.constant 80 : index
      %swap3A_1399 = tpu.vector_load %swap3A_1396[%swap3A_1397, %swap3A_1398] {strides = array<i32>} : memref<163x128xf32, #tpu.memory_space<vmem>>, vector<16xf32>,
      tpu.vector_store %swap3A_1396[%swap3A_1397, %swap3A_1398], %get3A_1392 {strides = array<i32>} : memref<163x128xf32, #tpu.memory_space<vmem>>, vector<16xf32>,
      %get3A_1400 = arith.constant 0 : i32
      %get3A_1401 = arith.constant 0 : i32
      %get3A_1402 = tpu.memref_slice %arg5[%scan3A_385, %get3A_1400, %get3A_1401] : memref<4x100x128xf32, #tpu.memory_space<vmem>> -> memref<1x100x128xf32, #tpu.memory_space<vmem>>
      %get3A_1403 = tpu.memref_squeeze %get3A_1402 : memref<1x100x128xf32, #tpu.memory_space<vmem>> -> memref<100x128xf32, #tpu.memory_space<vmem>>
      %get3A_1404 = arith.index_cast %scan3A_1315 : i32 to index
      %get3A_1405 = arith.constant 96 : index
      %get3A_1406 = tpu.vector_load %get3A_1403[%get3A_1404, %get3A_1405] {strides = array<i32>} : memref<100x128xf32, #tpu.memory_space<vmem>>, vector<16xf32>,
      %swap3A_1407 = arith.constant 0 : i32
      %swap3A_1408 = arith.constant 0 : i32
      %swap3A_1409 = tpu.memref_slice %arg6[%scan3A_386, %swap3A_1407, %swap3A_1408] : memref<2x163x128xf32, #tpu.memory_space<vmem>> -> memref<1x163x128xf32, #tpu.memory_space<vmem>>
      %swap3A_1410 = tpu.memref_squeeze %swap3A_1409 : memref<1x163x128xf32, #tpu.memory_space<vmem>> -> memref<163x128xf32, #tpu.memory_space<vmem>>
      %swap3A_1411 = arith.index_cast %scan3A_1315 : i32 to index
      %swap3A_1412 = arith.constant 96 : index
      %swap3A_1413 = tpu.vector_load %swap3A_1410[%swap3A_1411, %swap3A_1412] {strides = array<i32>} : memref<163x128xf32, #tpu.memory_space<vmem>>, vector<16xf32>,
      tpu.vector_store %swap3A_1410[%swap3A_1411, %swap3A_1412], %get3A_1406 {strides = array<i32>} : memref<163x128xf32, #tpu.memory_space<vmem>>, vector<16xf32>,
      %get3A_1414 = arith.constant 0 : i32
      %get3A_1415 = arith.constant 0 : i32
      %get3A_1416 = tpu.memref_slice %arg5[%scan3A_385, %get3A_1414, %get3A_1415] : memref<4x100x128xf32, #tpu.memory_space<vmem>> -> memref<1x100x128xf32, #tpu.memory_space<vmem>>
      %get3A_1417 = tpu.memref_squeeze %get3A_1416 : memref<1x100x128xf32, #tpu.memory_space<vmem>> -> memref<100x128xf32, #tpu.memory_space<vmem>>
      %get3A_1418 = arith.index_cast %scan3A_1315 : i32 to index
      %get3A_1419 = arith.constant 112 : index
      %get3A_1420 = tpu.vector_load %get3A_1417[%get3A_1418, %get3A_1419] {strides = array<i32>} : memref<100x128xf32, #tpu.memory_space<vmem>>, vector<16xf32>,
      %swap3A_1421 = arith.constant 0 : i32
      %swap3A_1422 = arith.constant 0 : i32
      %swap3A_1423 = tpu.memref_slice %arg6[%scan3A_386, %swap3A_1421, %swap3A_1422] : memref<2x163x128xf32, #tpu.memory_space<vmem>> -> memref<1x163x128xf32, #tpu.memory_space<vmem>>
      %swap3A_1424 = tpu.memref_squeeze %swap3A_1423 : memref<1x163x128xf32, #tpu.memory_space<vmem>> -> memref<163x128xf32, #tpu.memory_space<vmem>>
      %swap3A_1425 = arith.index_cast %scan3A_1315 : i32 to index
      %swap3A_1426 = arith.constant 112 : index
      %swap3A_1427 = tpu.vector_load %swap3A_1424[%swap3A_1425, %swap3A_1426] {strides = array<i32>} : memref<163x128xf32, #tpu.memory_space<vmem>>, vector<16xf32>,
      tpu.vector_store %swap3A_1424[%swap3A_1425, %swap3A_1426], %get3A_1420 {strides = array<i32>} : memref<163x128xf32, #tpu.memory_space<vmem>>, vector<16xf32>,
      %scan3A_1428 = arith.constant 0 : i32
      scf.yield %scan3A_1428 : i32
    }
    %scan3A_393 = arith.constant 50 : i32
    %scan3A_394 = arith.constant 1 : i32
    %scan3A_395 = arith.constant 1 : i32
    %scan3A_396 = arith.constant 0 : i32
    %scan3A_397 = arith.constant 51 : i32
    %scan3A_398 = arith.constant 49 : i32
    %scan3A_399 = arith.addi %scan3A_397, %scan3A_398 : i32
    %scan3A_400 = arith.constant 1 : i32
    %scan3A_401 = scf.for %scan3A_1315 = %scan3A_397 to %scan3A_399 step %scan3A_400 iter_args(%scan3A_1316 = %scan3A_396) -> (i32)  : i32 {
      %get3A_1317 = arith.constant 0 : i32
      %get3A_1318 = arith.constant 0 : i32
      %get3A_1319 = tpu.memref_slice %arg5[%scan3A_394, %get3A_1317, %get3A_1318] : memref<4x100x128xf32, #tpu.memory_space<vmem>> -> memref<1x100x128xf32, #tpu.memory_space<vmem>>
      %get3A_1320 = tpu.memref_squeeze %get3A_1319 : memref<1x100x128xf32, #tpu.memory_space<vmem>> -> memref<100x128xf32, #tpu.memory_space<vmem>>
      %get3A_1321 = arith.index_cast %scan3A_1315 : i32 to index
      %get3A_1322 = arith.constant 0 : index
      %get3A_1323 = tpu.vector_load %get3A_1320[%get3A_1321, %get3A_1322] {strides = array<i32>} : memref<100x128xf32, #tpu.memory_space<vmem>>, vector<16xf32>,
      %add3A_1324 = arith.constant 64 : i32
      %add3A_1325 = arith.addi %scan3A_1315, %add3A_1324 : i32
      %sub3A = arith.constant 1 : i32
      %sub3A_1326 = arith.subi %add3A_1325, %sub3A : i32
      %swap3A = arith.constant 0 : i32
      %swap3A_1327 = arith.constant 0 : i32
      %swap3A_1328 = tpu.memref_slice %arg6[%scan3A_395, %swap3A, %swap3A_1327] : memref<2x163x128xf32, #tpu.memory_space<vmem>> -> memref<1x163x128xf32, #tpu.memory_space<vmem>>
      %swap3A_1329 = tpu.memref_squeeze %swap3A_1328 : memref<1x163x128xf32, #tpu.memory_space<vmem>> -> memref<163x128xf32, #tpu.memory_space<vmem>>
      %swap3A_1330 = arith.index_cast %sub3A_1326 : i32 to index
      %swap3A_1331 = arith.constant 0 : index
      %swap3A_1332 = tpu.vector_load %swap3A_1329[%swap3A_1330, %swap3A_1331] {strides = array<i32>} : memref<163x128xf32, #tpu.memory_space<vmem>>, vector<16xf32>,
      tpu.vector_store %swap3A_1329[%swap3A_1330, %swap3A_1331], %get3A_1323 {strides = array<i32>} : memref<163x128xf32, #tpu.memory_space<vmem>>, vector<16xf32>,
      %get3A_1333 = arith.constant 0 : i32
      %get3A_1334 = arith.constant 0 : i32
      %get3A_1335 = tpu.memref_slice %arg5[%scan3A_394, %get3A_1333, %get3A_1334] : memref<4x100x128xf32, #tpu.memory_space<vmem>> -> memref<1x100x128xf32, #tpu.memory_space<vmem>>
      %get3A_1336 = tpu.memref_squeeze %get3A_1335 : memref<1x100x128xf32, #tpu.memory_space<vmem>> -> memref<100x128xf32, #tpu.memory_space<vmem>>
      %get3A_1337 = arith.index_cast %scan3A_1315 : i32 to index
      %get3A_1338 = arith.constant 16 : index
      %get3A_1339 = tpu.vector_load %get3A_1336[%get3A_1337, %get3A_1338] {strides = array<i32>} : memref<100x128xf32, #tpu.memory_space<vmem>>, vector<16xf32>,
      %add3A_1340 = arith.constant 64 : i32
      %add3A_1341 = arith.addi %scan3A_1315, %add3A_1340 : i32
      %sub3A_1342 = arith.constant 1 : i32
      %sub3A_1343 = arith.subi %add3A_1341, %sub3A_1342 : i32
      %swap3A_1344 = arith.constant 0 : i32
      %swap3A_1345 = arith.constant 0 : i32
      %swap3A_1346 = tpu.memref_slice %arg6[%scan3A_395, %swap3A_1344, %swap3A_1345] : memref<2x163x128xf32, #tpu.memory_space<vmem>> -> memref<1x163x128xf32, #tpu.memory_space<vmem>>
      %swap3A_1347 = tpu.memref_squeeze %swap3A_1346 : memref<1x163x128xf32, #tpu.memory_space<vmem>> -> memref<163x128xf32, #tpu.memory_space<vmem>>
      %swap3A_1348 = arith.index_cast %sub3A_1343 : i32 to index
      %swap3A_1349 = arith.constant 16 : index
      %swap3A_1350 = tpu.vector_load %swap3A_1347[%swap3A_1348, %swap3A_1349] {strides = array<i32>} : memref<163x128xf32, #tpu.memory_space<vmem>>, vector<16xf32>,
      tpu.vector_store %swap3A_1347[%swap3A_1348, %swap3A_1349], %get3A_1339 {strides = array<i32>} : memref<163x128xf32, #tpu.memory_space<vmem>>, vector<16xf32>,
      %get3A_1351 = arith.constant 0 : i32
      %get3A_1352 = arith.constant 0 : i32
      %get3A_1353 = tpu.memref_slice %arg5[%scan3A_394, %get3A_1351, %get3A_1352] : memref<4x100x128xf32, #tpu.memory_space<vmem>> -> memref<1x100x128xf32, #tpu.memory_space<vmem>>
      %get3A_1354 = tpu.memref_squeeze %get3A_1353 : memref<1x100x128xf32, #tpu.memory_space<vmem>> -> memref<100x128xf32, #tpu.memory_space<vmem>>
      %get3A_1355 = arith.index_cast %scan3A_1315 : i32 to index
      %get3A_1356 = arith.constant 32 : index
      %get3A_1357 = tpu.vector_load %get3A_1354[%get3A_1355, %get3A_1356] {strides = array<i32>} : memref<100x128xf32, #tpu.memory_space<vmem>>, vector<16xf32>,
      %add3A_1358 = arith.constant 64 : i32
      %add3A_1359 = arith.addi %scan3A_1315, %add3A_1358 : i32
      %sub3A_1360 = arith.constant 1 : i32
      %sub3A_1361 = arith.subi %add3A_1359, %sub3A_1360 : i32
      %swap3A_1362 = arith.constant 0 : i32
      %swap3A_1363 = arith.constant 0 : i32
      %swap3A_1364 = tpu.memref_slice %arg6[%scan3A_395, %swap3A_1362, %swap3A_1363] : memref<2x163x128xf32, #tpu.memory_space<vmem>> -> memref<1x163x128xf32, #tpu.memory_space<vmem>>
      %swap3A_1365 = tpu.memref_squeeze %swap3A_1364 : memref<1x163x128xf32, #tpu.memory_space<vmem>> -> memref<163x128xf32, #tpu.memory_space<vmem>>
      %swap3A_1366 = arith.index_cast %sub3A_1361 : i32 to index
      %swap3A_1367 = arith.constant 32 : index
      %swap3A_1368 = tpu.vector_load %swap3A_1365[%swap3A_1366, %swap3A_1367] {strides = array<i32>} : memref<163x128xf32, #tpu.memory_space<vmem>>, vector<16xf32>,
      tpu.vector_store %swap3A_1365[%swap3A_1366, %swap3A_1367], %get3A_1357 {strides = array<i32>} : memref<163x128xf32, #tpu.memory_space<vmem>>, vector<16xf32>,
      %get3A_1369 = arith.constant 0 : i32
      %get3A_1370 = arith.constant 0 : i32
      %get3A_1371 = tpu.memref_slice %arg5[%scan3A_394, %get3A_1369, %get3A_1370] : memref<4x100x128xf32, #tpu.memory_space<vmem>> -> memref<1x100x128xf32, #tpu.memory_space<vmem>>
      %get3A_1372 = tpu.memref_squeeze %get3A_1371 : memref<1x100x128xf32, #tpu.memory_space<vmem>> -> memref<100x128xf32, #tpu.memory_space<vmem>>
      %get3A_1373 = arith.index_cast %scan3A_1315 : i32 to index
      %get3A_1374 = arith.constant 48 : index
      %get3A_1375 = tpu.vector_load %get3A_1372[%get3A_1373, %get3A_1374] {strides = array<i32>} : memref<100x128xf32, #tpu.memory_space<vmem>>, vector<16xf32>,
      %add3A_1376 = arith.constant 64 : i32
      %add3A_1377 = arith.addi %scan3A_1315, %add3A_1376 : i32
      %sub3A_1378 = arith.constant 1 : i32
      %sub3A_1379 = arith.subi %add3A_1377, %sub3A_1378 : i32
      %swap3A_1380 = arith.constant 0 : i32
      %swap3A_1381 = arith.constant 0 : i32
      %swap3A_1382 = tpu.memref_slice %arg6[%scan3A_395, %swap3A_1380, %swap3A_1381] : memref<2x163x128xf32, #tpu.memory_space<vmem>> -> memref<1x163x128xf32, #tpu.memory_space<vmem>>
      %swap3A_1383 = tpu.memref_squeeze %swap3A_1382 : memref<1x163x128xf32, #tpu.memory_space<vmem>> -> memref<163x128xf32, #tpu.memory_space<vmem>>
      %swap3A_1384 = arith.index_cast %sub3A_1379 : i32 to index
      %swap3A_1385 = arith.constant 48 : index
      %swap3A_1386 = tpu.vector_load %swap3A_1383[%swap3A_1384, %swap3A_1385] {strides = array<i32>} : memref<163x128xf32, #tpu.memory_space<vmem>>, vector<16xf32>,
      tpu.vector_store %swap3A_1383[%swap3A_1384, %swap3A_1385], %get3A_1375 {strides = array<i32>} : memref<163x128xf32, #tpu.memory_space<vmem>>, vector<16xf32>,
      %get3A_1387 = arith.constant 0 : i32
      %get3A_1388 = arith.constant 0 : i32
      %get3A_1389 = tpu.memref_slice %arg5[%scan3A_394, %get3A_1387, %get3A_1388] : memref<4x100x128xf32, #tpu.memory_space<vmem>> -> memref<1x100x128xf32, #tpu.memory_space<vmem>>
      %get3A_1390 = tpu.memref_squeeze %get3A_1389 : memref<1x100x128xf32, #tpu.memory_space<vmem>> -> memref<100x128xf32, #tpu.memory_space<vmem>>
      %get3A_1391 = arith.index_cast %scan3A_1315 : i32 to index
      %get3A_1392 = arith.constant 64 : index
      %get3A_1393 = tpu.vector_load %get3A_1390[%get3A_1391, %get3A_1392] {strides = array<i32>} : memref<100x128xf32, #tpu.memory_space<vmem>>, vector<16xf32>,
      %add3A_1394 = arith.constant 64 : i32
      %add3A_1395 = arith.addi %scan3A_1315, %add3A_1394 : i32
      %sub3A_1396 = arith.constant 1 : i32
      %sub3A_1397 = arith.subi %add3A_1395, %sub3A_1396 : i32
      %swap3A_1398 = arith.constant 0 : i32
      %swap3A_1399 = arith.constant 0 : i32
      %swap3A_1400 = tpu.memref_slice %arg6[%scan3A_395, %swap3A_1398, %swap3A_1399] : memref<2x163x128xf32, #tpu.memory_space<vmem>> -> memref<1x163x128xf32, #tpu.memory_space<vmem>>
      %swap3A_1401 = tpu.memref_squeeze %swap3A_1400 : memref<1x163x128xf32, #tpu.memory_space<vmem>> -> memref<163x128xf32, #tpu.memory_space<vmem>>
      %swap3A_1402 = arith.index_cast %sub3A_1397 : i32 to index
      %swap3A_1403 = arith.constant 64 : index
      %swap3A_1404 = tpu.vector_load %swap3A_1401[%swap3A_1402, %swap3A_1403] {strides = array<i32>} : memref<163x128xf32, #tpu.memory_space<vmem>>, vector<16xf32>,
      tpu.vector_store %swap3A_1401[%swap3A_1402, %swap3A_1403], %get3A_1393 {strides = array<i32>} : memref<163x128xf32, #tpu.memory_space<vmem>>, vector<16xf32>,
      %get3A_1405 = arith.constant 0 : i32
      %get3A_1406 = arith.constant 0 : i32
      %get3A_1407 = tpu.memref_slice %arg5[%scan3A_394, %get3A_1405, %get3A_1406] : memref<4x100x128xf32, #tpu.memory_space<vmem>> -> memref<1x100x128xf32, #tpu.memory_space<vmem>>
      %get3A_1408 = tpu.memref_squeeze %get3A_1407 : memref<1x100x128xf32, #tpu.memory_space<vmem>> -> memref<100x128xf32, #tpu.memory_space<vmem>>
      %get3A_1409 = arith.index_cast %scan3A_1315 : i32 to index
      %get3A_1410 = arith.constant 80 : index
      %get3A_1411 = tpu.vector_load %get3A_1408[%get3A_1409, %get3A_1410] {strides = array<i32>} : memref<100x128xf32, #tpu.memory_space<vmem>>, vector<16xf32>,
      %add3A_1412 = arith.constant 64 : i32
      %add3A_1413 = arith.addi %scan3A_1315, %add3A_1412 : i32
      %sub3A_1414 = arith.constant 1 : i32
      %sub3A_1415 = arith.subi %add3A_1413, %sub3A_1414 : i32
      %swap3A_1416 = arith.constant 0 : i32
      %swap3A_1417 = arith.constant 0 : i32
      %swap3A_1418 = tpu.memref_slice %arg6[%scan3A_395, %swap3A_1416, %swap3A_1417] : memref<2x163x128xf32, #tpu.memory_space<vmem>> -> memref<1x163x128xf32, #tpu.memory_space<vmem>>
      %swap3A_1419 = tpu.memref_squeeze %swap3A_1418 : memref<1x163x128xf32, #tpu.memory_space<vmem>> -> memref<163x128xf32, #tpu.memory_space<vmem>>
      %swap3A_1420 = arith.index_cast %sub3A_1415 : i32 to index
      %swap3A_1421 = arith.constant 80 : index
      %swap3A_1422 = tpu.vector_load %swap3A_1419[%swap3A_1420, %swap3A_1421] {strides = array<i32>} : memref<163x128xf32, #tpu.memory_space<vmem>>, vector<16xf32>,
      tpu.vector_store %swap3A_1419[%swap3A_1420, %swap3A_1421], %get3A_1411 {strides = array<i32>} : memref<163x128xf32, #tpu.memory_space<vmem>>, vector<16xf32>,
      %get3A_1423 = arith.constant 0 : i32
      %get3A_1424 = arith.constant 0 : i32
      %get3A_1425 = tpu.memref_slice %arg5[%scan3A_394, %get3A_1423, %get3A_1424] : memref<4x100x128xf32, #tpu.memory_space<vmem>> -> memref<1x100x128xf32, #tpu.memory_space<vmem>>
      %get3A_1426 = tpu.memref_squeeze %get3A_1425 : memref<1x100x128xf32, #tpu.memory_space<vmem>> -> memref<100x128xf32, #tpu.memory_space<vmem>>
      %get3A_1427 = arith.index_cast %scan3A_1315 : i32 to index
      %get3A_1428 = arith.constant 96 : index
      %get3A_1429 = tpu.vector_load %get3A_1426[%get3A_1427, %get3A_1428] {strides = array<i32>} : memref<100x128xf32, #tpu.memory_space<vmem>>, vector<16xf32>,
      %add3A_1430 = arith.constant 64 : i32
      %add3A_1431 = arith.addi %scan3A_1315, %add3A_1430 : i32
      %sub3A_1432 = arith.constant 1 : i32
      %sub3A_1433 = arith.subi %add3A_1431, %sub3A_1432 : i32
      %swap3A_1434 = arith.constant 0 : i32
      %swap3A_1435 = arith.constant 0 : i32
      %swap3A_1436 = tpu.memref_slice %arg6[%scan3A_395, %swap3A_1434, %swap3A_1435] : memref<2x163x128xf32, #tpu.memory_space<vmem>> -> memref<1x163x128xf32, #tpu.memory_space<vmem>>
      %swap3A_1437 = tpu.memref_squeeze %swap3A_1436 : memref<1x163x128xf32, #tpu.memory_space<vmem>> -> memref<163x128xf32, #tpu.memory_space<vmem>>
      %swap3A_1438 = arith.index_cast %sub3A_1433 : i32 to index
      %swap3A_1439 = arith.constant 96 : index
      %swap3A_1440 = tpu.vector_load %swap3A_1437[%swap3A_1438, %swap3A_1439] {strides = array<i32>} : memref<163x128xf32, #tpu.memory_space<vmem>>, vector<16xf32>,
      tpu.vector_store %swap3A_1437[%swap3A_1438, %swap3A_1439], %get3A_1429 {strides = array<i32>} : memref<163x128xf32, #tpu.memory_space<vmem>>, vector<16xf32>,
      %get3A_1441 = arith.constant 0 : i32
      %get3A_1442 = arith.constant 0 : i32
      %get3A_1443 = tpu.memref_slice %arg5[%scan3A_394, %get3A_1441, %get3A_1442] : memref<4x100x128xf32, #tpu.memory_space<vmem>> -> memref<1x100x128xf32, #tpu.memory_space<vmem>>
      %get3A_1444 = tpu.memref_squeeze %get3A_1443 : memref<1x100x128xf32, #tpu.memory_space<vmem>> -> memref<100x128xf32, #tpu.memory_space<vmem>>
      %get3A_1445 = arith.index_cast %scan3A_1315 : i32 to index
      %get3A_1446 = arith.constant 112 : index
      %get3A_1447 = tpu.vector_load %get3A_1444[%get3A_1445, %get3A_1446] {strides = array<i32>} : memref<100x128xf32, #tpu.memory_space<vmem>>, vector<16xf32>,
      %add3A_1448 = arith.constant 64 : i32
      %add3A_1449 = arith.addi %scan3A_1315, %add3A_1448 : i32
      %sub3A_1450 = arith.constant 1 : i32
      %sub3A_1451 = arith.subi %add3A_1449, %sub3A_1450 : i32
      %swap3A_1452 = arith.constant 0 : i32
      %swap3A_1453 = arith.constant 0 : i32
      %swap3A_1454 = tpu.memref_slice %arg6[%scan3A_395, %swap3A_1452, %swap3A_1453] : memref<2x163x128xf32, #tpu.memory_space<vmem>> -> memref<1x163x128xf32, #tpu.memory_space<vmem>>
      %swap3A_1455 = tpu.memref_squeeze %swap3A_1454 : memref<1x163x128xf32, #tpu.memory_space<vmem>> -> memref<163x128xf32, #tpu.memory_space<vmem>>
      %swap3A_1456 = arith.index_cast %sub3A_1451 : i32 to index
      %swap3A_1457 = arith.constant 112 : index
      %swap3A_1458 = tpu.vector_load %swap3A_1455[%swap3A_1456, %swap3A_1457] {strides = array<i32>} : memref<163x128xf32, #tpu.memory_space<vmem>>, vector<16xf32>,
      tpu.vector_store %swap3A_1455[%swap3A_1456, %swap3A_1457], %get3A_1447 {strides = array<i32>} : memref<163x128xf32, #tpu.memory_space<vmem>>, vector<16xf32>,
      %scan3A_1459 = arith.constant 0 : i32
      scf.yield %scan3A_1459 : i32
    }
    %scan3A_402 = arith.constant 49 : i32
    %scan3A_403 = arith.constant 1 : i32
    %scan3A_404 = arith.constant 0 : i32
    %scan3A_405 = arith.constant 50 : i32
    %scan3A_406 = arith.constant 64 : i32
    %scan3A_407 = arith.addi %scan3A_405, %scan3A_406 : i32
    %scan3A_408 = arith.constant 1 : i32
    %scan3A_409 = scf.for %scan3A_1315 = %scan3A_405 to %scan3A_407 step %scan3A_408 iter_args(%scan3A_1316 = %scan3A_404) -> (i32)  : i32 {
      %swap3A = arith.constant 0 : i32
      %swap3A_1317 = arith.constant 0 : i32
      %swap3A_1318 = tpu.memref_slice %arg6[%scan3A_403, %swap3A, %swap3A_1317] : memref<2x163x128xf32, #tpu.memory_space<vmem>> -> memref<1x163x128xf32, #tpu.memory_space<vmem>>
      %swap3A_1319 = tpu.memref_squeeze %swap3A_1318 : memref<1x163x128xf32, #tpu.memory_space<vmem>> -> memref<163x128xf32, #tpu.memory_space<vmem>>
      %swap3A_1320 = arith.index_cast %scan3A_1315 : i32 to index
      %swap3A_1321 = arith.constant 0 : index
      %swap3A_1322 = tpu.vector_load %swap3A_1319[%swap3A_1320, %swap3A_1321] {strides = array<i32>} : memref<163x128xf32, #tpu.memory_space<vmem>>, vector<16xf32>,
      tpu.vector_store %swap3A_1319[%swap3A_1320, %swap3A_1321], %broadcast_in_dim3A_1 {strides = array<i32>} : memref<163x128xf32, #tpu.memory_space<vmem>>, vector<16xf32>,
      %swap3A_1323 = arith.constant 0 : i32
      %swap3A_1324 = arith.constant 0 : i32
      %swap3A_1325 = tpu.memref_slice %arg6[%scan3A_403, %swap3A_1323, %swap3A_1324] : memref<2x163x128xf32, #tpu.memory_space<vmem>> -> memref<1x163x128xf32, #tpu.memory_space<vmem>>
      %swap3A_1326 = tpu.memref_squeeze %swap3A_1325 : memref<1x163x128xf32, #tpu.memory_space<vmem>> -> memref<163x128xf32, #tpu.memory_space<vmem>>
      %swap3A_1327 = arith.index_cast %scan3A_1315 : i32 to index
      %swap3A_1328 = arith.constant 16 : index
      %swap3A_1329 = tpu.vector_load %swap3A_1326[%swap3A_1327, %swap3A_1328] {strides = array<i32>} : memref<163x128xf32, #tpu.memory_space<vmem>>, vector<16xf32>,
      tpu.vector_store %swap3A_1326[%swap3A_1327, %swap3A_1328], %broadcast_in_dim3A_1 {strides = array<i32>} : memref<163x128xf32, #tpu.memory_space<vmem>>, vector<16xf32>,
      %swap3A_1330 = arith.constant 0 : i32
      %swap3A_1331 = arith.constant 0 : i32
      %swap3A_1332 = tpu.memref_slice %arg6[%scan3A_403, %swap3A_1330, %swap3A_1331] : memref<2x163x128xf32, #tpu.memory_space<vmem>> -> memref<1x163x128xf32, #tpu.memory_space<vmem>>
      %swap3A_1333 = tpu.memref_squeeze %swap3A_1332 : memref<1x163x128xf32, #tpu.memory_space<vmem>> -> memref<163x128xf32, #tpu.memory_space<vmem>>
      %swap3A_1334 = arith.index_cast %scan3A_1315 : i32 to index
      %swap3A_1335 = arith.constant 32 : index
      %swap3A_1336 = tpu.vector_load %swap3A_1333[%swap3A_1334, %swap3A_1335] {strides = array<i32>} : memref<163x128xf32, #tpu.memory_space<vmem>>, vector<16xf32>,
      tpu.vector_store %swap3A_1333[%swap3A_1334, %swap3A_1335], %broadcast_in_dim3A_1 {strides = array<i32>} : memref<163x128xf32, #tpu.memory_space<vmem>>, vector<16xf32>,
      %swap3A_1337 = arith.constant 0 : i32
      %swap3A_1338 = arith.constant 0 : i32
      %swap3A_1339 = tpu.memref_slice %arg6[%scan3A_403, %swap3A_1337, %swap3A_1338] : memref<2x163x128xf32, #tpu.memory_space<vmem>> -> memref<1x163x128xf32, #tpu.memory_space<vmem>>
      %swap3A_1340 = tpu.memref_squeeze %swap3A_1339 : memref<1x163x128xf32, #tpu.memory_space<vmem>> -> memref<163x128xf32, #tpu.memory_space<vmem>>
      %swap3A_1341 = arith.index_cast %scan3A_1315 : i32 to index
      %swap3A_1342 = arith.constant 48 : index
      %swap3A_1343 = tpu.vector_load %swap3A_1340[%swap3A_1341, %swap3A_1342] {strides = array<i32>} : memref<163x128xf32, #tpu.memory_space<vmem>>, vector<16xf32>,
      tpu.vector_store %swap3A_1340[%swap3A_1341, %swap3A_1342], %broadcast_in_dim3A_1 {strides = array<i32>} : memref<163x128xf32, #tpu.memory_space<vmem>>, vector<16xf32>,
      %swap3A_1344 = arith.constant 0 : i32
      %swap3A_1345 = arith.constant 0 : i32
      %swap3A_1346 = tpu.memref_slice %arg6[%scan3A_403, %swap3A_1344, %swap3A_1345] : memref<2x163x128xf32, #tpu.memory_space<vmem>> -> memref<1x163x128xf32, #tpu.memory_space<vmem>>
      %swap3A_1347 = tpu.memref_squeeze %swap3A_1346 : memref<1x163x128xf32, #tpu.memory_space<vmem>> -> memref<163x128xf32, #tpu.memory_space<vmem>>
      %swap3A_1348 = arith.index_cast %scan3A_1315 : i32 to index
      %swap3A_1349 = arith.constant 64 : index
      %swap3A_1350 = tpu.vector_load %swap3A_1347[%swap3A_1348, %swap3A_1349] {strides = array<i32>} : memref<163x128xf32, #tpu.memory_space<vmem>>, vector<16xf32>,
      tpu.vector_store %swap3A_1347[%swap3A_1348, %swap3A_1349], %broadcast_in_dim3A_1 {strides = array<i32>} : memref<163x128xf32, #tpu.memory_space<vmem>>, vector<16xf32>,
      %swap3A_1351 = arith.constant 0 : i32
      %swap3A_1352 = arith.constant 0 : i32
      %swap3A_1353 = tpu.memref_slice %arg6[%scan3A_403, %swap3A_1351, %swap3A_1352] : memref<2x163x128xf32, #tpu.memory_space<vmem>> -> memref<1x163x128xf32, #tpu.memory_space<vmem>>
      %swap3A_1354 = tpu.memref_squeeze %swap3A_1353 : memref<1x163x128xf32, #tpu.memory_space<vmem>> -> memref<163x128xf32, #tpu.memory_space<vmem>>
      %swap3A_1355 = arith.index_cast %scan3A_1315 : i32 to index
      %swap3A_1356 = arith.constant 80 : index
      %swap3A_1357 = tpu.vector_load %swap3A_1354[%swap3A_1355, %swap3A_1356] {strides = array<i32>} : memref<163x128xf32, #tpu.memory_space<vmem>>, vector<16xf32>,
      tpu.vector_store %swap3A_1354[%swap3A_1355, %swap3A_1356], %broadcast_in_dim3A_1 {strides = array<i32>} : memref<163x128xf32, #tpu.memory_space<vmem>>, vector<16xf32>,
      %swap3A_1358 = arith.constant 0 : i32
      %swap3A_1359 = arith.constant 0 : i32
      %swap3A_1360 = tpu.memref_slice %arg6[%scan3A_403, %swap3A_1358, %swap3A_1359] : memref<2x163x128xf32, #tpu.memory_space<vmem>> -> memref<1x163x128xf32, #tpu.memory_space<vmem>>
      %swap3A_1361 = tpu.memref_squeeze %swap3A_1360 : memref<1x163x128xf32, #tpu.memory_space<vmem>> -> memref<163x128xf32, #tpu.memory_space<vmem>>
      %swap3A_1362 = arith.index_cast %scan3A_1315 : i32 to index
      %swap3A_1363 = arith.constant 96 : index
      %swap3A_1364 = tpu.vector_load %swap3A_1361[%swap3A_1362, %swap3A_1363] {strides = array<i32>} : memref<163x128xf32, #tpu.memory_space<vmem>>, vector<16xf32>,
      tpu.vector_store %swap3A_1361[%swap3A_1362, %swap3A_1363], %broadcast_in_dim3A_1 {strides = array<i32>} : memref<163x128xf32, #tpu.memory_space<vmem>>, vector<16xf32>,
      %swap3A_1365 = arith.constant 0 : i32
      %swap3A_1366 = arith.constant 0 : i32
      %swap3A_1367 = tpu.memref_slice %arg6[%scan3A_403, %swap3A_1365, %swap3A_1366] : memref<2x163x128xf32, #tpu.memory_space<vmem>> -> memref<1x163x128xf32, #tpu.memory_space<vmem>>
      %swap3A_1368 = tpu.memref_squeeze %swap3A_1367 : memref<1x163x128xf32, #tpu.memory_space<vmem>> -> memref<163x128xf32, #tpu.memory_space<vmem>>
      %swap3A_1369 = arith.index_cast %scan3A_1315 : i32 to index
      %swap3A_1370 = arith.constant 112 : index
      %swap3A_1371 = tpu.vector_load %swap3A_1368[%swap3A_1369, %swap3A_1370] {strides = array<i32>} : memref<163x128xf32, #tpu.memory_space<vmem>>, vector<16xf32>,
      tpu.vector_store %swap3A_1368[%swap3A_1369, %swap3A_1370], %broadcast_in_dim3A_1 {strides = array<i32>} : memref<163x128xf32, #tpu.memory_space<vmem>>, vector<16xf32>,
      %scan3A_1372 = arith.constant 0 : i32
      scf.yield %scan3A_1372 : i32
    }
    %scan3A_410 = arith.constant 64 : i32
    %add3A_411 = arith.constant 0 : i32
    %add3A_412 = vector.broadcast %add3A_411 : i32 to vector<16xi32>
    %add3A_413 = arith.addi %iota3A, %add3A_412 : vector<16xi32>
    %get3A_414 = arith.constant 1 : i32
    %get3A_415 = arith.constant 50 : i32
    %get3A_416 = arith.constant 0 : i32
    %get3A_417 = arith.constant 0 : i32
    %get3A_418 = tpu.memref_slice %arg5[%get3A_414, %get3A_416, %get3A_417] : memref<4x100x128xf32, #tpu.memory_space<vmem>> -> memref<1x100x128xf32, #tpu.memory_space<vmem>>
    %get3A_419 = tpu.memref_squeeze %get3A_418 : memref<1x100x128xf32, #tpu.memory_space<vmem>> -> memref<100x128xf32, #tpu.memory_space<vmem>>
    %get3A_420 = arith.index_cast %get3A_415 : i32 to index
    %get3A_421 = arith.constant 0 : index
    %get3A_422 = tpu.vector_load %get3A_419[%get3A_420, %get3A_421] {strides = array<i32>} : memref<100x128xf32, #tpu.memory_space<vmem>>, vector<16xf32>,
    %convert_element_type3A_423 = arith.fptosi %get3A_422 : vector<16xf32> to vector<16xi32>
    %ge3A_424 = arith.constant 0 : i32
    %ge3A_425 = vector.broadcast %ge3A_424 : i32 to vector<16xi32>
    %ge3A_426 = arith.cmpi sge, %convert_element_type3A_423, %ge3A_425 : vector<16xi32>
    %lt3A_427 = arith.constant 64 : i32
    %lt3A_428 = vector.broadcast %lt3A_427 : i32 to vector<16xi32>
    %lt3A_429 = arith.cmpi slt, %convert_element_type3A_423, %lt3A_428 : vector<16xi32>
    %and3A_430 = arith.andi %ge3A_426, %lt3A_429 : vector<16xi1>
    %add3A_431 = arith.constant 50 : i32
    %add3A_432 = vector.broadcast %add3A_431 : i32 to vector<16xi32>
    %add3A_433 = arith.addi %convert_element_type3A_423, %add3A_432 : vector<16xi32>
    %scatter3A_434 = arith.constant 1 : i32
    %scatter3A_435 = arith.constant 0 : i32
    %scatter3A_436 = arith.constant 0 : i32
    %scatter3A_437 = tpu.memref_slice %arg6[%scatter3A_434, %scatter3A_435, %scatter3A_436] : memref<2x163x128xf32, #tpu.memory_space<vmem>> -> memref<1x163x128xf32, #tpu.memory_space<vmem>>
    %scatter3A_438 = tpu.memref_squeeze %scatter3A_437 : memref<1x163x128xf32, #tpu.memory_space<vmem>> -> memref<163x128xf32, #tpu.memory_space<vmem>>
    tpu.vector_store_idx %scatter3A_438[%add3A_433, %add3A_413], %get3A_81 masked %and3A_430 : memref<163x128xf32, #tpu.memory_space<vmem>>[vector<16xi32>, vector<16xi32>], vector<16xf32>, vector<16xi1>
    %add3A_439 = arith.constant 16 : i32
    %add3A_440 = vector.broadcast %add3A_439 : i32 to vector<16xi32>
    %add3A_441 = arith.addi %iota3A, %add3A_440 : vector<16xi32>
    %get3A_442 = arith.constant 1 : i32
    %get3A_443 = arith.constant 50 : i32
    %get3A_444 = arith.constant 0 : i32
    %get3A_445 = arith.constant 0 : i32
    %get3A_446 = tpu.memref_slice %arg5[%get3A_442, %get3A_444, %get3A_445] : memref<4x100x128xf32, #tpu.memory_space<vmem>> -> memref<1x100x128xf32, #tpu.memory_space<vmem>>
    %get3A_447 = tpu.memref_squeeze %get3A_446 : memref<1x100x128xf32, #tpu.memory_space<vmem>> -> memref<100x128xf32, #tpu.memory_space<vmem>>
    %get3A_448 = arith.index_cast %get3A_443 : i32 to index
    %get3A_449 = arith.constant 16 : index
    %get3A_450 = tpu.vector_load %get3A_447[%get3A_448, %get3A_449] {strides = array<i32>} : memref<100x128xf32, #tpu.memory_space<vmem>>, vector<16xf32>,
    %convert_element_type3A_451 = arith.fptosi %get3A_450 : vector<16xf32> to vector<16xi32>
    %ge3A_452 = arith.constant 0 : i32
    %ge3A_453 = vector.broadcast %ge3A_452 : i32 to vector<16xi32>
    %ge3A_454 = arith.cmpi sge, %convert_element_type3A_451, %ge3A_453 : vector<16xi32>
    %lt3A_455 = arith.constant 64 : i32
    %lt3A_456 = vector.broadcast %lt3A_455 : i32 to vector<16xi32>
    %lt3A_457 = arith.cmpi slt, %convert_element_type3A_451, %lt3A_456 : vector<16xi32>
    %and3A_458 = arith.andi %ge3A_454, %lt3A_457 : vector<16xi1>
    %add3A_459 = arith.constant 50 : i32
    %add3A_460 = vector.broadcast %add3A_459 : i32 to vector<16xi32>
    %add3A_461 = arith.addi %convert_element_type3A_451, %add3A_460 : vector<16xi32>
    %scatter3A_462 = arith.constant 1 : i32
    %scatter3A_463 = arith.constant 0 : i32
    %scatter3A_464 = arith.constant 0 : i32
    %scatter3A_465 = tpu.memref_slice %arg6[%scatter3A_462, %scatter3A_463, %scatter3A_464] : memref<2x163x128xf32, #tpu.memory_space<vmem>> -> memref<1x163x128xf32, #tpu.memory_space<vmem>>
    %scatter3A_466 = tpu.memref_squeeze %scatter3A_465 : memref<1x163x128xf32, #tpu.memory_space<vmem>> -> memref<163x128xf32, #tpu.memory_space<vmem>>
    tpu.vector_store_idx %scatter3A_466[%add3A_461, %add3A_441], %get3A_81 masked %and3A_458 : memref<163x128xf32, #tpu.memory_space<vmem>>[vector<16xi32>, vector<16xi32>], vector<16xf32>, vector<16xi1>
    %add3A_467 = arith.constant 32 : i32
    %add3A_468 = vector.broadcast %add3A_467 : i32 to vector<16xi32>
    %add3A_469 = arith.addi %iota3A, %add3A_468 : vector<16xi32>
    %get3A_470 = arith.constant 1 : i32
    %get3A_471 = arith.constant 50 : i32
    %get3A_472 = arith.constant 0 : i32
    %get3A_473 = arith.constant 0 : i32
    %get3A_474 = tpu.memref_slice %arg5[%get3A_470, %get3A_472, %get3A_473] : memref<4x100x128xf32, #tpu.memory_space<vmem>> -> memref<1x100x128xf32, #tpu.memory_space<vmem>>
    %get3A_475 = tpu.memref_squeeze %get3A_474 : memref<1x100x128xf32, #tpu.memory_space<vmem>> -> memref<100x128xf32, #tpu.memory_space<vmem>>
    %get3A_476 = arith.index_cast %get3A_471 : i32 to index
    %get3A_477 = arith.constant 32 : index
    %get3A_478 = tpu.vector_load %get3A_475[%get3A_476, %get3A_477] {strides = array<i32>} : memref<100x128xf32, #tpu.memory_space<vmem>>, vector<16xf32>,
    %convert_element_type3A_479 = arith.fptosi %get3A_478 : vector<16xf32> to vector<16xi32>
    %ge3A_480 = arith.constant 0 : i32
    %ge3A_481 = vector.broadcast %ge3A_480 : i32 to vector<16xi32>
    %ge3A_482 = arith.cmpi sge, %convert_element_type3A_479, %ge3A_481 : vector<16xi32>
    %lt3A_483 = arith.constant 64 : i32
    %lt3A_484 = vector.broadcast %lt3A_483 : i32 to vector<16xi32>
    %lt3A_485 = arith.cmpi slt, %convert_element_type3A_479, %lt3A_484 : vector<16xi32>
    %and3A_486 = arith.andi %ge3A_482, %lt3A_485 : vector<16xi1>
    %add3A_487 = arith.constant 50 : i32
    %add3A_488 = vector.broadcast %add3A_487 : i32 to vector<16xi32>
    %add3A_489 = arith.addi %convert_element_type3A_479, %add3A_488 : vector<16xi32>
    %scatter3A_490 = arith.constant 1 : i32
    %scatter3A_491 = arith.constant 0 : i32
    %scatter3A_492 = arith.constant 0 : i32
    %scatter3A_493 = tpu.memref_slice %arg6[%scatter3A_490, %scatter3A_491, %scatter3A_492] : memref<2x163x128xf32, #tpu.memory_space<vmem>> -> memref<1x163x128xf32, #tpu.memory_space<vmem>>
    %scatter3A_494 = tpu.memref_squeeze %scatter3A_493 : memref<1x163x128xf32, #tpu.memory_space<vmem>> -> memref<163x128xf32, #tpu.memory_space<vmem>>
    tpu.vector_store_idx %scatter3A_494[%add3A_489, %add3A_469], %get3A_81 masked %and3A_486 : memref<163x128xf32, #tpu.memory_space<vmem>>[vector<16xi32>, vector<16xi32>], vector<16xf32>, vector<16xi1>
    %add3A_495 = arith.constant 48 : i32
    %add3A_496 = vector.broadcast %add3A_495 : i32 to vector<16xi32>
    %add3A_497 = arith.addi %iota3A, %add3A_496 : vector<16xi32>
    %get3A_498 = arith.constant 1 : i32
    %get3A_499 = arith.constant 50 : i32
    %get3A_500 = arith.constant 0 : i32
    %get3A_501 = arith.constant 0 : i32
    %get3A_502 = tpu.memref_slice %arg5[%get3A_498, %get3A_500, %get3A_501] : memref<4x100x128xf32, #tpu.memory_space<vmem>> -> memref<1x100x128xf32, #tpu.memory_space<vmem>>
    %get3A_503 = tpu.memref_squeeze %get3A_502 : memref<1x100x128xf32, #tpu.memory_space<vmem>> -> memref<100x128xf32, #tpu.memory_space<vmem>>
    %get3A_504 = arith.index_cast %get3A_499 : i32 to index
    %get3A_505 = arith.constant 48 : index
    %get3A_506 = tpu.vector_load %get3A_503[%get3A_504, %get3A_505] {strides = array<i32>} : memref<100x128xf32, #tpu.memory_space<vmem>>, vector<16xf32>,
    %convert_element_type3A_507 = arith.fptosi %get3A_506 : vector<16xf32> to vector<16xi32>
    %ge3A_508 = arith.constant 0 : i32
    %ge3A_509 = vector.broadcast %ge3A_508 : i32 to vector<16xi32>
    %ge3A_510 = arith.cmpi sge, %convert_element_type3A_507, %ge3A_509 : vector<16xi32>
    %lt3A_511 = arith.constant 64 : i32
    %lt3A_512 = vector.broadcast %lt3A_511 : i32 to vector<16xi32>
    %lt3A_513 = arith.cmpi slt, %convert_element_type3A_507, %lt3A_512 : vector<16xi32>
    %and3A_514 = arith.andi %ge3A_510, %lt3A_513 : vector<16xi1>
    %add3A_515 = arith.constant 50 : i32
    %add3A_516 = vector.broadcast %add3A_515 : i32 to vector<16xi32>
    %add3A_517 = arith.addi %convert_element_type3A_507, %add3A_516 : vector<16xi32>
    %scatter3A_518 = arith.constant 1 : i32
    %scatter3A_519 = arith.constant 0 : i32
    %scatter3A_520 = arith.constant 0 : i32
    %scatter3A_521 = tpu.memref_slice %arg6[%scatter3A_518, %scatter3A_519, %scatter3A_520] : memref<2x163x128xf32, #tpu.memory_space<vmem>> -> memref<1x163x128xf32, #tpu.memory_space<vmem>>
    %scatter3A_522 = tpu.memref_squeeze %scatter3A_521 : memref<1x163x128xf32, #tpu.memory_space<vmem>> -> memref<163x128xf32, #tpu.memory_space<vmem>>
    tpu.vector_store_idx %scatter3A_522[%add3A_517, %add3A_497], %get3A_81 masked %and3A_514 : memref<163x128xf32, #tpu.memory_space<vmem>>[vector<16xi32>, vector<16xi32>], vector<16xf32>, vector<16xi1>
    %add3A_523 = arith.constant 64 : i32
    %add3A_524 = vector.broadcast %add3A_523 : i32 to vector<16xi32>
    %add3A_525 = arith.addi %iota3A, %add3A_524 : vector<16xi32>
    %get3A_526 = arith.constant 1 : i32
    %get3A_527 = arith.constant 50 : i32
    %get3A_528 = arith.constant 0 : i32
    %get3A_529 = arith.constant 0 : i32
    %get3A_530 = tpu.memref_slice %arg5[%get3A_526, %get3A_528, %get3A_529] : memref<4x100x128xf32, #tpu.memory_space<vmem>> -> memref<1x100x128xf32, #tpu.memory_space<vmem>>
    %get3A_531 = tpu.memref_squeeze %get3A_530 : memref<1x100x128xf32, #tpu.memory_space<vmem>> -> memref<100x128xf32, #tpu.memory_space<vmem>>
    %get3A_532 = arith.index_cast %get3A_527 : i32 to index
    %get3A_533 = arith.constant 64 : index
    %get3A_534 = tpu.vector_load %get3A_531[%get3A_532, %get3A_533] {strides = array<i32>} : memref<100x128xf32, #tpu.memory_space<vmem>>, vector<16xf32>,
    %convert_element_type3A_535 = arith.fptosi %get3A_534 : vector<16xf32> to vector<16xi32>
    %ge3A_536 = arith.constant 0 : i32
    %ge3A_537 = vector.broadcast %ge3A_536 : i32 to vector<16xi32>
    %ge3A_538 = arith.cmpi sge, %convert_element_type3A_535, %ge3A_537 : vector<16xi32>
    %lt3A_539 = arith.constant 64 : i32
    %lt3A_540 = vector.broadcast %lt3A_539 : i32 to vector<16xi32>
    %lt3A_541 = arith.cmpi slt, %convert_element_type3A_535, %lt3A_540 : vector<16xi32>
    %and3A_542 = arith.andi %ge3A_538, %lt3A_541 : vector<16xi1>
    %add3A_543 = arith.constant 50 : i32
    %add3A_544 = vector.broadcast %add3A_543 : i32 to vector<16xi32>
    %add3A_545 = arith.addi %convert_element_type3A_535, %add3A_544 : vector<16xi32>
    %scatter3A_546 = arith.constant 1 : i32
    %scatter3A_547 = arith.constant 0 : i32
    %scatter3A_548 = arith.constant 0 : i32
    %scatter3A_549 = tpu.memref_slice %arg6[%scatter3A_546, %scatter3A_547, %scatter3A_548] : memref<2x163x128xf32, #tpu.memory_space<vmem>> -> memref<1x163x128xf32, #tpu.memory_space<vmem>>
    %scatter3A_550 = tpu.memref_squeeze %scatter3A_549 : memref<1x163x128xf32, #tpu.memory_space<vmem>> -> memref<163x128xf32, #tpu.memory_space<vmem>>
    tpu.vector_store_idx %scatter3A_550[%add3A_545, %add3A_525], %get3A_81 masked %and3A_542 : memref<163x128xf32, #tpu.memory_space<vmem>>[vector<16xi32>, vector<16xi32>], vector<16xf32>, vector<16xi1>
    %add3A_551 = arith.constant 80 : i32
    %add3A_552 = vector.broadcast %add3A_551 : i32 to vector<16xi32>
    %add3A_553 = arith.addi %iota3A, %add3A_552 : vector<16xi32>
    %get3A_554 = arith.constant 1 : i32
    %get3A_555 = arith.constant 50 : i32
    %get3A_556 = arith.constant 0 : i32
    %get3A_557 = arith.constant 0 : i32
    %get3A_558 = tpu.memref_slice %arg5[%get3A_554, %get3A_556, %get3A_557] : memref<4x100x128xf32, #tpu.memory_space<vmem>> -> memref<1x100x128xf32, #tpu.memory_space<vmem>>
    %get3A_559 = tpu.memref_squeeze %get3A_558 : memref<1x100x128xf32, #tpu.memory_space<vmem>> -> memref<100x128xf32, #tpu.memory_space<vmem>>
    %get3A_560 = arith.index_cast %get3A_555 : i32 to index
    %get3A_561 = arith.constant 80 : index
    %get3A_562 = tpu.vector_load %get3A_559[%get3A_560, %get3A_561] {strides = array<i32>} : memref<100x128xf32, #tpu.memory_space<vmem>>, vector<16xf32>,
    %convert_element_type3A_563 = arith.fptosi %get3A_562 : vector<16xf32> to vector<16xi32>
    %ge3A_564 = arith.constant 0 : i32
    %ge3A_565 = vector.broadcast %ge3A_564 : i32 to vector<16xi32>
    %ge3A_566 = arith.cmpi sge, %convert_element_type3A_563, %ge3A_565 : vector<16xi32>
    %lt3A_567 = arith.constant 64 : i32
    %lt3A_568 = vector.broadcast %lt3A_567 : i32 to vector<16xi32>
    %lt3A_569 = arith.cmpi slt, %convert_element_type3A_563, %lt3A_568 : vector<16xi32>
    %and3A_570 = arith.andi %ge3A_566, %lt3A_569 : vector<16xi1>
    %add3A_571 = arith.constant 50 : i32
    %add3A_572 = vector.broadcast %add3A_571 : i32 to vector<16xi32>
    %add3A_573 = arith.addi %convert_element_type3A_563, %add3A_572 : vector<16xi32>
    %scatter3A_574 = arith.constant 1 : i32
    %scatter3A_575 = arith.constant 0 : i32
    %scatter3A_576 = arith.constant 0 : i32
    %scatter3A_577 = tpu.memref_slice %arg6[%scatter3A_574, %scatter3A_575, %scatter3A_576] : memref<2x163x128xf32, #tpu.memory_space<vmem>> -> memref<1x163x128xf32, #tpu.memory_space<vmem>>
    %scatter3A_578 = tpu.memref_squeeze %scatter3A_577 : memref<1x163x128xf32, #tpu.memory_space<vmem>> -> memref<163x128xf32, #tpu.memory_space<vmem>>
    tpu.vector_store_idx %scatter3A_578[%add3A_573, %add3A_553], %get3A_81 masked %and3A_570 : memref<163x128xf32, #tpu.memory_space<vmem>>[vector<16xi32>, vector<16xi32>], vector<16xf32>, vector<16xi1>
    %add3A_579 = arith.constant 96 : i32
    %add3A_580 = vector.broadcast %add3A_579 : i32 to vector<16xi32>
    %add3A_581 = arith.addi %iota3A, %add3A_580 : vector<16xi32>
    %get3A_582 = arith.constant 1 : i32
    %get3A_583 = arith.constant 50 : i32
    %get3A_584 = arith.constant 0 : i32
    %get3A_585 = arith.constant 0 : i32
    %get3A_586 = tpu.memref_slice %arg5[%get3A_582, %get3A_584, %get3A_585] : memref<4x100x128xf32, #tpu.memory_space<vmem>> -> memref<1x100x128xf32, #tpu.memory_space<vmem>>
    %get3A_587 = tpu.memref_squeeze %get3A_586 : memref<1x100x128xf32, #tpu.memory_space<vmem>> -> memref<100x128xf32, #tpu.memory_space<vmem>>
    %get3A_588 = arith.index_cast %get3A_583 : i32 to index
    %get3A_589 = arith.constant 96 : index
    %get3A_590 = tpu.vector_load %get3A_587[%get3A_588, %get3A_589] {strides = array<i32>} : memref<100x128xf32, #tpu.memory_space<vmem>>, vector<16xf32>,
    %convert_element_type3A_591 = arith.fptosi %get3A_590 : vector<16xf32> to vector<16xi32>
    %ge3A_592 = arith.constant 0 : i32
    %ge3A_593 = vector.broadcast %ge3A_592 : i32 to vector<16xi32>
    %ge3A_594 = arith.cmpi sge, %convert_element_type3A_591, %ge3A_593 : vector<16xi32>
    %lt3A_595 = arith.constant 64 : i32
    %lt3A_596 = vector.broadcast %lt3A_595 : i32 to vector<16xi32>
    %lt3A_597 = arith.cmpi slt, %convert_element_type3A_591, %lt3A_596 : vector<16xi32>
    %and3A_598 = arith.andi %ge3A_594, %lt3A_597 : vector<16xi1>
    %add3A_599 = arith.constant 50 : i32
    %add3A_600 = vector.broadcast %add3A_599 : i32 to vector<16xi32>
    %add3A_601 = arith.addi %convert_element_type3A_591, %add3A_600 : vector<16xi32>
    %scatter3A_602 = arith.constant 1 : i32
    %scatter3A_603 = arith.constant 0 : i32
    %scatter3A_604 = arith.constant 0 : i32
    %scatter3A_605 = tpu.memref_slice %arg6[%scatter3A_602, %scatter3A_603, %scatter3A_604] : memref<2x163x128xf32, #tpu.memory_space<vmem>> -> memref<1x163x128xf32, #tpu.memory_space<vmem>>
    %scatter3A_606 = tpu.memref_squeeze %scatter3A_605 : memref<1x163x128xf32, #tpu.memory_space<vmem>> -> memref<163x128xf32, #tpu.memory_space<vmem>>
    tpu.vector_store_idx %scatter3A_606[%add3A_601, %add3A_581], %get3A_81 masked %and3A_598 : memref<163x128xf32, #tpu.memory_space<vmem>>[vector<16xi32>, vector<16xi32>], vector<16xf32>, vector<16xi1>
    %add3A_607 = arith.constant 112 : i32
    %add3A_608 = vector.broadcast %add3A_607 : i32 to vector<16xi32>
    %add3A_609 = arith.addi %iota3A, %add3A_608 : vector<16xi32>
    %get3A_610 = arith.constant 1 : i32
    %get3A_611 = arith.constant 50 : i32
    %get3A_612 = arith.constant 0 : i32
    %get3A_613 = arith.constant 0 : i32
    %get3A_614 = tpu.memref_slice %arg5[%get3A_610, %get3A_612, %get3A_613] : memref<4x100x128xf32, #tpu.memory_space<vmem>> -> memref<1x100x128xf32, #tpu.memory_space<vmem>>
    %get3A_615 = tpu.memref_squeeze %get3A_614 : memref<1x100x128xf32, #tpu.memory_space<vmem>> -> memref<100x128xf32, #tpu.memory_space<vmem>>
    %get3A_616 = arith.index_cast %get3A_611 : i32 to index
    %get3A_617 = arith.constant 112 : index
    %get3A_618 = tpu.vector_load %get3A_615[%get3A_616, %get3A_617] {strides = array<i32>} : memref<100x128xf32, #tpu.memory_space<vmem>>, vector<16xf32>,
    %convert_element_type3A_619 = arith.fptosi %get3A_618 : vector<16xf32> to vector<16xi32>
    %ge3A_620 = arith.constant 0 : i32
    %ge3A_621 = vector.broadcast %ge3A_620 : i32 to vector<16xi32>
    %ge3A_622 = arith.cmpi sge, %convert_element_type3A_619, %ge3A_621 : vector<16xi32>
    %lt3A_623 = arith.constant 64 : i32
    %lt3A_624 = vector.broadcast %lt3A_623 : i32 to vector<16xi32>
    %lt3A_625 = arith.cmpi slt, %convert_element_type3A_619, %lt3A_624 : vector<16xi32>
    %and3A_626 = arith.andi %ge3A_622, %lt3A_625 : vector<16xi1>
    %add3A_627 = arith.constant 50 : i32
    %add3A_628 = vector.broadcast %add3A_627 : i32 to vector<16xi32>
    %add3A_629 = arith.addi %convert_element_type3A_619, %add3A_628 : vector<16xi32>
    %scatter3A_630 = arith.constant 1 : i32
    %scatter3A_631 = arith.constant 0 : i32
    %scatter3A_632 = arith.constant 0 : i32
    %scatter3A_633 = tpu.memref_slice %arg6[%scatter3A_630, %scatter3A_631, %scatter3A_632] : memref<2x163x128xf32, #tpu.memory_space<vmem>> -> memref<1x163x128xf32, #tpu.memory_space<vmem>>
    %scatter3A_634 = tpu.memref_squeeze %scatter3A_633 : memref<1x163x128xf32, #tpu.memory_space<vmem>> -> memref<163x128xf32, #tpu.memory_space<vmem>>
    tpu.vector_store_idx %scatter3A_634[%add3A_629, %add3A_609], %get3A_81 masked %and3A_626 : memref<163x128xf32, #tpu.memory_space<vmem>>[vector<16xi32>, vector<16xi32>], vector<16xf32>, vector<16xi1>
    %mul3A_635 = arith.constant 512 : i32
    %mul3A_636 = arith.muli %add3A, %mul3A_635 : i32
    %add3A_637 = arith.constant 128 : i32
    %add3A_638 = arith.addi %mul3A_636, %add3A_637 : i32
    %dma_start3A_639 = arith.constant 1 : i32
    %dma_start3A_640 = arith.constant 1 : i32
    %dma_start3A_641 = arith.constant 0 : i32
    %dma_start3A_642 = arith.constant 0 : i32
    %dma_start3A_643 = tpu.memref_slice %arg6[%dma_start3A_639, %dma_start3A_641, %dma_start3A_642] : memref<2x163x128xf32, #tpu.memory_space<vmem>> -> memref<1x163x128xf32, #tpu.memory_space<vmem>>
    %dma_start3A_644 = tpu.memref_squeeze %dma_start3A_643 : memref<1x163x128xf32, #tpu.memory_space<vmem>> -> memref<163x128xf32, #tpu.memory_space<vmem>>
    %dma_start3A_645 = arith.constant 0 : i32
    %dma_start3A_646 = tpu.memref_slice %arg4[%dma_start3A_645, %add3A_638] : memref<163x16384xf32, #tpu.memory_space<hbm>> -> memref<163x128xf32, #tpu.memory_space<hbm>>
    %dma_start3A_647 = tpu.memref_slice %arg9[%dma_start3A_640] : memref<2x!tpu.dma_semaphore, #tpu.memory_space<semaphore_mem>> -> memref<1x!tpu.dma_semaphore, #tpu.memory_space<semaphore_mem>>
    %dma_start3A_648 = tpu.memref_squeeze %dma_start3A_647 : memref<1x!tpu.dma_semaphore, #tpu.memory_space<semaphore_mem>> -> memref<!tpu.dma_semaphore, #tpu.memory_space<semaphore_mem>>
    %dma_start3A_649 = arith.constant 0 : i32
    %dma_start3A_650 = tpu.memref_slice %arg4[%dma_start3A_649, %add3A_638] : memref<163x16384xf32, #tpu.memory_space<hbm>> -> memref<163x128xf32, #tpu.memory_space<hbm>>
    %dma_start3A_651 = arith.constant 0 : i32
    %dma_start3A_652 = arith.constant 0 : i32
    %dma_start3A_653 = tpu.memref_slice %arg6[%dma_start3A_639, %dma_start3A_651, %dma_start3A_652] : memref<2x163x128xf32, #tpu.memory_space<vmem>> -> memref<1x163x128xf32, #tpu.memory_space<vmem>>
    %dma_start3A_654 = tpu.memref_squeeze %dma_start3A_653 : memref<1x163x128xf32, #tpu.memory_space<vmem>> -> memref<163x128xf32, #tpu.memory_space<vmem>>
    tpu.enqueue_dma source(%dma_start3A_654 : memref<163x128xf32, #tpu.memory_space<vmem>>) target(%dma_start3A_650 : memref<163x128xf32, #tpu.memory_space<hbm>>) target_semaphore(%dma_start3A_648 : memref<!tpu.dma_semaphore, #tpu.memory_space<semaphore_mem>>)
    %mul3A_655 = arith.constant 512 : i32
    %mul3A_656 = arith.muli %add3A, %mul3A_655 : i32
    %add3A_657 = arith.constant 256 : i32
    %add3A_658 = arith.addi %mul3A_656, %add3A_657 : i32
    %dma_wait3A_659 = arith.constant 2 : i32
    %dma_wait3A_660 = arith.constant 2 : i32
    %dma_wait3A_661 = arith.constant 0 : i32
    %dma_wait3A_662 = arith.constant 0 : i32
    %dma_wait3A_663 = tpu.memref_slice %arg5[%dma_wait3A_659, %dma_wait3A_661, %dma_wait3A_662] : memref<4x100x128xf32, #tpu.memory_space<vmem>> -> memref<1x100x128xf32, #tpu.memory_space<vmem>>
    %dma_wait3A_664 = tpu.memref_squeeze %dma_wait3A_663 : memref<1x100x128xf32, #tpu.memory_space<vmem>> -> memref<100x128xf32, #tpu.memory_space<vmem>>
    %dma_wait3A_665 = arith.constant 0 : i32
    %dma_wait3A_666 = tpu.memref_slice %arg2[%dma_wait3A_665, %add3A_658] : memref<100x16384xf32, #tpu.memory_space<hbm>> -> memref<100x128xf32, #tpu.memory_space<hbm>>
    %dma_wait3A_667 = tpu.memref_slice %arg8[%dma_wait3A_660] : memref<4x!tpu.dma_semaphore, #tpu.memory_space<semaphore_mem>> -> memref<1x!tpu.dma_semaphore, #tpu.memory_space<semaphore_mem>>
    %dma_wait3A_668 = tpu.memref_squeeze %dma_wait3A_667 : memref<1x!tpu.dma_semaphore, #tpu.memory_space<semaphore_mem>> -> memref<!tpu.dma_semaphore, #tpu.memory_space<semaphore_mem>>
    %dma_wait3A_669 = arith.constant 0 : i32
    %dma_wait3A_670 = arith.constant 0 : i32
    %dma_wait3A_671 = tpu.memref_slice %arg5[%dma_wait3A_659, %dma_wait3A_669, %dma_wait3A_670] : memref<4x100x128xf32, #tpu.memory_space<vmem>> -> memref<1x100x128xf32, #tpu.memory_space<vmem>>
    %dma_wait3A_672 = tpu.memref_squeeze %dma_wait3A_671 : memref<1x100x128xf32, #tpu.memory_space<vmem>> -> memref<100x128xf32, #tpu.memory_space<vmem>>
    %dma_wait3A_673 = arith.constant 0 : i32
    %dma_wait3A_674 = tpu.memref_slice %arg2[%dma_wait3A_673, %add3A_658] : memref<100x16384xf32, #tpu.memory_space<hbm>> -> memref<100x128xf32, #tpu.memory_space<hbm>>
    tpu.wait_dma2 semaphore(%dma_wait3A_668 : memref<!tpu.dma_semaphore, #tpu.memory_space<semaphore_mem>>) src(%dma_wait3A_674 : memref<100x128xf32, #tpu.memory_space<hbm>>) dst(%dma_wait3A_672 : memref<100x128xf32, #tpu.memory_space<vmem>>)
    %mul3A_675 = arith.constant 512 : i32
    %mul3A_676 = arith.muli %add3A, %mul3A_675 : i32
    %add3A_677 = arith.constant 0 : i32
    %add3A_678 = arith.addi %mul3A_676, %add3A_677 : i32
    %dma_wait3A_679 = arith.constant 0 : i32
    %dma_wait3A_680 = arith.constant 0 : i32
    %dma_wait3A_681 = arith.constant 0 : i32
    %dma_wait3A_682 = arith.constant 0 : i32
    %dma_wait3A_683 = tpu.memref_slice %arg6[%dma_wait3A_679, %dma_wait3A_681, %dma_wait3A_682] : memref<2x163x128xf32, #tpu.memory_space<vmem>> -> memref<1x163x128xf32, #tpu.memory_space<vmem>>
    %dma_wait3A_684 = tpu.memref_squeeze %dma_wait3A_683 : memref<1x163x128xf32, #tpu.memory_space<vmem>> -> memref<163x128xf32, #tpu.memory_space<vmem>>
    %dma_wait3A_685 = arith.constant 0 : i32
    %dma_wait3A_686 = tpu.memref_slice %arg4[%dma_wait3A_685, %add3A_678] : memref<163x16384xf32, #tpu.memory_space<hbm>> -> memref<163x128xf32, #tpu.memory_space<hbm>>
    %dma_wait3A_687 = tpu.memref_slice %arg9[%dma_wait3A_680] : memref<2x!tpu.dma_semaphore, #tpu.memory_space<semaphore_mem>> -> memref<1x!tpu.dma_semaphore, #tpu.memory_space<semaphore_mem>>
    %dma_wait3A_688 = tpu.memref_squeeze %dma_wait3A_687 : memref<1x!tpu.dma_semaphore, #tpu.memory_space<semaphore_mem>> -> memref<!tpu.dma_semaphore, #tpu.memory_space<semaphore_mem>>
    %dma_wait3A_689 = arith.constant 0 : i32
    %dma_wait3A_690 = tpu.memref_slice %arg4[%dma_wait3A_689, %add3A_678] : memref<163x16384xf32, #tpu.memory_space<hbm>> -> memref<163x128xf32, #tpu.memory_space<hbm>>
    %dma_wait3A_691 = arith.constant 0 : i32
    %dma_wait3A_692 = arith.constant 0 : i32
    %dma_wait3A_693 = tpu.memref_slice %arg6[%dma_wait3A_679, %dma_wait3A_691, %dma_wait3A_692] : memref<2x163x128xf32, #tpu.memory_space<vmem>> -> memref<1x163x128xf32, #tpu.memory_space<vmem>>
    %dma_wait3A_694 = tpu.memref_squeeze %dma_wait3A_693 : memref<1x163x128xf32, #tpu.memory_space<vmem>> -> memref<163x128xf32, #tpu.memory_space<vmem>>
    tpu.wait_dma2 semaphore(%dma_wait3A_688 : memref<!tpu.dma_semaphore, #tpu.memory_space<semaphore_mem>>) src(%dma_wait3A_694 : memref<163x128xf32, #tpu.memory_space<vmem>>) dst(%dma_wait3A_690 : memref<163x128xf32, #tpu.memory_space<hbm>>)
    %scan3A_695 = arith.constant 2 : i32
    %scan3A_696 = arith.constant 0 : i32
    %scan3A_697 = arith.constant 0 : i32
    %scan3A_698 = arith.constant 0 : i32
    %scan3A_699 = arith.constant 50 : i32
    %scan3A_700 = arith.addi %scan3A_698, %scan3A_699 : i32
    %scan3A_701 = arith.constant 1 : i32
    %scan3A_702 = scf.for %scan3A_1315 = %scan3A_698 to %scan3A_700 step %scan3A_701 iter_args(%scan3A_1316 = %scan3A_697) -> (i32)  : i32 {
      %get3A_1317 = arith.constant 0 : i32
      %get3A_1318 = arith.constant 0 : i32
      %get3A_1319 = tpu.memref_slice %arg5[%scan3A_695, %get3A_1317, %get3A_1318] : memref<4x100x128xf32, #tpu.memory_space<vmem>> -> memref<1x100x128xf32, #tpu.memory_space<vmem>>
      %get3A_1320 = tpu.memref_squeeze %get3A_1319 : memref<1x100x128xf32, #tpu.memory_space<vmem>> -> memref<100x128xf32, #tpu.memory_space<vmem>>
      %get3A_1321 = arith.index_cast %scan3A_1315 : i32 to index
      %get3A_1322 = arith.constant 0 : index
      %get3A_1323 = tpu.vector_load %get3A_1320[%get3A_1321, %get3A_1322] {strides = array<i32>} : memref<100x128xf32, #tpu.memory_space<vmem>>, vector<16xf32>,
      %swap3A = arith.constant 0 : i32
      %swap3A_1324 = arith.constant 0 : i32
      %swap3A_1325 = tpu.memref_slice %arg6[%scan3A_696, %swap3A, %swap3A_1324] : memref<2x163x128xf32, #tpu.memory_space<vmem>> -> memref<1x163x128xf32, #tpu.memory_space<vmem>>
      %swap3A_1326 = tpu.memref_squeeze %swap3A_1325 : memref<1x163x128xf32, #tpu.memory_space<vmem>> -> memref<163x128xf32, #tpu.memory_space<vmem>>
      %swap3A_1327 = arith.index_cast %scan3A_1315 : i32 to index
      %swap3A_1328 = arith.constant 0 : index
      %swap3A_1329 = tpu.vector_load %swap3A_1326[%swap3A_1327, %swap3A_1328] {strides = array<i32>} : memref<163x128xf32, #tpu.memory_space<vmem>>, vector<16xf32>,
      tpu.vector_store %swap3A_1326[%swap3A_1327, %swap3A_1328], %get3A_1323 {strides = array<i32>} : memref<163x128xf32, #tpu.memory_space<vmem>>, vector<16xf32>,
      %get3A_1330 = arith.constant 0 : i32
      %get3A_1331 = arith.constant 0 : i32
      %get3A_1332 = tpu.memref_slice %arg5[%scan3A_695, %get3A_1330, %get3A_1331] : memref<4x100x128xf32, #tpu.memory_space<vmem>> -> memref<1x100x128xf32, #tpu.memory_space<vmem>>
      %get3A_1333 = tpu.memref_squeeze %get3A_1332 : memref<1x100x128xf32, #tpu.memory_space<vmem>> -> memref<100x128xf32, #tpu.memory_space<vmem>>
      %get3A_1334 = arith.index_cast %scan3A_1315 : i32 to index
      %get3A_1335 = arith.constant 16 : index
      %get3A_1336 = tpu.vector_load %get3A_1333[%get3A_1334, %get3A_1335] {strides = array<i32>} : memref<100x128xf32, #tpu.memory_space<vmem>>, vector<16xf32>,
      %swap3A_1337 = arith.constant 0 : i32
      %swap3A_1338 = arith.constant 0 : i32
      %swap3A_1339 = tpu.memref_slice %arg6[%scan3A_696, %swap3A_1337, %swap3A_1338] : memref<2x163x128xf32, #tpu.memory_space<vmem>> -> memref<1x163x128xf32, #tpu.memory_space<vmem>>
      %swap3A_1340 = tpu.memref_squeeze %swap3A_1339 : memref<1x163x128xf32, #tpu.memory_space<vmem>> -> memref<163x128xf32, #tpu.memory_space<vmem>>
      %swap3A_1341 = arith.index_cast %scan3A_1315 : i32 to index
      %swap3A_1342 = arith.constant 16 : index
      %swap3A_1343 = tpu.vector_load %swap3A_1340[%swap3A_1341, %swap3A_1342] {strides = array<i32>} : memref<163x128xf32, #tpu.memory_space<vmem>>, vector<16xf32>,
      tpu.vector_store %swap3A_1340[%swap3A_1341, %swap3A_1342], %get3A_1336 {strides = array<i32>} : memref<163x128xf32, #tpu.memory_space<vmem>>, vector<16xf32>,
      %get3A_1344 = arith.constant 0 : i32
      %get3A_1345 = arith.constant 0 : i32
      %get3A_1346 = tpu.memref_slice %arg5[%scan3A_695, %get3A_1344, %get3A_1345] : memref<4x100x128xf32, #tpu.memory_space<vmem>> -> memref<1x100x128xf32, #tpu.memory_space<vmem>>
      %get3A_1347 = tpu.memref_squeeze %get3A_1346 : memref<1x100x128xf32, #tpu.memory_space<vmem>> -> memref<100x128xf32, #tpu.memory_space<vmem>>
      %get3A_1348 = arith.index_cast %scan3A_1315 : i32 to index
      %get3A_1349 = arith.constant 32 : index
      %get3A_1350 = tpu.vector_load %get3A_1347[%get3A_1348, %get3A_1349] {strides = array<i32>} : memref<100x128xf32, #tpu.memory_space<vmem>>, vector<16xf32>,
      %swap3A_1351 = arith.constant 0 : i32
      %swap3A_1352 = arith.constant 0 : i32
      %swap3A_1353 = tpu.memref_slice %arg6[%scan3A_696, %swap3A_1351, %swap3A_1352] : memref<2x163x128xf32, #tpu.memory_space<vmem>> -> memref<1x163x128xf32, #tpu.memory_space<vmem>>
      %swap3A_1354 = tpu.memref_squeeze %swap3A_1353 : memref<1x163x128xf32, #tpu.memory_space<vmem>> -> memref<163x128xf32, #tpu.memory_space<vmem>>
      %swap3A_1355 = arith.index_cast %scan3A_1315 : i32 to index
      %swap3A_1356 = arith.constant 32 : index
      %swap3A_1357 = tpu.vector_load %swap3A_1354[%swap3A_1355, %swap3A_1356] {strides = array<i32>} : memref<163x128xf32, #tpu.memory_space<vmem>>, vector<16xf32>,
      tpu.vector_store %swap3A_1354[%swap3A_1355, %swap3A_1356], %get3A_1350 {strides = array<i32>} : memref<163x128xf32, #tpu.memory_space<vmem>>, vector<16xf32>,
      %get3A_1358 = arith.constant 0 : i32
      %get3A_1359 = arith.constant 0 : i32
      %get3A_1360 = tpu.memref_slice %arg5[%scan3A_695, %get3A_1358, %get3A_1359] : memref<4x100x128xf32, #tpu.memory_space<vmem>> -> memref<1x100x128xf32, #tpu.memory_space<vmem>>
      %get3A_1361 = tpu.memref_squeeze %get3A_1360 : memref<1x100x128xf32, #tpu.memory_space<vmem>> -> memref<100x128xf32, #tpu.memory_space<vmem>>
      %get3A_1362 = arith.index_cast %scan3A_1315 : i32 to index
      %get3A_1363 = arith.constant 48 : index
      %get3A_1364 = tpu.vector_load %get3A_1361[%get3A_1362, %get3A_1363] {strides = array<i32>} : memref<100x128xf32, #tpu.memory_space<vmem>>, vector<16xf32>,
      %swap3A_1365 = arith.constant 0 : i32
      %swap3A_1366 = arith.constant 0 : i32
      %swap3A_1367 = tpu.memref_slice %arg6[%scan3A_696, %swap3A_1365, %swap3A_1366] : memref<2x163x128xf32, #tpu.memory_space<vmem>> -> memref<1x163x128xf32, #tpu.memory_space<vmem>>
      %swap3A_1368 = tpu.memref_squeeze %swap3A_1367 : memref<1x163x128xf32, #tpu.memory_space<vmem>> -> memref<163x128xf32, #tpu.memory_space<vmem>>
      %swap3A_1369 = arith.index_cast %scan3A_1315 : i32 to index
      %swap3A_1370 = arith.constant 48 : index
      %swap3A_1371 = tpu.vector_load %swap3A_1368[%swap3A_1369, %swap3A_1370] {strides = array<i32>} : memref<163x128xf32, #tpu.memory_space<vmem>>, vector<16xf32>,
      tpu.vector_store %swap3A_1368[%swap3A_1369, %swap3A_1370], %get3A_1364 {strides = array<i32>} : memref<163x128xf32, #tpu.memory_space<vmem>>, vector<16xf32>,
      %get3A_1372 = arith.constant 0 : i32
      %get3A_1373 = arith.constant 0 : i32
      %get3A_1374 = tpu.memref_slice %arg5[%scan3A_695, %get3A_1372, %get3A_1373] : memref<4x100x128xf32, #tpu.memory_space<vmem>> -> memref<1x100x128xf32, #tpu.memory_space<vmem>>
      %get3A_1375 = tpu.memref_squeeze %get3A_1374 : memref<1x100x128xf32, #tpu.memory_space<vmem>> -> memref<100x128xf32, #tpu.memory_space<vmem>>
      %get3A_1376 = arith.index_cast %scan3A_1315 : i32 to index
      %get3A_1377 = arith.constant 64 : index
      %get3A_1378 = tpu.vector_load %get3A_1375[%get3A_1376, %get3A_1377] {strides = array<i32>} : memref<100x128xf32, #tpu.memory_space<vmem>>, vector<16xf32>,
      %swap3A_1379 = arith.constant 0 : i32
      %swap3A_1380 = arith.constant 0 : i32
      %swap3A_1381 = tpu.memref_slice %arg6[%scan3A_696, %swap3A_1379, %swap3A_1380] : memref<2x163x128xf32, #tpu.memory_space<vmem>> -> memref<1x163x128xf32, #tpu.memory_space<vmem>>
      %swap3A_1382 = tpu.memref_squeeze %swap3A_1381 : memref<1x163x128xf32, #tpu.memory_space<vmem>> -> memref<163x128xf32, #tpu.memory_space<vmem>>
      %swap3A_1383 = arith.index_cast %scan3A_1315 : i32 to index
      %swap3A_1384 = arith.constant 64 : index
      %swap3A_1385 = tpu.vector_load %swap3A_1382[%swap3A_1383, %swap3A_1384] {strides = array<i32>} : memref<163x128xf32, #tpu.memory_space<vmem>>, vector<16xf32>,
      tpu.vector_store %swap3A_1382[%swap3A_1383, %swap3A_1384], %get3A_1378 {strides = array<i32>} : memref<163x128xf32, #tpu.memory_space<vmem>>, vector<16xf32>,
      %get3A_1386 = arith.constant 0 : i32
      %get3A_1387 = arith.constant 0 : i32
      %get3A_1388 = tpu.memref_slice %arg5[%scan3A_695, %get3A_1386, %get3A_1387] : memref<4x100x128xf32, #tpu.memory_space<vmem>> -> memref<1x100x128xf32, #tpu.memory_space<vmem>>
      %get3A_1389 = tpu.memref_squeeze %get3A_1388 : memref<1x100x128xf32, #tpu.memory_space<vmem>> -> memref<100x128xf32, #tpu.memory_space<vmem>>
      %get3A_1390 = arith.index_cast %scan3A_1315 : i32 to index
      %get3A_1391 = arith.constant 80 : index
      %get3A_1392 = tpu.vector_load %get3A_1389[%get3A_1390, %get3A_1391] {strides = array<i32>} : memref<100x128xf32, #tpu.memory_space<vmem>>, vector<16xf32>,
      %swap3A_1393 = arith.constant 0 : i32
      %swap3A_1394 = arith.constant 0 : i32
      %swap3A_1395 = tpu.memref_slice %arg6[%scan3A_696, %swap3A_1393, %swap3A_1394] : memref<2x163x128xf32, #tpu.memory_space<vmem>> -> memref<1x163x128xf32, #tpu.memory_space<vmem>>
      %swap3A_1396 = tpu.memref_squeeze %swap3A_1395 : memref<1x163x128xf32, #tpu.memory_space<vmem>> -> memref<163x128xf32, #tpu.memory_space<vmem>>
      %swap3A_1397 = arith.index_cast %scan3A_1315 : i32 to index
      %swap3A_1398 = arith.constant 80 : index
      %swap3A_1399 = tpu.vector_load %swap3A_1396[%swap3A_1397, %swap3A_1398] {strides = array<i32>} : memref<163x128xf32, #tpu.memory_space<vmem>>, vector<16xf32>,
      tpu.vector_store %swap3A_1396[%swap3A_1397, %swap3A_1398], %get3A_1392 {strides = array<i32>} : memref<163x128xf32, #tpu.memory_space<vmem>>, vector<16xf32>,
      %get3A_1400 = arith.constant 0 : i32
      %get3A_1401 = arith.constant 0 : i32
      %get3A_1402 = tpu.memref_slice %arg5[%scan3A_695, %get3A_1400, %get3A_1401] : memref<4x100x128xf32, #tpu.memory_space<vmem>> -> memref<1x100x128xf32, #tpu.memory_space<vmem>>
      %get3A_1403 = tpu.memref_squeeze %get3A_1402 : memref<1x100x128xf32, #tpu.memory_space<vmem>> -> memref<100x128xf32, #tpu.memory_space<vmem>>
      %get3A_1404 = arith.index_cast %scan3A_1315 : i32 to index
      %get3A_1405 = arith.constant 96 : index
      %get3A_1406 = tpu.vector_load %get3A_1403[%get3A_1404, %get3A_1405] {strides = array<i32>} : memref<100x128xf32, #tpu.memory_space<vmem>>, vector<16xf32>,
      %swap3A_1407 = arith.constant 0 : i32
      %swap3A_1408 = arith.constant 0 : i32
      %swap3A_1409 = tpu.memref_slice %arg6[%scan3A_696, %swap3A_1407, %swap3A_1408] : memref<2x163x128xf32, #tpu.memory_space<vmem>> -> memref<1x163x128xf32, #tpu.memory_space<vmem>>
      %swap3A_1410 = tpu.memref_squeeze %swap3A_1409 : memref<1x163x128xf32, #tpu.memory_space<vmem>> -> memref<163x128xf32, #tpu.memory_space<vmem>>
      %swap3A_1411 = arith.index_cast %scan3A_1315 : i32 to index
      %swap3A_1412 = arith.constant 96 : index
      %swap3A_1413 = tpu.vector_load %swap3A_1410[%swap3A_1411, %swap3A_1412] {strides = array<i32>} : memref<163x128xf32, #tpu.memory_space<vmem>>, vector<16xf32>,
      tpu.vector_store %swap3A_1410[%swap3A_1411, %swap3A_1412], %get3A_1406 {strides = array<i32>} : memref<163x128xf32, #tpu.memory_space<vmem>>, vector<16xf32>,
      %get3A_1414 = arith.constant 0 : i32
      %get3A_1415 = arith.constant 0 : i32
      %get3A_1416 = tpu.memref_slice %arg5[%scan3A_695, %get3A_1414, %get3A_1415] : memref<4x100x128xf32, #tpu.memory_space<vmem>> -> memref<1x100x128xf32, #tpu.memory_space<vmem>>
      %get3A_1417 = tpu.memref_squeeze %get3A_1416 : memref<1x100x128xf32, #tpu.memory_space<vmem>> -> memref<100x128xf32, #tpu.memory_space<vmem>>
      %get3A_1418 = arith.index_cast %scan3A_1315 : i32 to index
      %get3A_1419 = arith.constant 112 : index
      %get3A_1420 = tpu.vector_load %get3A_1417[%get3A_1418, %get3A_1419] {strides = array<i32>} : memref<100x128xf32, #tpu.memory_space<vmem>>, vector<16xf32>,
      %swap3A_1421 = arith.constant 0 : i32
      %swap3A_1422 = arith.constant 0 : i32
      %swap3A_1423 = tpu.memref_slice %arg6[%scan3A_696, %swap3A_1421, %swap3A_1422] : memref<2x163x128xf32, #tpu.memory_space<vmem>> -> memref<1x163x128xf32, #tpu.memory_space<vmem>>
      %swap3A_1424 = tpu.memref_squeeze %swap3A_1423 : memref<1x163x128xf32, #tpu.memory_space<vmem>> -> memref<163x128xf32, #tpu.memory_space<vmem>>
      %swap3A_1425 = arith.index_cast %scan3A_1315 : i32 to index
      %swap3A_1426 = arith.constant 112 : index
      %swap3A_1427 = tpu.vector_load %swap3A_1424[%swap3A_1425, %swap3A_1426] {strides = array<i32>} : memref<163x128xf32, #tpu.memory_space<vmem>>, vector<16xf32>,
      tpu.vector_store %swap3A_1424[%swap3A_1425, %swap3A_1426], %get3A_1420 {strides = array<i32>} : memref<163x128xf32, #tpu.memory_space<vmem>>, vector<16xf32>,
      %scan3A_1428 = arith.constant 0 : i32
      scf.yield %scan3A_1428 : i32
    }
    %scan3A_703 = arith.constant 50 : i32
    %scan3A_704 = arith.constant 2 : i32
    %scan3A_705 = arith.constant 0 : i32
    %scan3A_706 = arith.constant 0 : i32
    %scan3A_707 = arith.constant 51 : i32
    %scan3A_708 = arith.constant 49 : i32
    %scan3A_709 = arith.addi %scan3A_707, %scan3A_708 : i32
    %scan3A_710 = arith.constant 1 : i32
    %scan3A_711 = scf.for %scan3A_1315 = %scan3A_707 to %scan3A_709 step %scan3A_710 iter_args(%scan3A_1316 = %scan3A_706) -> (i32)  : i32 {
      %get3A_1317 = arith.constant 0 : i32
      %get3A_1318 = arith.constant 0 : i32
      %get3A_1319 = tpu.memref_slice %arg5[%scan3A_704, %get3A_1317, %get3A_1318] : memref<4x100x128xf32, #tpu.memory_space<vmem>> -> memref<1x100x128xf32, #tpu.memory_space<vmem>>
      %get3A_1320 = tpu.memref_squeeze %get3A_1319 : memref<1x100x128xf32, #tpu.memory_space<vmem>> -> memref<100x128xf32, #tpu.memory_space<vmem>>
      %get3A_1321 = arith.index_cast %scan3A_1315 : i32 to index
      %get3A_1322 = arith.constant 0 : index
      %get3A_1323 = tpu.vector_load %get3A_1320[%get3A_1321, %get3A_1322] {strides = array<i32>} : memref<100x128xf32, #tpu.memory_space<vmem>>, vector<16xf32>,
      %add3A_1324 = arith.constant 64 : i32
      %add3A_1325 = arith.addi %scan3A_1315, %add3A_1324 : i32
      %sub3A = arith.constant 1 : i32
      %sub3A_1326 = arith.subi %add3A_1325, %sub3A : i32
      %swap3A = arith.constant 0 : i32
      %swap3A_1327 = arith.constant 0 : i32
      %swap3A_1328 = tpu.memref_slice %arg6[%scan3A_705, %swap3A, %swap3A_1327] : memref<2x163x128xf32, #tpu.memory_space<vmem>> -> memref<1x163x128xf32, #tpu.memory_space<vmem>>
      %swap3A_1329 = tpu.memref_squeeze %swap3A_1328 : memref<1x163x128xf32, #tpu.memory_space<vmem>> -> memref<163x128xf32, #tpu.memory_space<vmem>>
      %swap3A_1330 = arith.index_cast %sub3A_1326 : i32 to index
      %swap3A_1331 = arith.constant 0 : index
      %swap3A_1332 = tpu.vector_load %swap3A_1329[%swap3A_1330, %swap3A_1331] {strides = array<i32>} : memref<163x128xf32, #tpu.memory_space<vmem>>, vector<16xf32>,
      tpu.vector_store %swap3A_1329[%swap3A_1330, %swap3A_1331], %get3A_1323 {strides = array<i32>} : memref<163x128xf32, #tpu.memory_space<vmem>>, vector<16xf32>,
      %get3A_1333 = arith.constant 0 : i32
      %get3A_1334 = arith.constant 0 : i32
      %get3A_1335 = tpu.memref_slice %arg5[%scan3A_704, %get3A_1333, %get3A_1334] : memref<4x100x128xf32, #tpu.memory_space<vmem>> -> memref<1x100x128xf32, #tpu.memory_space<vmem>>
      %get3A_1336 = tpu.memref_squeeze %get3A_1335 : memref<1x100x128xf32, #tpu.memory_space<vmem>> -> memref<100x128xf32, #tpu.memory_space<vmem>>
      %get3A_1337 = arith.index_cast %scan3A_1315 : i32 to index
      %get3A_1338 = arith.constant 16 : index
      %get3A_1339 = tpu.vector_load %get3A_1336[%get3A_1337, %get3A_1338] {strides = array<i32>} : memref<100x128xf32, #tpu.memory_space<vmem>>, vector<16xf32>,
      %add3A_1340 = arith.constant 64 : i32
      %add3A_1341 = arith.addi %scan3A_1315, %add3A_1340 : i32
      %sub3A_1342 = arith.constant 1 : i32
      %sub3A_1343 = arith.subi %add3A_1341, %sub3A_1342 : i32
      %swap3A_1344 = arith.constant 0 : i32
      %swap3A_1345 = arith.constant 0 : i32
      %swap3A_1346 = tpu.memref_slice %arg6[%scan3A_705, %swap3A_1344, %swap3A_1345] : memref<2x163x128xf32, #tpu.memory_space<vmem>> -> memref<1x163x128xf32, #tpu.memory_space<vmem>>
      %swap3A_1347 = tpu.memref_squeeze %swap3A_1346 : memref<1x163x128xf32, #tpu.memory_space<vmem>> -> memref<163x128xf32, #tpu.memory_space<vmem>>
      %swap3A_1348 = arith.index_cast %sub3A_1343 : i32 to index
      %swap3A_1349 = arith.constant 16 : index
      %swap3A_1350 = tpu.vector_load %swap3A_1347[%swap3A_1348, %swap3A_1349] {strides = array<i32>} : memref<163x128xf32, #tpu.memory_space<vmem>>, vector<16xf32>,
      tpu.vector_store %swap3A_1347[%swap3A_1348, %swap3A_1349], %get3A_1339 {strides = array<i32>} : memref<163x128xf32, #tpu.memory_space<vmem>>, vector<16xf32>,
      %get3A_1351 = arith.constant 0 : i32
      %get3A_1352 = arith.constant 0 : i32
      %get3A_1353 = tpu.memref_slice %arg5[%scan3A_704, %get3A_1351, %get3A_1352] : memref<4x100x128xf32, #tpu.memory_space<vmem>> -> memref<1x100x128xf32, #tpu.memory_space<vmem>>
      %get3A_1354 = tpu.memref_squeeze %get3A_1353 : memref<1x100x128xf32, #tpu.memory_space<vmem>> -> memref<100x128xf32, #tpu.memory_space<vmem>>
      %get3A_1355 = arith.index_cast %scan3A_1315 : i32 to index
      %get3A_1356 = arith.constant 32 : index
      %get3A_1357 = tpu.vector_load %get3A_1354[%get3A_1355, %get3A_1356] {strides = array<i32>} : memref<100x128xf32, #tpu.memory_space<vmem>>, vector<16xf32>,
      %add3A_1358 = arith.constant 64 : i32
      %add3A_1359 = arith.addi %scan3A_1315, %add3A_1358 : i32
      %sub3A_1360 = arith.constant 1 : i32
      %sub3A_1361 = arith.subi %add3A_1359, %sub3A_1360 : i32
      %swap3A_1362 = arith.constant 0 : i32
      %swap3A_1363 = arith.constant 0 : i32
      %swap3A_1364 = tpu.memref_slice %arg6[%scan3A_705, %swap3A_1362, %swap3A_1363] : memref<2x163x128xf32, #tpu.memory_space<vmem>> -> memref<1x163x128xf32, #tpu.memory_space<vmem>>
      %swap3A_1365 = tpu.memref_squeeze %swap3A_1364 : memref<1x163x128xf32, #tpu.memory_space<vmem>> -> memref<163x128xf32, #tpu.memory_space<vmem>>
      %swap3A_1366 = arith.index_cast %sub3A_1361 : i32 to index
      %swap3A_1367 = arith.constant 32 : index
      %swap3A_1368 = tpu.vector_load %swap3A_1365[%swap3A_1366, %swap3A_1367] {strides = array<i32>} : memref<163x128xf32, #tpu.memory_space<vmem>>, vector<16xf32>,
      tpu.vector_store %swap3A_1365[%swap3A_1366, %swap3A_1367], %get3A_1357 {strides = array<i32>} : memref<163x128xf32, #tpu.memory_space<vmem>>, vector<16xf32>,
      %get3A_1369 = arith.constant 0 : i32
      %get3A_1370 = arith.constant 0 : i32
      %get3A_1371 = tpu.memref_slice %arg5[%scan3A_704, %get3A_1369, %get3A_1370] : memref<4x100x128xf32, #tpu.memory_space<vmem>> -> memref<1x100x128xf32, #tpu.memory_space<vmem>>
      %get3A_1372 = tpu.memref_squeeze %get3A_1371 : memref<1x100x128xf32, #tpu.memory_space<vmem>> -> memref<100x128xf32, #tpu.memory_space<vmem>>
      %get3A_1373 = arith.index_cast %scan3A_1315 : i32 to index
      %get3A_1374 = arith.constant 48 : index
      %get3A_1375 = tpu.vector_load %get3A_1372[%get3A_1373, %get3A_1374] {strides = array<i32>} : memref<100x128xf32, #tpu.memory_space<vmem>>, vector<16xf32>,
      %add3A_1376 = arith.constant 64 : i32
      %add3A_1377 = arith.addi %scan3A_1315, %add3A_1376 : i32
      %sub3A_1378 = arith.constant 1 : i32
      %sub3A_1379 = arith.subi %add3A_1377, %sub3A_1378 : i32
      %swap3A_1380 = arith.constant 0 : i32
      %swap3A_1381 = arith.constant 0 : i32
      %swap3A_1382 = tpu.memref_slice %arg6[%scan3A_705, %swap3A_1380, %swap3A_1381] : memref<2x163x128xf32, #tpu.memory_space<vmem>> -> memref<1x163x128xf32, #tpu.memory_space<vmem>>
      %swap3A_1383 = tpu.memref_squeeze %swap3A_1382 : memref<1x163x128xf32, #tpu.memory_space<vmem>> -> memref<163x128xf32, #tpu.memory_space<vmem>>
      %swap3A_1384 = arith.index_cast %sub3A_1379 : i32 to index
      %swap3A_1385 = arith.constant 48 : index
      %swap3A_1386 = tpu.vector_load %swap3A_1383[%swap3A_1384, %swap3A_1385] {strides = array<i32>} : memref<163x128xf32, #tpu.memory_space<vmem>>, vector<16xf32>,
      tpu.vector_store %swap3A_1383[%swap3A_1384, %swap3A_1385], %get3A_1375 {strides = array<i32>} : memref<163x128xf32, #tpu.memory_space<vmem>>, vector<16xf32>,
      %get3A_1387 = arith.constant 0 : i32
      %get3A_1388 = arith.constant 0 : i32
      %get3A_1389 = tpu.memref_slice %arg5[%scan3A_704, %get3A_1387, %get3A_1388] : memref<4x100x128xf32, #tpu.memory_space<vmem>> -> memref<1x100x128xf32, #tpu.memory_space<vmem>>
      %get3A_1390 = tpu.memref_squeeze %get3A_1389 : memref<1x100x128xf32, #tpu.memory_space<vmem>> -> memref<100x128xf32, #tpu.memory_space<vmem>>
      %get3A_1391 = arith.index_cast %scan3A_1315 : i32 to index
      %get3A_1392 = arith.constant 64 : index
      %get3A_1393 = tpu.vector_load %get3A_1390[%get3A_1391, %get3A_1392] {strides = array<i32>} : memref<100x128xf32, #tpu.memory_space<vmem>>, vector<16xf32>,
      %add3A_1394 = arith.constant 64 : i32
      %add3A_1395 = arith.addi %scan3A_1315, %add3A_1394 : i32
      %sub3A_1396 = arith.constant 1 : i32
      %sub3A_1397 = arith.subi %add3A_1395, %sub3A_1396 : i32
      %swap3A_1398 = arith.constant 0 : i32
      %swap3A_1399 = arith.constant 0 : i32
      %swap3A_1400 = tpu.memref_slice %arg6[%scan3A_705, %swap3A_1398, %swap3A_1399] : memref<2x163x128xf32, #tpu.memory_space<vmem>> -> memref<1x163x128xf32, #tpu.memory_space<vmem>>
      %swap3A_1401 = tpu.memref_squeeze %swap3A_1400 : memref<1x163x128xf32, #tpu.memory_space<vmem>> -> memref<163x128xf32, #tpu.memory_space<vmem>>
      %swap3A_1402 = arith.index_cast %sub3A_1397 : i32 to index
      %swap3A_1403 = arith.constant 64 : index
      %swap3A_1404 = tpu.vector_load %swap3A_1401[%swap3A_1402, %swap3A_1403] {strides = array<i32>} : memref<163x128xf32, #tpu.memory_space<vmem>>, vector<16xf32>,
      tpu.vector_store %swap3A_1401[%swap3A_1402, %swap3A_1403], %get3A_1393 {strides = array<i32>} : memref<163x128xf32, #tpu.memory_space<vmem>>, vector<16xf32>,
      %get3A_1405 = arith.constant 0 : i32
      %get3A_1406 = arith.constant 0 : i32
      %get3A_1407 = tpu.memref_slice %arg5[%scan3A_704, %get3A_1405, %get3A_1406] : memref<4x100x128xf32, #tpu.memory_space<vmem>> -> memref<1x100x128xf32, #tpu.memory_space<vmem>>
      %get3A_1408 = tpu.memref_squeeze %get3A_1407 : memref<1x100x128xf32, #tpu.memory_space<vmem>> -> memref<100x128xf32, #tpu.memory_space<vmem>>
      %get3A_1409 = arith.index_cast %scan3A_1315 : i32 to index
      %get3A_1410 = arith.constant 80 : index
      %get3A_1411 = tpu.vector_load %get3A_1408[%get3A_1409, %get3A_1410] {strides = array<i32>} : memref<100x128xf32, #tpu.memory_space<vmem>>, vector<16xf32>,
      %add3A_1412 = arith.constant 64 : i32
      %add3A_1413 = arith.addi %scan3A_1315, %add3A_1412 : i32
      %sub3A_1414 = arith.constant 1 : i32
      %sub3A_1415 = arith.subi %add3A_1413, %sub3A_1414 : i32
      %swap3A_1416 = arith.constant 0 : i32
      %swap3A_1417 = arith.constant 0 : i32
      %swap3A_1418 = tpu.memref_slice %arg6[%scan3A_705, %swap3A_1416, %swap3A_1417] : memref<2x163x128xf32, #tpu.memory_space<vmem>> -> memref<1x163x128xf32, #tpu.memory_space<vmem>>
      %swap3A_1419 = tpu.memref_squeeze %swap3A_1418 : memref<1x163x128xf32, #tpu.memory_space<vmem>> -> memref<163x128xf32, #tpu.memory_space<vmem>>
      %swap3A_1420 = arith.index_cast %sub3A_1415 : i32 to index
      %swap3A_1421 = arith.constant 80 : index
      %swap3A_1422 = tpu.vector_load %swap3A_1419[%swap3A_1420, %swap3A_1421] {strides = array<i32>} : memref<163x128xf32, #tpu.memory_space<vmem>>, vector<16xf32>,
      tpu.vector_store %swap3A_1419[%swap3A_1420, %swap3A_1421], %get3A_1411 {strides = array<i32>} : memref<163x128xf32, #tpu.memory_space<vmem>>, vector<16xf32>,
      %get3A_1423 = arith.constant 0 : i32
      %get3A_1424 = arith.constant 0 : i32
      %get3A_1425 = tpu.memref_slice %arg5[%scan3A_704, %get3A_1423, %get3A_1424] : memref<4x100x128xf32, #tpu.memory_space<vmem>> -> memref<1x100x128xf32, #tpu.memory_space<vmem>>
      %get3A_1426 = tpu.memref_squeeze %get3A_1425 : memref<1x100x128xf32, #tpu.memory_space<vmem>> -> memref<100x128xf32, #tpu.memory_space<vmem>>
      %get3A_1427 = arith.index_cast %scan3A_1315 : i32 to index
      %get3A_1428 = arith.constant 96 : index
      %get3A_1429 = tpu.vector_load %get3A_1426[%get3A_1427, %get3A_1428] {strides = array<i32>} : memref<100x128xf32, #tpu.memory_space<vmem>>, vector<16xf32>,
      %add3A_1430 = arith.constant 64 : i32
      %add3A_1431 = arith.addi %scan3A_1315, %add3A_1430 : i32
      %sub3A_1432 = arith.constant 1 : i32
      %sub3A_1433 = arith.subi %add3A_1431, %sub3A_1432 : i32
      %swap3A_1434 = arith.constant 0 : i32
      %swap3A_1435 = arith.constant 0 : i32
      %swap3A_1436 = tpu.memref_slice %arg6[%scan3A_705, %swap3A_1434, %swap3A_1435] : memref<2x163x128xf32, #tpu.memory_space<vmem>> -> memref<1x163x128xf32, #tpu.memory_space<vmem>>
      %swap3A_1437 = tpu.memref_squeeze %swap3A_1436 : memref<1x163x128xf32, #tpu.memory_space<vmem>> -> memref<163x128xf32, #tpu.memory_space<vmem>>
      %swap3A_1438 = arith.index_cast %sub3A_1433 : i32 to index
      %swap3A_1439 = arith.constant 96 : index
      %swap3A_1440 = tpu.vector_load %swap3A_1437[%swap3A_1438, %swap3A_1439] {strides = array<i32>} : memref<163x128xf32, #tpu.memory_space<vmem>>, vector<16xf32>,
      tpu.vector_store %swap3A_1437[%swap3A_1438, %swap3A_1439], %get3A_1429 {strides = array<i32>} : memref<163x128xf32, #tpu.memory_space<vmem>>, vector<16xf32>,
      %get3A_1441 = arith.constant 0 : i32
      %get3A_1442 = arith.constant 0 : i32
      %get3A_1443 = tpu.memref_slice %arg5[%scan3A_704, %get3A_1441, %get3A_1442] : memref<4x100x128xf32, #tpu.memory_space<vmem>> -> memref<1x100x128xf32, #tpu.memory_space<vmem>>
      %get3A_1444 = tpu.memref_squeeze %get3A_1443 : memref<1x100x128xf32, #tpu.memory_space<vmem>> -> memref<100x128xf32, #tpu.memory_space<vmem>>
      %get3A_1445 = arith.index_cast %scan3A_1315 : i32 to index
      %get3A_1446 = arith.constant 112 : index
      %get3A_1447 = tpu.vector_load %get3A_1444[%get3A_1445, %get3A_1446] {strides = array<i32>} : memref<100x128xf32, #tpu.memory_space<vmem>>, vector<16xf32>,
      %add3A_1448 = arith.constant 64 : i32
      %add3A_1449 = arith.addi %scan3A_1315, %add3A_1448 : i32
      %sub3A_1450 = arith.constant 1 : i32
      %sub3A_1451 = arith.subi %add3A_1449, %sub3A_1450 : i32
      %swap3A_1452 = arith.constant 0 : i32
      %swap3A_1453 = arith.constant 0 : i32
      %swap3A_1454 = tpu.memref_slice %arg6[%scan3A_705, %swap3A_1452, %swap3A_1453] : memref<2x163x128xf32, #tpu.memory_space<vmem>> -> memref<1x163x128xf32, #tpu.memory_space<vmem>>
      %swap3A_1455 = tpu.memref_squeeze %swap3A_1454 : memref<1x163x128xf32, #tpu.memory_space<vmem>> -> memref<163x128xf32, #tpu.memory_space<vmem>>
      %swap3A_1456 = arith.index_cast %sub3A_1451 : i32 to index
      %swap3A_1457 = arith.constant 112 : index
      %swap3A_1458 = tpu.vector_load %swap3A_1455[%swap3A_1456, %swap3A_1457] {strides = array<i32>} : memref<163x128xf32, #tpu.memory_space<vmem>>, vector<16xf32>,
      tpu.vector_store %swap3A_1455[%swap3A_1456, %swap3A_1457], %get3A_1447 {strides = array<i32>} : memref<163x128xf32, #tpu.memory_space<vmem>>, vector<16xf32>,
      %scan3A_1459 = arith.constant 0 : i32
      scf.yield %scan3A_1459 : i32
    }
    %scan3A_712 = arith.constant 49 : i32
    %scan3A_713 = arith.constant 0 : i32
    %scan3A_714 = arith.constant 0 : i32
    %scan3A_715 = arith.constant 50 : i32
    %scan3A_716 = arith.constant 64 : i32
    %scan3A_717 = arith.addi %scan3A_715, %scan3A_716 : i32
    %scan3A_718 = arith.constant 1 : i32
    %scan3A_719 = scf.for %scan3A_1315 = %scan3A_715 to %scan3A_717 step %scan3A_718 iter_args(%scan3A_1316 = %scan3A_714) -> (i32)  : i32 {
      %swap3A = arith.constant 0 : i32
      %swap3A_1317 = arith.constant 0 : i32
      %swap3A_1318 = tpu.memref_slice %arg6[%scan3A_713, %swap3A, %swap3A_1317] : memref<2x163x128xf32, #tpu.memory_space<vmem>> -> memref<1x163x128xf32, #tpu.memory_space<vmem>>
      %swap3A_1319 = tpu.memref_squeeze %swap3A_1318 : memref<1x163x128xf32, #tpu.memory_space<vmem>> -> memref<163x128xf32, #tpu.memory_space<vmem>>
      %swap3A_1320 = arith.index_cast %scan3A_1315 : i32 to index
      %swap3A_1321 = arith.constant 0 : index
      %swap3A_1322 = tpu.vector_load %swap3A_1319[%swap3A_1320, %swap3A_1321] {strides = array<i32>} : memref<163x128xf32, #tpu.memory_space<vmem>>, vector<16xf32>,
      tpu.vector_store %swap3A_1319[%swap3A_1320, %swap3A_1321], %broadcast_in_dim3A_1 {strides = array<i32>} : memref<163x128xf32, #tpu.memory_space<vmem>>, vector<16xf32>,
      %swap3A_1323 = arith.constant 0 : i32
      %swap3A_1324 = arith.constant 0 : i32
      %swap3A_1325 = tpu.memref_slice %arg6[%scan3A_713, %swap3A_1323, %swap3A_1324] : memref<2x163x128xf32, #tpu.memory_space<vmem>> -> memref<1x163x128xf32, #tpu.memory_space<vmem>>
      %swap3A_1326 = tpu.memref_squeeze %swap3A_1325 : memref<1x163x128xf32, #tpu.memory_space<vmem>> -> memref<163x128xf32, #tpu.memory_space<vmem>>
      %swap3A_1327 = arith.index_cast %scan3A_1315 : i32 to index
      %swap3A_1328 = arith.constant 16 : index
      %swap3A_1329 = tpu.vector_load %swap3A_1326[%swap3A_1327, %swap3A_1328] {strides = array<i32>} : memref<163x128xf32, #tpu.memory_space<vmem>>, vector<16xf32>,
      tpu.vector_store %swap3A_1326[%swap3A_1327, %swap3A_1328], %broadcast_in_dim3A_1 {strides = array<i32>} : memref<163x128xf32, #tpu.memory_space<vmem>>, vector<16xf32>,
      %swap3A_1330 = arith.constant 0 : i32
      %swap3A_1331 = arith.constant 0 : i32
      %swap3A_1332 = tpu.memref_slice %arg6[%scan3A_713, %swap3A_1330, %swap3A_1331] : memref<2x163x128xf32, #tpu.memory_space<vmem>> -> memref<1x163x128xf32, #tpu.memory_space<vmem>>
      %swap3A_1333 = tpu.memref_squeeze %swap3A_1332 : memref<1x163x128xf32, #tpu.memory_space<vmem>> -> memref<163x128xf32, #tpu.memory_space<vmem>>
      %swap3A_1334 = arith.index_cast %scan3A_1315 : i32 to index
      %swap3A_1335 = arith.constant 32 : index
      %swap3A_1336 = tpu.vector_load %swap3A_1333[%swap3A_1334, %swap3A_1335] {strides = array<i32>} : memref<163x128xf32, #tpu.memory_space<vmem>>, vector<16xf32>,
      tpu.vector_store %swap3A_1333[%swap3A_1334, %swap3A_1335], %broadcast_in_dim3A_1 {strides = array<i32>} : memref<163x128xf32, #tpu.memory_space<vmem>>, vector<16xf32>,
      %swap3A_1337 = arith.constant 0 : i32
      %swap3A_1338 = arith.constant 0 : i32
      %swap3A_1339 = tpu.memref_slice %arg6[%scan3A_713, %swap3A_1337, %swap3A_1338] : memref<2x163x128xf32, #tpu.memory_space<vmem>> -> memref<1x163x128xf32, #tpu.memory_space<vmem>>
      %swap3A_1340 = tpu.memref_squeeze %swap3A_1339 : memref<1x163x128xf32, #tpu.memory_space<vmem>> -> memref<163x128xf32, #tpu.memory_space<vmem>>
      %swap3A_1341 = arith.index_cast %scan3A_1315 : i32 to index
      %swap3A_1342 = arith.constant 48 : index
      %swap3A_1343 = tpu.vector_load %swap3A_1340[%swap3A_1341, %swap3A_1342] {strides = array<i32>} : memref<163x128xf32, #tpu.memory_space<vmem>>, vector<16xf32>,
      tpu.vector_store %swap3A_1340[%swap3A_1341, %swap3A_1342], %broadcast_in_dim3A_1 {strides = array<i32>} : memref<163x128xf32, #tpu.memory_space<vmem>>, vector<16xf32>,
      %swap3A_1344 = arith.constant 0 : i32
      %swap3A_1345 = arith.constant 0 : i32
      %swap3A_1346 = tpu.memref_slice %arg6[%scan3A_713, %swap3A_1344, %swap3A_1345] : memref<2x163x128xf32, #tpu.memory_space<vmem>> -> memref<1x163x128xf32, #tpu.memory_space<vmem>>
      %swap3A_1347 = tpu.memref_squeeze %swap3A_1346 : memref<1x163x128xf32, #tpu.memory_space<vmem>> -> memref<163x128xf32, #tpu.memory_space<vmem>>
      %swap3A_1348 = arith.index_cast %scan3A_1315 : i32 to index
      %swap3A_1349 = arith.constant 64 : index
      %swap3A_1350 = tpu.vector_load %swap3A_1347[%swap3A_1348, %swap3A_1349] {strides = array<i32>} : memref<163x128xf32, #tpu.memory_space<vmem>>, vector<16xf32>,
      tpu.vector_store %swap3A_1347[%swap3A_1348, %swap3A_1349], %broadcast_in_dim3A_1 {strides = array<i32>} : memref<163x128xf32, #tpu.memory_space<vmem>>, vector<16xf32>,
      %swap3A_1351 = arith.constant 0 : i32
      %swap3A_1352 = arith.constant 0 : i32
      %swap3A_1353 = tpu.memref_slice %arg6[%scan3A_713, %swap3A_1351, %swap3A_1352] : memref<2x163x128xf32, #tpu.memory_space<vmem>> -> memref<1x163x128xf32, #tpu.memory_space<vmem>>
      %swap3A_1354 = tpu.memref_squeeze %swap3A_1353 : memref<1x163x128xf32, #tpu.memory_space<vmem>> -> memref<163x128xf32, #tpu.memory_space<vmem>>
      %swap3A_1355 = arith.index_cast %scan3A_1315 : i32 to index
      %swap3A_1356 = arith.constant 80 : index
      %swap3A_1357 = tpu.vector_load %swap3A_1354[%swap3A_1355, %swap3A_1356] {strides = array<i32>} : memref<163x128xf32, #tpu.memory_space<vmem>>, vector<16xf32>,
      tpu.vector_store %swap3A_1354[%swap3A_1355, %swap3A_1356], %broadcast_in_dim3A_1 {strides = array<i32>} : memref<163x128xf32, #tpu.memory_space<vmem>>, vector<16xf32>,
      %swap3A_1358 = arith.constant 0 : i32
      %swap3A_1359 = arith.constant 0 : i32
      %swap3A_1360 = tpu.memref_slice %arg6[%scan3A_713, %swap3A_1358, %swap3A_1359] : memref<2x163x128xf32, #tpu.memory_space<vmem>> -> memref<1x163x128xf32, #tpu.memory_space<vmem>>
      %swap3A_1361 = tpu.memref_squeeze %swap3A_1360 : memref<1x163x128xf32, #tpu.memory_space<vmem>> -> memref<163x128xf32, #tpu.memory_space<vmem>>
      %swap3A_1362 = arith.index_cast %scan3A_1315 : i32 to index
      %swap3A_1363 = arith.constant 96 : index
      %swap3A_1364 = tpu.vector_load %swap3A_1361[%swap3A_1362, %swap3A_1363] {strides = array<i32>} : memref<163x128xf32, #tpu.memory_space<vmem>>, vector<16xf32>,
      tpu.vector_store %swap3A_1361[%swap3A_1362, %swap3A_1363], %broadcast_in_dim3A_1 {strides = array<i32>} : memref<163x128xf32, #tpu.memory_space<vmem>>, vector<16xf32>,
      %swap3A_1365 = arith.constant 0 : i32
      %swap3A_1366 = arith.constant 0 : i32
      %swap3A_1367 = tpu.memref_slice %arg6[%scan3A_713, %swap3A_1365, %swap3A_1366] : memref<2x163x128xf32, #tpu.memory_space<vmem>> -> memref<1x163x128xf32, #tpu.memory_space<vmem>>
      %swap3A_1368 = tpu.memref_squeeze %swap3A_1367 : memref<1x163x128xf32, #tpu.memory_space<vmem>> -> memref<163x128xf32, #tpu.memory_space<vmem>>
      %swap3A_1369 = arith.index_cast %scan3A_1315 : i32 to index
      %swap3A_1370 = arith.constant 112 : index
      %swap3A_1371 = tpu.vector_load %swap3A_1368[%swap3A_1369, %swap3A_1370] {strides = array<i32>} : memref<163x128xf32, #tpu.memory_space<vmem>>, vector<16xf32>,
      tpu.vector_store %swap3A_1368[%swap3A_1369, %swap3A_1370], %broadcast_in_dim3A_1 {strides = array<i32>} : memref<163x128xf32, #tpu.memory_space<vmem>>, vector<16xf32>,
      %scan3A_1372 = arith.constant 0 : i32
      scf.yield %scan3A_1372 : i32
    }
    %scan3A_720 = arith.constant 64 : i32
    %add3A_721 = arith.constant 0 : i32
    %add3A_722 = vector.broadcast %add3A_721 : i32 to vector<16xi32>
    %add3A_723 = arith.addi %iota3A, %add3A_722 : vector<16xi32>
    %get3A_724 = arith.constant 2 : i32
    %get3A_725 = arith.constant 50 : i32
    %get3A_726 = arith.constant 0 : i32
    %get3A_727 = arith.constant 0 : i32
    %get3A_728 = tpu.memref_slice %arg5[%get3A_724, %get3A_726, %get3A_727] : memref<4x100x128xf32, #tpu.memory_space<vmem>> -> memref<1x100x128xf32, #tpu.memory_space<vmem>>
    %get3A_729 = tpu.memref_squeeze %get3A_728 : memref<1x100x128xf32, #tpu.memory_space<vmem>> -> memref<100x128xf32, #tpu.memory_space<vmem>>
    %get3A_730 = arith.index_cast %get3A_725 : i32 to index
    %get3A_731 = arith.constant 0 : index
    %get3A_732 = tpu.vector_load %get3A_729[%get3A_730, %get3A_731] {strides = array<i32>} : memref<100x128xf32, #tpu.memory_space<vmem>>, vector<16xf32>,
    %convert_element_type3A_733 = arith.fptosi %get3A_732 : vector<16xf32> to vector<16xi32>
    %ge3A_734 = arith.constant 0 : i32
    %ge3A_735 = vector.broadcast %ge3A_734 : i32 to vector<16xi32>
    %ge3A_736 = arith.cmpi sge, %convert_element_type3A_733, %ge3A_735 : vector<16xi32>
    %lt3A_737 = arith.constant 64 : i32
    %lt3A_738 = vector.broadcast %lt3A_737 : i32 to vector<16xi32>
    %lt3A_739 = arith.cmpi slt, %convert_element_type3A_733, %lt3A_738 : vector<16xi32>
    %and3A_740 = arith.andi %ge3A_736, %lt3A_739 : vector<16xi1>
    %add3A_741 = arith.constant 50 : i32
    %add3A_742 = vector.broadcast %add3A_741 : i32 to vector<16xi32>
    %add3A_743 = arith.addi %convert_element_type3A_733, %add3A_742 : vector<16xi32>
    %scatter3A_744 = arith.constant 0 : i32
    %scatter3A_745 = arith.constant 0 : i32
    %scatter3A_746 = arith.constant 0 : i32
    %scatter3A_747 = tpu.memref_slice %arg6[%scatter3A_744, %scatter3A_745, %scatter3A_746] : memref<2x163x128xf32, #tpu.memory_space<vmem>> -> memref<1x163x128xf32, #tpu.memory_space<vmem>>
    %scatter3A_748 = tpu.memref_squeeze %scatter3A_747 : memref<1x163x128xf32, #tpu.memory_space<vmem>> -> memref<163x128xf32, #tpu.memory_space<vmem>>
    tpu.vector_store_idx %scatter3A_748[%add3A_743, %add3A_723], %get3A_81 masked %and3A_740 : memref<163x128xf32, #tpu.memory_space<vmem>>[vector<16xi32>, vector<16xi32>], vector<16xf32>, vector<16xi1>
    %add3A_749 = arith.constant 16 : i32
    %add3A_750 = vector.broadcast %add3A_749 : i32 to vector<16xi32>
    %add3A_751 = arith.addi %iota3A, %add3A_750 : vector<16xi32>
    %get3A_752 = arith.constant 2 : i32
    %get3A_753 = arith.constant 50 : i32
    %get3A_754 = arith.constant 0 : i32
    %get3A_755 = arith.constant 0 : i32
    %get3A_756 = tpu.memref_slice %arg5[%get3A_752, %get3A_754, %get3A_755] : memref<4x100x128xf32, #tpu.memory_space<vmem>> -> memref<1x100x128xf32, #tpu.memory_space<vmem>>
    %get3A_757 = tpu.memref_squeeze %get3A_756 : memref<1x100x128xf32, #tpu.memory_space<vmem>> -> memref<100x128xf32, #tpu.memory_space<vmem>>
    %get3A_758 = arith.index_cast %get3A_753 : i32 to index
    %get3A_759 = arith.constant 16 : index
    %get3A_760 = tpu.vector_load %get3A_757[%get3A_758, %get3A_759] {strides = array<i32>} : memref<100x128xf32, #tpu.memory_space<vmem>>, vector<16xf32>,
    %convert_element_type3A_761 = arith.fptosi %get3A_760 : vector<16xf32> to vector<16xi32>
    %ge3A_762 = arith.constant 0 : i32
    %ge3A_763 = vector.broadcast %ge3A_762 : i32 to vector<16xi32>
    %ge3A_764 = arith.cmpi sge, %convert_element_type3A_761, %ge3A_763 : vector<16xi32>
    %lt3A_765 = arith.constant 64 : i32
    %lt3A_766 = vector.broadcast %lt3A_765 : i32 to vector<16xi32>
    %lt3A_767 = arith.cmpi slt, %convert_element_type3A_761, %lt3A_766 : vector<16xi32>
    %and3A_768 = arith.andi %ge3A_764, %lt3A_767 : vector<16xi1>
    %add3A_769 = arith.constant 50 : i32
    %add3A_770 = vector.broadcast %add3A_769 : i32 to vector<16xi32>
    %add3A_771 = arith.addi %convert_element_type3A_761, %add3A_770 : vector<16xi32>
    %scatter3A_772 = arith.constant 0 : i32
    %scatter3A_773 = arith.constant 0 : i32
    %scatter3A_774 = arith.constant 0 : i32
    %scatter3A_775 = tpu.memref_slice %arg6[%scatter3A_772, %scatter3A_773, %scatter3A_774] : memref<2x163x128xf32, #tpu.memory_space<vmem>> -> memref<1x163x128xf32, #tpu.memory_space<vmem>>
    %scatter3A_776 = tpu.memref_squeeze %scatter3A_775 : memref<1x163x128xf32, #tpu.memory_space<vmem>> -> memref<163x128xf32, #tpu.memory_space<vmem>>
    tpu.vector_store_idx %scatter3A_776[%add3A_771, %add3A_751], %get3A_81 masked %and3A_768 : memref<163x128xf32, #tpu.memory_space<vmem>>[vector<16xi32>, vector<16xi32>], vector<16xf32>, vector<16xi1>
    %add3A_777 = arith.constant 32 : i32
    %add3A_778 = vector.broadcast %add3A_777 : i32 to vector<16xi32>
    %add3A_779 = arith.addi %iota3A, %add3A_778 : vector<16xi32>
    %get3A_780 = arith.constant 2 : i32
    %get3A_781 = arith.constant 50 : i32
    %get3A_782 = arith.constant 0 : i32
    %get3A_783 = arith.constant 0 : i32
    %get3A_784 = tpu.memref_slice %arg5[%get3A_780, %get3A_782, %get3A_783] : memref<4x100x128xf32, #tpu.memory_space<vmem>> -> memref<1x100x128xf32, #tpu.memory_space<vmem>>
    %get3A_785 = tpu.memref_squeeze %get3A_784 : memref<1x100x128xf32, #tpu.memory_space<vmem>> -> memref<100x128xf32, #tpu.memory_space<vmem>>
    %get3A_786 = arith.index_cast %get3A_781 : i32 to index
    %get3A_787 = arith.constant 32 : index
    %get3A_788 = tpu.vector_load %get3A_785[%get3A_786, %get3A_787] {strides = array<i32>} : memref<100x128xf32, #tpu.memory_space<vmem>>, vector<16xf32>,
    %convert_element_type3A_789 = arith.fptosi %get3A_788 : vector<16xf32> to vector<16xi32>
    %ge3A_790 = arith.constant 0 : i32
    %ge3A_791 = vector.broadcast %ge3A_790 : i32 to vector<16xi32>
    %ge3A_792 = arith.cmpi sge, %convert_element_type3A_789, %ge3A_791 : vector<16xi32>
    %lt3A_793 = arith.constant 64 : i32
    %lt3A_794 = vector.broadcast %lt3A_793 : i32 to vector<16xi32>
    %lt3A_795 = arith.cmpi slt, %convert_element_type3A_789, %lt3A_794 : vector<16xi32>
    %and3A_796 = arith.andi %ge3A_792, %lt3A_795 : vector<16xi1>
    %add3A_797 = arith.constant 50 : i32
    %add3A_798 = vector.broadcast %add3A_797 : i32 to vector<16xi32>
    %add3A_799 = arith.addi %convert_element_type3A_789, %add3A_798 : vector<16xi32>
    %scatter3A_800 = arith.constant 0 : i32
    %scatter3A_801 = arith.constant 0 : i32
    %scatter3A_802 = arith.constant 0 : i32
    %scatter3A_803 = tpu.memref_slice %arg6[%scatter3A_800, %scatter3A_801, %scatter3A_802] : memref<2x163x128xf32, #tpu.memory_space<vmem>> -> memref<1x163x128xf32, #tpu.memory_space<vmem>>
    %scatter3A_804 = tpu.memref_squeeze %scatter3A_803 : memref<1x163x128xf32, #tpu.memory_space<vmem>> -> memref<163x128xf32, #tpu.memory_space<vmem>>
    tpu.vector_store_idx %scatter3A_804[%add3A_799, %add3A_779], %get3A_81 masked %and3A_796 : memref<163x128xf32, #tpu.memory_space<vmem>>[vector<16xi32>, vector<16xi32>], vector<16xf32>, vector<16xi1>
    %add3A_805 = arith.constant 48 : i32
    %add3A_806 = vector.broadcast %add3A_805 : i32 to vector<16xi32>
    %add3A_807 = arith.addi %iota3A, %add3A_806 : vector<16xi32>
    %get3A_808 = arith.constant 2 : i32
    %get3A_809 = arith.constant 50 : i32
    %get3A_810 = arith.constant 0 : i32
    %get3A_811 = arith.constant 0 : i32
    %get3A_812 = tpu.memref_slice %arg5[%get3A_808, %get3A_810, %get3A_811] : memref<4x100x128xf32, #tpu.memory_space<vmem>> -> memref<1x100x128xf32, #tpu.memory_space<vmem>>
    %get3A_813 = tpu.memref_squeeze %get3A_812 : memref<1x100x128xf32, #tpu.memory_space<vmem>> -> memref<100x128xf32, #tpu.memory_space<vmem>>
    %get3A_814 = arith.index_cast %get3A_809 : i32 to index
    %get3A_815 = arith.constant 48 : index
    %get3A_816 = tpu.vector_load %get3A_813[%get3A_814, %get3A_815] {strides = array<i32>} : memref<100x128xf32, #tpu.memory_space<vmem>>, vector<16xf32>,
    %convert_element_type3A_817 = arith.fptosi %get3A_816 : vector<16xf32> to vector<16xi32>
    %ge3A_818 = arith.constant 0 : i32
    %ge3A_819 = vector.broadcast %ge3A_818 : i32 to vector<16xi32>
    %ge3A_820 = arith.cmpi sge, %convert_element_type3A_817, %ge3A_819 : vector<16xi32>
    %lt3A_821 = arith.constant 64 : i32
    %lt3A_822 = vector.broadcast %lt3A_821 : i32 to vector<16xi32>
    %lt3A_823 = arith.cmpi slt, %convert_element_type3A_817, %lt3A_822 : vector<16xi32>
    %and3A_824 = arith.andi %ge3A_820, %lt3A_823 : vector<16xi1>
    %add3A_825 = arith.constant 50 : i32
    %add3A_826 = vector.broadcast %add3A_825 : i32 to vector<16xi32>
    %add3A_827 = arith.addi %convert_element_type3A_817, %add3A_826 : vector<16xi32>
    %scatter3A_828 = arith.constant 0 : i32
    %scatter3A_829 = arith.constant 0 : i32
    %scatter3A_830 = arith.constant 0 : i32
    %scatter3A_831 = tpu.memref_slice %arg6[%scatter3A_828, %scatter3A_829, %scatter3A_830] : memref<2x163x128xf32, #tpu.memory_space<vmem>> -> memref<1x163x128xf32, #tpu.memory_space<vmem>>
    %scatter3A_832 = tpu.memref_squeeze %scatter3A_831 : memref<1x163x128xf32, #tpu.memory_space<vmem>> -> memref<163x128xf32, #tpu.memory_space<vmem>>
    tpu.vector_store_idx %scatter3A_832[%add3A_827, %add3A_807], %get3A_81 masked %and3A_824 : memref<163x128xf32, #tpu.memory_space<vmem>>[vector<16xi32>, vector<16xi32>], vector<16xf32>, vector<16xi1>
    %add3A_833 = arith.constant 64 : i32
    %add3A_834 = vector.broadcast %add3A_833 : i32 to vector<16xi32>
    %add3A_835 = arith.addi %iota3A, %add3A_834 : vector<16xi32>
    %get3A_836 = arith.constant 2 : i32
    %get3A_837 = arith.constant 50 : i32
    %get3A_838 = arith.constant 0 : i32
    %get3A_839 = arith.constant 0 : i32
    %get3A_840 = tpu.memref_slice %arg5[%get3A_836, %get3A_838, %get3A_839] : memref<4x100x128xf32, #tpu.memory_space<vmem>> -> memref<1x100x128xf32, #tpu.memory_space<vmem>>
    %get3A_841 = tpu.memref_squeeze %get3A_840 : memref<1x100x128xf32, #tpu.memory_space<vmem>> -> memref<100x128xf32, #tpu.memory_space<vmem>>
    %get3A_842 = arith.index_cast %get3A_837 : i32 to index
    %get3A_843 = arith.constant 64 : index
    %get3A_844 = tpu.vector_load %get3A_841[%get3A_842, %get3A_843] {strides = array<i32>} : memref<100x128xf32, #tpu.memory_space<vmem>>, vector<16xf32>,
    %convert_element_type3A_845 = arith.fptosi %get3A_844 : vector<16xf32> to vector<16xi32>
    %ge3A_846 = arith.constant 0 : i32
    %ge3A_847 = vector.broadcast %ge3A_846 : i32 to vector<16xi32>
    %ge3A_848 = arith.cmpi sge, %convert_element_type3A_845, %ge3A_847 : vector<16xi32>
    %lt3A_849 = arith.constant 64 : i32
    %lt3A_850 = vector.broadcast %lt3A_849 : i32 to vector<16xi32>
    %lt3A_851 = arith.cmpi slt, %convert_element_type3A_845, %lt3A_850 : vector<16xi32>
    %and3A_852 = arith.andi %ge3A_848, %lt3A_851 : vector<16xi1>
    %add3A_853 = arith.constant 50 : i32
    %add3A_854 = vector.broadcast %add3A_853 : i32 to vector<16xi32>
    %add3A_855 = arith.addi %convert_element_type3A_845, %add3A_854 : vector<16xi32>
    %scatter3A_856 = arith.constant 0 : i32
    %scatter3A_857 = arith.constant 0 : i32
    %scatter3A_858 = arith.constant 0 : i32
    %scatter3A_859 = tpu.memref_slice %arg6[%scatter3A_856, %scatter3A_857, %scatter3A_858] : memref<2x163x128xf32, #tpu.memory_space<vmem>> -> memref<1x163x128xf32, #tpu.memory_space<vmem>>
    %scatter3A_860 = tpu.memref_squeeze %scatter3A_859 : memref<1x163x128xf32, #tpu.memory_space<vmem>> -> memref<163x128xf32, #tpu.memory_space<vmem>>
    tpu.vector_store_idx %scatter3A_860[%add3A_855, %add3A_835], %get3A_81 masked %and3A_852 : memref<163x128xf32, #tpu.memory_space<vmem>>[vector<16xi32>, vector<16xi32>], vector<16xf32>, vector<16xi1>
    %add3A_861 = arith.constant 80 : i32
    %add3A_862 = vector.broadcast %add3A_861 : i32 to vector<16xi32>
    %add3A_863 = arith.addi %iota3A, %add3A_862 : vector<16xi32>
    %get3A_864 = arith.constant 2 : i32
    %get3A_865 = arith.constant 50 : i32
    %get3A_866 = arith.constant 0 : i32
    %get3A_867 = arith.constant 0 : i32
    %get3A_868 = tpu.memref_slice %arg5[%get3A_864, %get3A_866, %get3A_867] : memref<4x100x128xf32, #tpu.memory_space<vmem>> -> memref<1x100x128xf32, #tpu.memory_space<vmem>>
    %get3A_869 = tpu.memref_squeeze %get3A_868 : memref<1x100x128xf32, #tpu.memory_space<vmem>> -> memref<100x128xf32, #tpu.memory_space<vmem>>
    %get3A_870 = arith.index_cast %get3A_865 : i32 to index
    %get3A_871 = arith.constant 80 : index
    %get3A_872 = tpu.vector_load %get3A_869[%get3A_870, %get3A_871] {strides = array<i32>} : memref<100x128xf32, #tpu.memory_space<vmem>>, vector<16xf32>,
    %convert_element_type3A_873 = arith.fptosi %get3A_872 : vector<16xf32> to vector<16xi32>
    %ge3A_874 = arith.constant 0 : i32
    %ge3A_875 = vector.broadcast %ge3A_874 : i32 to vector<16xi32>
    %ge3A_876 = arith.cmpi sge, %convert_element_type3A_873, %ge3A_875 : vector<16xi32>
    %lt3A_877 = arith.constant 64 : i32
    %lt3A_878 = vector.broadcast %lt3A_877 : i32 to vector<16xi32>
    %lt3A_879 = arith.cmpi slt, %convert_element_type3A_873, %lt3A_878 : vector<16xi32>
    %and3A_880 = arith.andi %ge3A_876, %lt3A_879 : vector<16xi1>
    %add3A_881 = arith.constant 50 : i32
    %add3A_882 = vector.broadcast %add3A_881 : i32 to vector<16xi32>
    %add3A_883 = arith.addi %convert_element_type3A_873, %add3A_882 : vector<16xi32>
    %scatter3A_884 = arith.constant 0 : i32
    %scatter3A_885 = arith.constant 0 : i32
    %scatter3A_886 = arith.constant 0 : i32
    %scatter3A_887 = tpu.memref_slice %arg6[%scatter3A_884, %scatter3A_885, %scatter3A_886] : memref<2x163x128xf32, #tpu.memory_space<vmem>> -> memref<1x163x128xf32, #tpu.memory_space<vmem>>
    %scatter3A_888 = tpu.memref_squeeze %scatter3A_887 : memref<1x163x128xf32, #tpu.memory_space<vmem>> -> memref<163x128xf32, #tpu.memory_space<vmem>>
    tpu.vector_store_idx %scatter3A_888[%add3A_883, %add3A_863], %get3A_81 masked %and3A_880 : memref<163x128xf32, #tpu.memory_space<vmem>>[vector<16xi32>, vector<16xi32>], vector<16xf32>, vector<16xi1>
    %add3A_889 = arith.constant 96 : i32
    %add3A_890 = vector.broadcast %add3A_889 : i32 to vector<16xi32>
    %add3A_891 = arith.addi %iota3A, %add3A_890 : vector<16xi32>
    %get3A_892 = arith.constant 2 : i32
    %get3A_893 = arith.constant 50 : i32
    %get3A_894 = arith.constant 0 : i32
    %get3A_895 = arith.constant 0 : i32
    %get3A_896 = tpu.memref_slice %arg5[%get3A_892, %get3A_894, %get3A_895] : memref<4x100x128xf32, #tpu.memory_space<vmem>> -> memref<1x100x128xf32, #tpu.memory_space<vmem>>
    %get3A_897 = tpu.memref_squeeze %get3A_896 : memref<1x100x128xf32, #tpu.memory_space<vmem>> -> memref<100x128xf32, #tpu.memory_space<vmem>>
    %get3A_898 = arith.index_cast %get3A_893 : i32 to index
    %get3A_899 = arith.constant 96 : index
    %get3A_900 = tpu.vector_load %get3A_897[%get3A_898, %get3A_899] {strides = array<i32>} : memref<100x128xf32, #tpu.memory_space<vmem>>, vector<16xf32>,
    %convert_element_type3A_901 = arith.fptosi %get3A_900 : vector<16xf32> to vector<16xi32>
    %ge3A_902 = arith.constant 0 : i32
    %ge3A_903 = vector.broadcast %ge3A_902 : i32 to vector<16xi32>
    %ge3A_904 = arith.cmpi sge, %convert_element_type3A_901, %ge3A_903 : vector<16xi32>
    %lt3A_905 = arith.constant 64 : i32
    %lt3A_906 = vector.broadcast %lt3A_905 : i32 to vector<16xi32>
    %lt3A_907 = arith.cmpi slt, %convert_element_type3A_901, %lt3A_906 : vector<16xi32>
    %and3A_908 = arith.andi %ge3A_904, %lt3A_907 : vector<16xi1>
    %add3A_909 = arith.constant 50 : i32
    %add3A_910 = vector.broadcast %add3A_909 : i32 to vector<16xi32>
    %add3A_911 = arith.addi %convert_element_type3A_901, %add3A_910 : vector<16xi32>
    %scatter3A_912 = arith.constant 0 : i32
    %scatter3A_913 = arith.constant 0 : i32
    %scatter3A_914 = arith.constant 0 : i32
    %scatter3A_915 = tpu.memref_slice %arg6[%scatter3A_912, %scatter3A_913, %scatter3A_914] : memref<2x163x128xf32, #tpu.memory_space<vmem>> -> memref<1x163x128xf32, #tpu.memory_space<vmem>>
    %scatter3A_916 = tpu.memref_squeeze %scatter3A_915 : memref<1x163x128xf32, #tpu.memory_space<vmem>> -> memref<163x128xf32, #tpu.memory_space<vmem>>
    tpu.vector_store_idx %scatter3A_916[%add3A_911, %add3A_891], %get3A_81 masked %and3A_908 : memref<163x128xf32, #tpu.memory_space<vmem>>[vector<16xi32>, vector<16xi32>], vector<16xf32>, vector<16xi1>
    %add3A_917 = arith.constant 112 : i32
    %add3A_918 = vector.broadcast %add3A_917 : i32 to vector<16xi32>
    %add3A_919 = arith.addi %iota3A, %add3A_918 : vector<16xi32>
    %get3A_920 = arith.constant 2 : i32
    %get3A_921 = arith.constant 50 : i32
    %get3A_922 = arith.constant 0 : i32
    %get3A_923 = arith.constant 0 : i32
    %get3A_924 = tpu.memref_slice %arg5[%get3A_920, %get3A_922, %get3A_923] : memref<4x100x128xf32, #tpu.memory_space<vmem>> -> memref<1x100x128xf32, #tpu.memory_space<vmem>>
    %get3A_925 = tpu.memref_squeeze %get3A_924 : memref<1x100x128xf32, #tpu.memory_space<vmem>> -> memref<100x128xf32, #tpu.memory_space<vmem>>
    %get3A_926 = arith.index_cast %get3A_921 : i32 to index
    %get3A_927 = arith.constant 112 : index
    %get3A_928 = tpu.vector_load %get3A_925[%get3A_926, %get3A_927] {strides = array<i32>} : memref<100x128xf32, #tpu.memory_space<vmem>>, vector<16xf32>,
    %convert_element_type3A_929 = arith.fptosi %get3A_928 : vector<16xf32> to vector<16xi32>
    %ge3A_930 = arith.constant 0 : i32
    %ge3A_931 = vector.broadcast %ge3A_930 : i32 to vector<16xi32>
    %ge3A_932 = arith.cmpi sge, %convert_element_type3A_929, %ge3A_931 : vector<16xi32>
    %lt3A_933 = arith.constant 64 : i32
    %lt3A_934 = vector.broadcast %lt3A_933 : i32 to vector<16xi32>
    %lt3A_935 = arith.cmpi slt, %convert_element_type3A_929, %lt3A_934 : vector<16xi32>
    %and3A_936 = arith.andi %ge3A_932, %lt3A_935 : vector<16xi1>
    %add3A_937 = arith.constant 50 : i32
    %add3A_938 = vector.broadcast %add3A_937 : i32 to vector<16xi32>
    %add3A_939 = arith.addi %convert_element_type3A_929, %add3A_938 : vector<16xi32>
    %scatter3A_940 = arith.constant 0 : i32
    %scatter3A_941 = arith.constant 0 : i32
    %scatter3A_942 = arith.constant 0 : i32
    %scatter3A_943 = tpu.memref_slice %arg6[%scatter3A_940, %scatter3A_941, %scatter3A_942] : memref<2x163x128xf32, #tpu.memory_space<vmem>> -> memref<1x163x128xf32, #tpu.memory_space<vmem>>
    %scatter3A_944 = tpu.memref_squeeze %scatter3A_943 : memref<1x163x128xf32, #tpu.memory_space<vmem>> -> memref<163x128xf32, #tpu.memory_space<vmem>>
    tpu.vector_store_idx %scatter3A_944[%add3A_939, %add3A_919], %get3A_81 masked %and3A_936 : memref<163x128xf32, #tpu.memory_space<vmem>>[vector<16xi32>, vector<16xi32>], vector<16xf32>, vector<16xi1>
    %mul3A_945 = arith.constant 512 : i32
    %mul3A_946 = arith.muli %add3A, %mul3A_945 : i32
    %add3A_947 = arith.constant 256 : i32
    %add3A_948 = arith.addi %mul3A_946, %add3A_947 : i32
    %dma_start3A_949 = arith.constant 0 : i32
    %dma_start3A_950 = arith.constant 0 : i32
    %dma_start3A_951 = arith.constant 0 : i32
    %dma_start3A_952 = arith.constant 0 : i32
    %dma_start3A_953 = tpu.memref_slice %arg6[%dma_start3A_949, %dma_start3A_951, %dma_start3A_952] : memref<2x163x128xf32, #tpu.memory_space<vmem>> -> memref<1x163x128xf32, #tpu.memory_space<vmem>>
    %dma_start3A_954 = tpu.memref_squeeze %dma_start3A_953 : memref<1x163x128xf32, #tpu.memory_space<vmem>> -> memref<163x128xf32, #tpu.memory_space<vmem>>
    %dma_start3A_955 = arith.constant 0 : i32
    %dma_start3A_956 = tpu.memref_slice %arg4[%dma_start3A_955, %add3A_948] : memref<163x16384xf32, #tpu.memory_space<hbm>> -> memref<163x128xf32, #tpu.memory_space<hbm>>
    %dma_start3A_957 = tpu.memref_slice %arg9[%dma_start3A_950] : memref<2x!tpu.dma_semaphore, #tpu.memory_space<semaphore_mem>> -> memref<1x!tpu.dma_semaphore, #tpu.memory_space<semaphore_mem>>
    %dma_start3A_958 = tpu.memref_squeeze %dma_start3A_957 : memref<1x!tpu.dma_semaphore, #tpu.memory_space<semaphore_mem>> -> memref<!tpu.dma_semaphore, #tpu.memory_space<semaphore_mem>>
    %dma_start3A_959 = arith.constant 0 : i32
    %dma_start3A_960 = tpu.memref_slice %arg4[%dma_start3A_959, %add3A_948] : memref<163x16384xf32, #tpu.memory_space<hbm>> -> memref<163x128xf32, #tpu.memory_space<hbm>>
    %dma_start3A_961 = arith.constant 0 : i32
    %dma_start3A_962 = arith.constant 0 : i32
    %dma_start3A_963 = tpu.memref_slice %arg6[%dma_start3A_949, %dma_start3A_961, %dma_start3A_962] : memref<2x163x128xf32, #tpu.memory_space<vmem>> -> memref<1x163x128xf32, #tpu.memory_space<vmem>>
    %dma_start3A_964 = tpu.memref_squeeze %dma_start3A_963 : memref<1x163x128xf32, #tpu.memory_space<vmem>> -> memref<163x128xf32, #tpu.memory_space<vmem>>
    tpu.enqueue_dma source(%dma_start3A_964 : memref<163x128xf32, #tpu.memory_space<vmem>>) target(%dma_start3A_960 : memref<163x128xf32, #tpu.memory_space<hbm>>) target_semaphore(%dma_start3A_958 : memref<!tpu.dma_semaphore, #tpu.memory_space<semaphore_mem>>)
    %mul3A_965 = arith.constant 512 : i32
    %mul3A_966 = arith.muli %add3A, %mul3A_965 : i32
    %add3A_967 = arith.constant 384 : i32
    %add3A_968 = arith.addi %mul3A_966, %add3A_967 : i32
    %dma_wait3A_969 = arith.constant 3 : i32
    %dma_wait3A_970 = arith.constant 3 : i32
    %dma_wait3A_971 = arith.constant 0 : i32
    %dma_wait3A_972 = arith.constant 0 : i32
    %dma_wait3A_973 = tpu.memref_slice %arg5[%dma_wait3A_969, %dma_wait3A_971, %dma_wait3A_972] : memref<4x100x128xf32, #tpu.memory_space<vmem>> -> memref<1x100x128xf32, #tpu.memory_space<vmem>>
    %dma_wait3A_974 = tpu.memref_squeeze %dma_wait3A_973 : memref<1x100x128xf32, #tpu.memory_space<vmem>> -> memref<100x128xf32, #tpu.memory_space<vmem>>
    %dma_wait3A_975 = arith.constant 0 : i32
    %dma_wait3A_976 = tpu.memref_slice %arg2[%dma_wait3A_975, %add3A_968] : memref<100x16384xf32, #tpu.memory_space<hbm>> -> memref<100x128xf32, #tpu.memory_space<hbm>>
    %dma_wait3A_977 = tpu.memref_slice %arg8[%dma_wait3A_970] : memref<4x!tpu.dma_semaphore, #tpu.memory_space<semaphore_mem>> -> memref<1x!tpu.dma_semaphore, #tpu.memory_space<semaphore_mem>>
    %dma_wait3A_978 = tpu.memref_squeeze %dma_wait3A_977 : memref<1x!tpu.dma_semaphore, #tpu.memory_space<semaphore_mem>> -> memref<!tpu.dma_semaphore, #tpu.memory_space<semaphore_mem>>
    %dma_wait3A_979 = arith.constant 0 : i32
    %dma_wait3A_980 = arith.constant 0 : i32
    %dma_wait3A_981 = tpu.memref_slice %arg5[%dma_wait3A_969, %dma_wait3A_979, %dma_wait3A_980] : memref<4x100x128xf32, #tpu.memory_space<vmem>> -> memref<1x100x128xf32, #tpu.memory_space<vmem>>
    %dma_wait3A_982 = tpu.memref_squeeze %dma_wait3A_981 : memref<1x100x128xf32, #tpu.memory_space<vmem>> -> memref<100x128xf32, #tpu.memory_space<vmem>>
    %dma_wait3A_983 = arith.constant 0 : i32
    %dma_wait3A_984 = tpu.memref_slice %arg2[%dma_wait3A_983, %add3A_968] : memref<100x16384xf32, #tpu.memory_space<hbm>> -> memref<100x128xf32, #tpu.memory_space<hbm>>
    tpu.wait_dma2 semaphore(%dma_wait3A_978 : memref<!tpu.dma_semaphore, #tpu.memory_space<semaphore_mem>>) src(%dma_wait3A_984 : memref<100x128xf32, #tpu.memory_space<hbm>>) dst(%dma_wait3A_982 : memref<100x128xf32, #tpu.memory_space<vmem>>)
    %mul3A_985 = arith.constant 512 : i32
    %mul3A_986 = arith.muli %add3A, %mul3A_985 : i32
    %add3A_987 = arith.constant 128 : i32
    %add3A_988 = arith.addi %mul3A_986, %add3A_987 : i32
    %dma_wait3A_989 = arith.constant 1 : i32
    %dma_wait3A_990 = arith.constant 1 : i32
    %dma_wait3A_991 = arith.constant 0 : i32
    %dma_wait3A_992 = arith.constant 0 : i32
    %dma_wait3A_993 = tpu.memref_slice %arg6[%dma_wait3A_989, %dma_wait3A_991, %dma_wait3A_992] : memref<2x163x128xf32, #tpu.memory_space<vmem>> -> memref<1x163x128xf32, #tpu.memory_space<vmem>>
    %dma_wait3A_994 = tpu.memref_squeeze %dma_wait3A_993 : memref<1x163x128xf32, #tpu.memory_space<vmem>> -> memref<163x128xf32, #tpu.memory_space<vmem>>
    %dma_wait3A_995 = arith.constant 0 : i32
    %dma_wait3A_996 = tpu.memref_slice %arg4[%dma_wait3A_995, %add3A_988] : memref<163x16384xf32, #tpu.memory_space<hbm>> -> memref<163x128xf32, #tpu.memory_space<hbm>>
    %dma_wait3A_997 = tpu.memref_slice %arg9[%dma_wait3A_990] : memref<2x!tpu.dma_semaphore, #tpu.memory_space<semaphore_mem>> -> memref<1x!tpu.dma_semaphore, #tpu.memory_space<semaphore_mem>>
    %dma_wait3A_998 = tpu.memref_squeeze %dma_wait3A_997 : memref<1x!tpu.dma_semaphore, #tpu.memory_space<semaphore_mem>> -> memref<!tpu.dma_semaphore, #tpu.memory_space<semaphore_mem>>
    %dma_wait3A_999 = arith.constant 0 : i32
    %dma_wait3A_1000 = tpu.memref_slice %arg4[%dma_wait3A_999, %add3A_988] : memref<163x16384xf32, #tpu.memory_space<hbm>> -> memref<163x128xf32, #tpu.memory_space<hbm>>
    %dma_wait3A_1001 = arith.constant 0 : i32
    %dma_wait3A_1002 = arith.constant 0 : i32
    %dma_wait3A_1003 = tpu.memref_slice %arg6[%dma_wait3A_989, %dma_wait3A_1001, %dma_wait3A_1002] : memref<2x163x128xf32, #tpu.memory_space<vmem>> -> memref<1x163x128xf32, #tpu.memory_space<vmem>>
    %dma_wait3A_1004 = tpu.memref_squeeze %dma_wait3A_1003 : memref<1x163x128xf32, #tpu.memory_space<vmem>> -> memref<163x128xf32, #tpu.memory_space<vmem>>
    tpu.wait_dma2 semaphore(%dma_wait3A_998 : memref<!tpu.dma_semaphore, #tpu.memory_space<semaphore_mem>>) src(%dma_wait3A_1004 : memref<163x128xf32, #tpu.memory_space<vmem>>) dst(%dma_wait3A_1000 : memref<163x128xf32, #tpu.memory_space<hbm>>)
    %scan3A_1005 = arith.constant 3 : i32
    %scan3A_1006 = arith.constant 1 : i32
    %scan3A_1007 = arith.constant 0 : i32
    %scan3A_1008 = arith.constant 0 : i32
    %scan3A_1009 = arith.constant 50 : i32
    %scan3A_1010 = arith.addi %scan3A_1008, %scan3A_1009 : i32
    %scan3A_1011 = arith.constant 1 : i32
    %scan3A_1012 = scf.for %scan3A_1315 = %scan3A_1008 to %scan3A_1010 step %scan3A_1011 iter_args(%scan3A_1316 = %scan3A_1007) -> (i32)  : i32 {
      %get3A_1317 = arith.constant 0 : i32
      %get3A_1318 = arith.constant 0 : i32
      %get3A_1319 = tpu.memref_slice %arg5[%scan3A_1005, %get3A_1317, %get3A_1318] : memref<4x100x128xf32, #tpu.memory_space<vmem>> -> memref<1x100x128xf32, #tpu.memory_space<vmem>>
      %get3A_1320 = tpu.memref_squeeze %get3A_1319 : memref<1x100x128xf32, #tpu.memory_space<vmem>> -> memref<100x128xf32, #tpu.memory_space<vmem>>
      %get3A_1321 = arith.index_cast %scan3A_1315 : i32 to index
      %get3A_1322 = arith.constant 0 : index
      %get3A_1323 = tpu.vector_load %get3A_1320[%get3A_1321, %get3A_1322] {strides = array<i32>} : memref<100x128xf32, #tpu.memory_space<vmem>>, vector<16xf32>,
      %swap3A = arith.constant 0 : i32
      %swap3A_1324 = arith.constant 0 : i32
      %swap3A_1325 = tpu.memref_slice %arg6[%scan3A_1006, %swap3A, %swap3A_1324] : memref<2x163x128xf32, #tpu.memory_space<vmem>> -> memref<1x163x128xf32, #tpu.memory_space<vmem>>
      %swap3A_1326 = tpu.memref_squeeze %swap3A_1325 : memref<1x163x128xf32, #tpu.memory_space<vmem>> -> memref<163x128xf32, #tpu.memory_space<vmem>>
      %swap3A_1327 = arith.index_cast %scan3A_1315 : i32 to index
      %swap3A_1328 = arith.constant 0 : index
      %swap3A_1329 = tpu.vector_load %swap3A_1326[%swap3A_1327, %swap3A_1328] {strides = array<i32>} : memref<163x128xf32, #tpu.memory_space<vmem>>, vector<16xf32>,
      tpu.vector_store %swap3A_1326[%swap3A_1327, %swap3A_1328], %get3A_1323 {strides = array<i32>} : memref<163x128xf32, #tpu.memory_space<vmem>>, vector<16xf32>,
      %get3A_1330 = arith.constant 0 : i32
      %get3A_1331 = arith.constant 0 : i32
      %get3A_1332 = tpu.memref_slice %arg5[%scan3A_1005, %get3A_1330, %get3A_1331] : memref<4x100x128xf32, #tpu.memory_space<vmem>> -> memref<1x100x128xf32, #tpu.memory_space<vmem>>
      %get3A_1333 = tpu.memref_squeeze %get3A_1332 : memref<1x100x128xf32, #tpu.memory_space<vmem>> -> memref<100x128xf32, #tpu.memory_space<vmem>>
      %get3A_1334 = arith.index_cast %scan3A_1315 : i32 to index
      %get3A_1335 = arith.constant 16 : index
      %get3A_1336 = tpu.vector_load %get3A_1333[%get3A_1334, %get3A_1335] {strides = array<i32>} : memref<100x128xf32, #tpu.memory_space<vmem>>, vector<16xf32>,
      %swap3A_1337 = arith.constant 0 : i32
      %swap3A_1338 = arith.constant 0 : i32
      %swap3A_1339 = tpu.memref_slice %arg6[%scan3A_1006, %swap3A_1337, %swap3A_1338] : memref<2x163x128xf32, #tpu.memory_space<vmem>> -> memref<1x163x128xf32, #tpu.memory_space<vmem>>
      %swap3A_1340 = tpu.memref_squeeze %swap3A_1339 : memref<1x163x128xf32, #tpu.memory_space<vmem>> -> memref<163x128xf32, #tpu.memory_space<vmem>>
      %swap3A_1341 = arith.index_cast %scan3A_1315 : i32 to index
      %swap3A_1342 = arith.constant 16 : index
      %swap3A_1343 = tpu.vector_load %swap3A_1340[%swap3A_1341, %swap3A_1342] {strides = array<i32>} : memref<163x128xf32, #tpu.memory_space<vmem>>, vector<16xf32>,
      tpu.vector_store %swap3A_1340[%swap3A_1341, %swap3A_1342], %get3A_1336 {strides = array<i32>} : memref<163x128xf32, #tpu.memory_space<vmem>>, vector<16xf32>,
      %get3A_1344 = arith.constant 0 : i32
      %get3A_1345 = arith.constant 0 : i32
      %get3A_1346 = tpu.memref_slice %arg5[%scan3A_1005, %get3A_1344, %get3A_1345] : memref<4x100x128xf32, #tpu.memory_space<vmem>> -> memref<1x100x128xf32, #tpu.memory_space<vmem>>
      %get3A_1347 = tpu.memref_squeeze %get3A_1346 : memref<1x100x128xf32, #tpu.memory_space<vmem>> -> memref<100x128xf32, #tpu.memory_space<vmem>>
      %get3A_1348 = arith.index_cast %scan3A_1315 : i32 to index
      %get3A_1349 = arith.constant 32 : index
      %get3A_1350 = tpu.vector_load %get3A_1347[%get3A_1348, %get3A_1349] {strides = array<i32>} : memref<100x128xf32, #tpu.memory_space<vmem>>, vector<16xf32>,
      %swap3A_1351 = arith.constant 0 : i32
      %swap3A_1352 = arith.constant 0 : i32
      %swap3A_1353 = tpu.memref_slice %arg6[%scan3A_1006, %swap3A_1351, %swap3A_1352] : memref<2x163x128xf32, #tpu.memory_space<vmem>> -> memref<1x163x128xf32, #tpu.memory_space<vmem>>
      %swap3A_1354 = tpu.memref_squeeze %swap3A_1353 : memref<1x163x128xf32, #tpu.memory_space<vmem>> -> memref<163x128xf32, #tpu.memory_space<vmem>>
      %swap3A_1355 = arith.index_cast %scan3A_1315 : i32 to index
      %swap3A_1356 = arith.constant 32 : index
      %swap3A_1357 = tpu.vector_load %swap3A_1354[%swap3A_1355, %swap3A_1356] {strides = array<i32>} : memref<163x128xf32, #tpu.memory_space<vmem>>, vector<16xf32>,
      tpu.vector_store %swap3A_1354[%swap3A_1355, %swap3A_1356], %get3A_1350 {strides = array<i32>} : memref<163x128xf32, #tpu.memory_space<vmem>>, vector<16xf32>,
      %get3A_1358 = arith.constant 0 : i32
      %get3A_1359 = arith.constant 0 : i32
      %get3A_1360 = tpu.memref_slice %arg5[%scan3A_1005, %get3A_1358, %get3A_1359] : memref<4x100x128xf32, #tpu.memory_space<vmem>> -> memref<1x100x128xf32, #tpu.memory_space<vmem>>
      %get3A_1361 = tpu.memref_squeeze %get3A_1360 : memref<1x100x128xf32, #tpu.memory_space<vmem>> -> memref<100x128xf32, #tpu.memory_space<vmem>>
      %get3A_1362 = arith.index_cast %scan3A_1315 : i32 to index
      %get3A_1363 = arith.constant 48 : index
      %get3A_1364 = tpu.vector_load %get3A_1361[%get3A_1362, %get3A_1363] {strides = array<i32>} : memref<100x128xf32, #tpu.memory_space<vmem>>, vector<16xf32>,
      %swap3A_1365 = arith.constant 0 : i32
      %swap3A_1366 = arith.constant 0 : i32
      %swap3A_1367 = tpu.memref_slice %arg6[%scan3A_1006, %swap3A_1365, %swap3A_1366] : memref<2x163x128xf32, #tpu.memory_space<vmem>> -> memref<1x163x128xf32, #tpu.memory_space<vmem>>
      %swap3A_1368 = tpu.memref_squeeze %swap3A_1367 : memref<1x163x128xf32, #tpu.memory_space<vmem>> -> memref<163x128xf32, #tpu.memory_space<vmem>>
      %swap3A_1369 = arith.index_cast %scan3A_1315 : i32 to index
      %swap3A_1370 = arith.constant 48 : index
      %swap3A_1371 = tpu.vector_load %swap3A_1368[%swap3A_1369, %swap3A_1370] {strides = array<i32>} : memref<163x128xf32, #tpu.memory_space<vmem>>, vector<16xf32>,
      tpu.vector_store %swap3A_1368[%swap3A_1369, %swap3A_1370], %get3A_1364 {strides = array<i32>} : memref<163x128xf32, #tpu.memory_space<vmem>>, vector<16xf32>,
      %get3A_1372 = arith.constant 0 : i32
      %get3A_1373 = arith.constant 0 : i32
      %get3A_1374 = tpu.memref_slice %arg5[%scan3A_1005, %get3A_1372, %get3A_1373] : memref<4x100x128xf32, #tpu.memory_space<vmem>> -> memref<1x100x128xf32, #tpu.memory_space<vmem>>
      %get3A_1375 = tpu.memref_squeeze %get3A_1374 : memref<1x100x128xf32, #tpu.memory_space<vmem>> -> memref<100x128xf32, #tpu.memory_space<vmem>>
      %get3A_1376 = arith.index_cast %scan3A_1315 : i32 to index
      %get3A_1377 = arith.constant 64 : index
      %get3A_1378 = tpu.vector_load %get3A_1375[%get3A_1376, %get3A_1377] {strides = array<i32>} : memref<100x128xf32, #tpu.memory_space<vmem>>, vector<16xf32>,
      %swap3A_1379 = arith.constant 0 : i32
      %swap3A_1380 = arith.constant 0 : i32
      %swap3A_1381 = tpu.memref_slice %arg6[%scan3A_1006, %swap3A_1379, %swap3A_1380] : memref<2x163x128xf32, #tpu.memory_space<vmem>> -> memref<1x163x128xf32, #tpu.memory_space<vmem>>
      %swap3A_1382 = tpu.memref_squeeze %swap3A_1381 : memref<1x163x128xf32, #tpu.memory_space<vmem>> -> memref<163x128xf32, #tpu.memory_space<vmem>>
      %swap3A_1383 = arith.index_cast %scan3A_1315 : i32 to index
      %swap3A_1384 = arith.constant 64 : index
      %swap3A_1385 = tpu.vector_load %swap3A_1382[%swap3A_1383, %swap3A_1384] {strides = array<i32>} : memref<163x128xf32, #tpu.memory_space<vmem>>, vector<16xf32>,
      tpu.vector_store %swap3A_1382[%swap3A_1383, %swap3A_1384], %get3A_1378 {strides = array<i32>} : memref<163x128xf32, #tpu.memory_space<vmem>>, vector<16xf32>,
      %get3A_1386 = arith.constant 0 : i32
      %get3A_1387 = arith.constant 0 : i32
      %get3A_1388 = tpu.memref_slice %arg5[%scan3A_1005, %get3A_1386, %get3A_1387] : memref<4x100x128xf32, #tpu.memory_space<vmem>> -> memref<1x100x128xf32, #tpu.memory_space<vmem>>
      %get3A_1389 = tpu.memref_squeeze %get3A_1388 : memref<1x100x128xf32, #tpu.memory_space<vmem>> -> memref<100x128xf32, #tpu.memory_space<vmem>>
      %get3A_1390 = arith.index_cast %scan3A_1315 : i32 to index
      %get3A_1391 = arith.constant 80 : index
      %get3A_1392 = tpu.vector_load %get3A_1389[%get3A_1390, %get3A_1391] {strides = array<i32>} : memref<100x128xf32, #tpu.memory_space<vmem>>, vector<16xf32>,
      %swap3A_1393 = arith.constant 0 : i32
      %swap3A_1394 = arith.constant 0 : i32
      %swap3A_1395 = tpu.memref_slice %arg6[%scan3A_1006, %swap3A_1393, %swap3A_1394] : memref<2x163x128xf32, #tpu.memory_space<vmem>> -> memref<1x163x128xf32, #tpu.memory_space<vmem>>
      %swap3A_1396 = tpu.memref_squeeze %swap3A_1395 : memref<1x163x128xf32, #tpu.memory_space<vmem>> -> memref<163x128xf32, #tpu.memory_space<vmem>>
      %swap3A_1397 = arith.index_cast %scan3A_1315 : i32 to index
      %swap3A_1398 = arith.constant 80 : index
      %swap3A_1399 = tpu.vector_load %swap3A_1396[%swap3A_1397, %swap3A_1398] {strides = array<i32>} : memref<163x128xf32, #tpu.memory_space<vmem>>, vector<16xf32>,
      tpu.vector_store %swap3A_1396[%swap3A_1397, %swap3A_1398], %get3A_1392 {strides = array<i32>} : memref<163x128xf32, #tpu.memory_space<vmem>>, vector<16xf32>,
      %get3A_1400 = arith.constant 0 : i32
      %get3A_1401 = arith.constant 0 : i32
      %get3A_1402 = tpu.memref_slice %arg5[%scan3A_1005, %get3A_1400, %get3A_1401] : memref<4x100x128xf32, #tpu.memory_space<vmem>> -> memref<1x100x128xf32, #tpu.memory_space<vmem>>
      %get3A_1403 = tpu.memref_squeeze %get3A_1402 : memref<1x100x128xf32, #tpu.memory_space<vmem>> -> memref<100x128xf32, #tpu.memory_space<vmem>>
      %get3A_1404 = arith.index_cast %scan3A_1315 : i32 to index
      %get3A_1405 = arith.constant 96 : index
      %get3A_1406 = tpu.vector_load %get3A_1403[%get3A_1404, %get3A_1405] {strides = array<i32>} : memref<100x128xf32, #tpu.memory_space<vmem>>, vector<16xf32>,
      %swap3A_1407 = arith.constant 0 : i32
      %swap3A_1408 = arith.constant 0 : i32
      %swap3A_1409 = tpu.memref_slice %arg6[%scan3A_1006, %swap3A_1407, %swap3A_1408] : memref<2x163x128xf32, #tpu.memory_space<vmem>> -> memref<1x163x128xf32, #tpu.memory_space<vmem>>
      %swap3A_1410 = tpu.memref_squeeze %swap3A_1409 : memref<1x163x128xf32, #tpu.memory_space<vmem>> -> memref<163x128xf32, #tpu.memory_space<vmem>>
      %swap3A_1411 = arith.index_cast %scan3A_1315 : i32 to index
      %swap3A_1412 = arith.constant 96 : index
      %swap3A_1413 = tpu.vector_load %swap3A_1410[%swap3A_1411, %swap3A_1412] {strides = array<i32>} : memref<163x128xf32, #tpu.memory_space<vmem>>, vector<16xf32>,
      tpu.vector_store %swap3A_1410[%swap3A_1411, %swap3A_1412], %get3A_1406 {strides = array<i32>} : memref<163x128xf32, #tpu.memory_space<vmem>>, vector<16xf32>,
      %get3A_1414 = arith.constant 0 : i32
      %get3A_1415 = arith.constant 0 : i32
      %get3A_1416 = tpu.memref_slice %arg5[%scan3A_1005, %get3A_1414, %get3A_1415] : memref<4x100x128xf32, #tpu.memory_space<vmem>> -> memref<1x100x128xf32, #tpu.memory_space<vmem>>
      %get3A_1417 = tpu.memref_squeeze %get3A_1416 : memref<1x100x128xf32, #tpu.memory_space<vmem>> -> memref<100x128xf32, #tpu.memory_space<vmem>>
      %get3A_1418 = arith.index_cast %scan3A_1315 : i32 to index
      %get3A_1419 = arith.constant 112 : index
      %get3A_1420 = tpu.vector_load %get3A_1417[%get3A_1418, %get3A_1419] {strides = array<i32>} : memref<100x128xf32, #tpu.memory_space<vmem>>, vector<16xf32>,
      %swap3A_1421 = arith.constant 0 : i32
      %swap3A_1422 = arith.constant 0 : i32
      %swap3A_1423 = tpu.memref_slice %arg6[%scan3A_1006, %swap3A_1421, %swap3A_1422] : memref<2x163x128xf32, #tpu.memory_space<vmem>> -> memref<1x163x128xf32, #tpu.memory_space<vmem>>
      %swap3A_1424 = tpu.memref_squeeze %swap3A_1423 : memref<1x163x128xf32, #tpu.memory_space<vmem>> -> memref<163x128xf32, #tpu.memory_space<vmem>>
      %swap3A_1425 = arith.index_cast %scan3A_1315 : i32 to index
      %swap3A_1426 = arith.constant 112 : index
      %swap3A_1427 = tpu.vector_load %swap3A_1424[%swap3A_1425, %swap3A_1426] {strides = array<i32>} : memref<163x128xf32, #tpu.memory_space<vmem>>, vector<16xf32>,
      tpu.vector_store %swap3A_1424[%swap3A_1425, %swap3A_1426], %get3A_1420 {strides = array<i32>} : memref<163x128xf32, #tpu.memory_space<vmem>>, vector<16xf32>,
      %scan3A_1428 = arith.constant 0 : i32
      scf.yield %scan3A_1428 : i32
    }
    %scan3A_1013 = arith.constant 50 : i32
    %scan3A_1014 = arith.constant 3 : i32
    %scan3A_1015 = arith.constant 1 : i32
    %scan3A_1016 = arith.constant 0 : i32
    %scan3A_1017 = arith.constant 51 : i32
    %scan3A_1018 = arith.constant 49 : i32
    %scan3A_1019 = arith.addi %scan3A_1017, %scan3A_1018 : i32
    %scan3A_1020 = arith.constant 1 : i32
    %scan3A_1021 = scf.for %scan3A_1315 = %scan3A_1017 to %scan3A_1019 step %scan3A_1020 iter_args(%scan3A_1316 = %scan3A_1016) -> (i32)  : i32 {
      %get3A_1317 = arith.constant 0 : i32
      %get3A_1318 = arith.constant 0 : i32
      %get3A_1319 = tpu.memref_slice %arg5[%scan3A_1014, %get3A_1317, %get3A_1318] : memref<4x100x128xf32, #tpu.memory_space<vmem>> -> memref<1x100x128xf32, #tpu.memory_space<vmem>>
      %get3A_1320 = tpu.memref_squeeze %get3A_1319 : memref<1x100x128xf32, #tpu.memory_space<vmem>> -> memref<100x128xf32, #tpu.memory_space<vmem>>
      %get3A_1321 = arith.index_cast %scan3A_1315 : i32 to index
      %get3A_1322 = arith.constant 0 : index
      %get3A_1323 = tpu.vector_load %get3A_1320[%get3A_1321, %get3A_1322] {strides = array<i32>} : memref<100x128xf32, #tpu.memory_space<vmem>>, vector<16xf32>,
      %add3A_1324 = arith.constant 64 : i32
      %add3A_1325 = arith.addi %scan3A_1315, %add3A_1324 : i32
      %sub3A = arith.constant 1 : i32
      %sub3A_1326 = arith.subi %add3A_1325, %sub3A : i32
      %swap3A = arith.constant 0 : i32
      %swap3A_1327 = arith.constant 0 : i32
      %swap3A_1328 = tpu.memref_slice %arg6[%scan3A_1015, %swap3A, %swap3A_1327] : memref<2x163x128xf32, #tpu.memory_space<vmem>> -> memref<1x163x128xf32, #tpu.memory_space<vmem>>
      %swap3A_1329 = tpu.memref_squeeze %swap3A_1328 : memref<1x163x128xf32, #tpu.memory_space<vmem>> -> memref<163x128xf32, #tpu.memory_space<vmem>>
      %swap3A_1330 = arith.index_cast %sub3A_1326 : i32 to index
      %swap3A_1331 = arith.constant 0 : index
      %swap3A_1332 = tpu.vector_load %swap3A_1329[%swap3A_1330, %swap3A_1331] {strides = array<i32>} : memref<163x128xf32, #tpu.memory_space<vmem>>, vector<16xf32>,
      tpu.vector_store %swap3A_1329[%swap3A_1330, %swap3A_1331], %get3A_1323 {strides = array<i32>} : memref<163x128xf32, #tpu.memory_space<vmem>>, vector<16xf32>,
      %get3A_1333 = arith.constant 0 : i32
      %get3A_1334 = arith.constant 0 : i32
      %get3A_1335 = tpu.memref_slice %arg5[%scan3A_1014, %get3A_1333, %get3A_1334] : memref<4x100x128xf32, #tpu.memory_space<vmem>> -> memref<1x100x128xf32, #tpu.memory_space<vmem>>
      %get3A_1336 = tpu.memref_squeeze %get3A_1335 : memref<1x100x128xf32, #tpu.memory_space<vmem>> -> memref<100x128xf32, #tpu.memory_space<vmem>>
      %get3A_1337 = arith.index_cast %scan3A_1315 : i32 to index
      %get3A_1338 = arith.constant 16 : index
      %get3A_1339 = tpu.vector_load %get3A_1336[%get3A_1337, %get3A_1338] {strides = array<i32>} : memref<100x128xf32, #tpu.memory_space<vmem>>, vector<16xf32>,
      %add3A_1340 = arith.constant 64 : i32
      %add3A_1341 = arith.addi %scan3A_1315, %add3A_1340 : i32
      %sub3A_1342 = arith.constant 1 : i32
      %sub3A_1343 = arith.subi %add3A_1341, %sub3A_1342 : i32
      %swap3A_1344 = arith.constant 0 : i32
      %swap3A_1345 = arith.constant 0 : i32
      %swap3A_1346 = tpu.memref_slice %arg6[%scan3A_1015, %swap3A_1344, %swap3A_1345] : memref<2x163x128xf32, #tpu.memory_space<vmem>> -> memref<1x163x128xf32, #tpu.memory_space<vmem>>
      %swap3A_1347 = tpu.memref_squeeze %swap3A_1346 : memref<1x163x128xf32, #tpu.memory_space<vmem>> -> memref<163x128xf32, #tpu.memory_space<vmem>>
      %swap3A_1348 = arith.index_cast %sub3A_1343 : i32 to index
      %swap3A_1349 = arith.constant 16 : index
      %swap3A_1350 = tpu.vector_load %swap3A_1347[%swap3A_1348, %swap3A_1349] {strides = array<i32>} : memref<163x128xf32, #tpu.memory_space<vmem>>, vector<16xf32>,
      tpu.vector_store %swap3A_1347[%swap3A_1348, %swap3A_1349], %get3A_1339 {strides = array<i32>} : memref<163x128xf32, #tpu.memory_space<vmem>>, vector<16xf32>,
      %get3A_1351 = arith.constant 0 : i32
      %get3A_1352 = arith.constant 0 : i32
      %get3A_1353 = tpu.memref_slice %arg5[%scan3A_1014, %get3A_1351, %get3A_1352] : memref<4x100x128xf32, #tpu.memory_space<vmem>> -> memref<1x100x128xf32, #tpu.memory_space<vmem>>
      %get3A_1354 = tpu.memref_squeeze %get3A_1353 : memref<1x100x128xf32, #tpu.memory_space<vmem>> -> memref<100x128xf32, #tpu.memory_space<vmem>>
      %get3A_1355 = arith.index_cast %scan3A_1315 : i32 to index
      %get3A_1356 = arith.constant 32 : index
      %get3A_1357 = tpu.vector_load %get3A_1354[%get3A_1355, %get3A_1356] {strides = array<i32>} : memref<100x128xf32, #tpu.memory_space<vmem>>, vector<16xf32>,
      %add3A_1358 = arith.constant 64 : i32
      %add3A_1359 = arith.addi %scan3A_1315, %add3A_1358 : i32
      %sub3A_1360 = arith.constant 1 : i32
      %sub3A_1361 = arith.subi %add3A_1359, %sub3A_1360 : i32
      %swap3A_1362 = arith.constant 0 : i32
      %swap3A_1363 = arith.constant 0 : i32
      %swap3A_1364 = tpu.memref_slice %arg6[%scan3A_1015, %swap3A_1362, %swap3A_1363] : memref<2x163x128xf32, #tpu.memory_space<vmem>> -> memref<1x163x128xf32, #tpu.memory_space<vmem>>
      %swap3A_1365 = tpu.memref_squeeze %swap3A_1364 : memref<1x163x128xf32, #tpu.memory_space<vmem>> -> memref<163x128xf32, #tpu.memory_space<vmem>>
      %swap3A_1366 = arith.index_cast %sub3A_1361 : i32 to index
      %swap3A_1367 = arith.constant 32 : index
      %swap3A_1368 = tpu.vector_load %swap3A_1365[%swap3A_1366, %swap3A_1367] {strides = array<i32>} : memref<163x128xf32, #tpu.memory_space<vmem>>, vector<16xf32>,
      tpu.vector_store %swap3A_1365[%swap3A_1366, %swap3A_1367], %get3A_1357 {strides = array<i32>} : memref<163x128xf32, #tpu.memory_space<vmem>>, vector<16xf32>,
      %get3A_1369 = arith.constant 0 : i32
      %get3A_1370 = arith.constant 0 : i32
      %get3A_1371 = tpu.memref_slice %arg5[%scan3A_1014, %get3A_1369, %get3A_1370] : memref<4x100x128xf32, #tpu.memory_space<vmem>> -> memref<1x100x128xf32, #tpu.memory_space<vmem>>
      %get3A_1372 = tpu.memref_squeeze %get3A_1371 : memref<1x100x128xf32, #tpu.memory_space<vmem>> -> memref<100x128xf32, #tpu.memory_space<vmem>>
      %get3A_1373 = arith.index_cast %scan3A_1315 : i32 to index
      %get3A_1374 = arith.constant 48 : index
      %get3A_1375 = tpu.vector_load %get3A_1372[%get3A_1373, %get3A_1374] {strides = array<i32>} : memref<100x128xf32, #tpu.memory_space<vmem>>, vector<16xf32>,
      %add3A_1376 = arith.constant 64 : i32
      %add3A_1377 = arith.addi %scan3A_1315, %add3A_1376 : i32
      %sub3A_1378 = arith.constant 1 : i32
      %sub3A_1379 = arith.subi %add3A_1377, %sub3A_1378 : i32
      %swap3A_1380 = arith.constant 0 : i32
      %swap3A_1381 = arith.constant 0 : i32
      %swap3A_1382 = tpu.memref_slice %arg6[%scan3A_1015, %swap3A_1380, %swap3A_1381] : memref<2x163x128xf32, #tpu.memory_space<vmem>> -> memref<1x163x128xf32, #tpu.memory_space<vmem>>
      %swap3A_1383 = tpu.memref_squeeze %swap3A_1382 : memref<1x163x128xf32, #tpu.memory_space<vmem>> -> memref<163x128xf32, #tpu.memory_space<vmem>>
      %swap3A_1384 = arith.index_cast %sub3A_1379 : i32 to index
      %swap3A_1385 = arith.constant 48 : index
      %swap3A_1386 = tpu.vector_load %swap3A_1383[%swap3A_1384, %swap3A_1385] {strides = array<i32>} : memref<163x128xf32, #tpu.memory_space<vmem>>, vector<16xf32>,
      tpu.vector_store %swap3A_1383[%swap3A_1384, %swap3A_1385], %get3A_1375 {strides = array<i32>} : memref<163x128xf32, #tpu.memory_space<vmem>>, vector<16xf32>,
      %get3A_1387 = arith.constant 0 : i32
      %get3A_1388 = arith.constant 0 : i32
      %get3A_1389 = tpu.memref_slice %arg5[%scan3A_1014, %get3A_1387, %get3A_1388] : memref<4x100x128xf32, #tpu.memory_space<vmem>> -> memref<1x100x128xf32, #tpu.memory_space<vmem>>
      %get3A_1390 = tpu.memref_squeeze %get3A_1389 : memref<1x100x128xf32, #tpu.memory_space<vmem>> -> memref<100x128xf32, #tpu.memory_space<vmem>>
      %get3A_1391 = arith.index_cast %scan3A_1315 : i32 to index
      %get3A_1392 = arith.constant 64 : index
      %get3A_1393 = tpu.vector_load %get3A_1390[%get3A_1391, %get3A_1392] {strides = array<i32>} : memref<100x128xf32, #tpu.memory_space<vmem>>, vector<16xf32>,
      %add3A_1394 = arith.constant 64 : i32
      %add3A_1395 = arith.addi %scan3A_1315, %add3A_1394 : i32
      %sub3A_1396 = arith.constant 1 : i32
      %sub3A_1397 = arith.subi %add3A_1395, %sub3A_1396 : i32
      %swap3A_1398 = arith.constant 0 : i32
      %swap3A_1399 = arith.constant 0 : i32
      %swap3A_1400 = tpu.memref_slice %arg6[%scan3A_1015, %swap3A_1398, %swap3A_1399] : memref<2x163x128xf32, #tpu.memory_space<vmem>> -> memref<1x163x128xf32, #tpu.memory_space<vmem>>
      %swap3A_1401 = tpu.memref_squeeze %swap3A_1400 : memref<1x163x128xf32, #tpu.memory_space<vmem>> -> memref<163x128xf32, #tpu.memory_space<vmem>>
      %swap3A_1402 = arith.index_cast %sub3A_1397 : i32 to index
      %swap3A_1403 = arith.constant 64 : index
      %swap3A_1404 = tpu.vector_load %swap3A_1401[%swap3A_1402, %swap3A_1403] {strides = array<i32>} : memref<163x128xf32, #tpu.memory_space<vmem>>, vector<16xf32>,
      tpu.vector_store %swap3A_1401[%swap3A_1402, %swap3A_1403], %get3A_1393 {strides = array<i32>} : memref<163x128xf32, #tpu.memory_space<vmem>>, vector<16xf32>,
      %get3A_1405 = arith.constant 0 : i32
      %get3A_1406 = arith.constant 0 : i32
      %get3A_1407 = tpu.memref_slice %arg5[%scan3A_1014, %get3A_1405, %get3A_1406] : memref<4x100x128xf32, #tpu.memory_space<vmem>> -> memref<1x100x128xf32, #tpu.memory_space<vmem>>
      %get3A_1408 = tpu.memref_squeeze %get3A_1407 : memref<1x100x128xf32, #tpu.memory_space<vmem>> -> memref<100x128xf32, #tpu.memory_space<vmem>>
      %get3A_1409 = arith.index_cast %scan3A_1315 : i32 to index
      %get3A_1410 = arith.constant 80 : index
      %get3A_1411 = tpu.vector_load %get3A_1408[%get3A_1409, %get3A_1410] {strides = array<i32>} : memref<100x128xf32, #tpu.memory_space<vmem>>, vector<16xf32>,
      %add3A_1412 = arith.constant 64 : i32
      %add3A_1413 = arith.addi %scan3A_1315, %add3A_1412 : i32
      %sub3A_1414 = arith.constant 1 : i32
      %sub3A_1415 = arith.subi %add3A_1413, %sub3A_1414 : i32
      %swap3A_1416 = arith.constant 0 : i32
      %swap3A_1417 = arith.constant 0 : i32
      %swap3A_1418 = tpu.memref_slice %arg6[%scan3A_1015, %swap3A_1416, %swap3A_1417] : memref<2x163x128xf32, #tpu.memory_space<vmem>> -> memref<1x163x128xf32, #tpu.memory_space<vmem>>
      %swap3A_1419 = tpu.memref_squeeze %swap3A_1418 : memref<1x163x128xf32, #tpu.memory_space<vmem>> -> memref<163x128xf32, #tpu.memory_space<vmem>>
      %swap3A_1420 = arith.index_cast %sub3A_1415 : i32 to index
      %swap3A_1421 = arith.constant 80 : index
      %swap3A_1422 = tpu.vector_load %swap3A_1419[%swap3A_1420, %swap3A_1421] {strides = array<i32>} : memref<163x128xf32, #tpu.memory_space<vmem>>, vector<16xf32>,
      tpu.vector_store %swap3A_1419[%swap3A_1420, %swap3A_1421], %get3A_1411 {strides = array<i32>} : memref<163x128xf32, #tpu.memory_space<vmem>>, vector<16xf32>,
      %get3A_1423 = arith.constant 0 : i32
      %get3A_1424 = arith.constant 0 : i32
      %get3A_1425 = tpu.memref_slice %arg5[%scan3A_1014, %get3A_1423, %get3A_1424] : memref<4x100x128xf32, #tpu.memory_space<vmem>> -> memref<1x100x128xf32, #tpu.memory_space<vmem>>
      %get3A_1426 = tpu.memref_squeeze %get3A_1425 : memref<1x100x128xf32, #tpu.memory_space<vmem>> -> memref<100x128xf32, #tpu.memory_space<vmem>>
      %get3A_1427 = arith.index_cast %scan3A_1315 : i32 to index
      %get3A_1428 = arith.constant 96 : index
      %get3A_1429 = tpu.vector_load %get3A_1426[%get3A_1427, %get3A_1428] {strides = array<i32>} : memref<100x128xf32, #tpu.memory_space<vmem>>, vector<16xf32>,
      %add3A_1430 = arith.constant 64 : i32
      %add3A_1431 = arith.addi %scan3A_1315, %add3A_1430 : i32
      %sub3A_1432 = arith.constant 1 : i32
      %sub3A_1433 = arith.subi %add3A_1431, %sub3A_1432 : i32
      %swap3A_1434 = arith.constant 0 : i32
      %swap3A_1435 = arith.constant 0 : i32
      %swap3A_1436 = tpu.memref_slice %arg6[%scan3A_1015, %swap3A_1434, %swap3A_1435] : memref<2x163x128xf32, #tpu.memory_space<vmem>> -> memref<1x163x128xf32, #tpu.memory_space<vmem>>
      %swap3A_1437 = tpu.memref_squeeze %swap3A_1436 : memref<1x163x128xf32, #tpu.memory_space<vmem>> -> memref<163x128xf32, #tpu.memory_space<vmem>>
      %swap3A_1438 = arith.index_cast %sub3A_1433 : i32 to index
      %swap3A_1439 = arith.constant 96 : index
      %swap3A_1440 = tpu.vector_load %swap3A_1437[%swap3A_1438, %swap3A_1439] {strides = array<i32>} : memref<163x128xf32, #tpu.memory_space<vmem>>, vector<16xf32>,
      tpu.vector_store %swap3A_1437[%swap3A_1438, %swap3A_1439], %get3A_1429 {strides = array<i32>} : memref<163x128xf32, #tpu.memory_space<vmem>>, vector<16xf32>,
      %get3A_1441 = arith.constant 0 : i32
      %get3A_1442 = arith.constant 0 : i32
      %get3A_1443 = tpu.memref_slice %arg5[%scan3A_1014, %get3A_1441, %get3A_1442] : memref<4x100x128xf32, #tpu.memory_space<vmem>> -> memref<1x100x128xf32, #tpu.memory_space<vmem>>
      %get3A_1444 = tpu.memref_squeeze %get3A_1443 : memref<1x100x128xf32, #tpu.memory_space<vmem>> -> memref<100x128xf32, #tpu.memory_space<vmem>>
      %get3A_1445 = arith.index_cast %scan3A_1315 : i32 to index
      %get3A_1446 = arith.constant 112 : index
      %get3A_1447 = tpu.vector_load %get3A_1444[%get3A_1445, %get3A_1446] {strides = array<i32>} : memref<100x128xf32, #tpu.memory_space<vmem>>, vector<16xf32>,
      %add3A_1448 = arith.constant 64 : i32
      %add3A_1449 = arith.addi %scan3A_1315, %add3A_1448 : i32
      %sub3A_1450 = arith.constant 1 : i32
      %sub3A_1451 = arith.subi %add3A_1449, %sub3A_1450 : i32
      %swap3A_1452 = arith.constant 0 : i32
      %swap3A_1453 = arith.constant 0 : i32
      %swap3A_1454 = tpu.memref_slice %arg6[%scan3A_1015, %swap3A_1452, %swap3A_1453] : memref<2x163x128xf32, #tpu.memory_space<vmem>> -> memref<1x163x128xf32, #tpu.memory_space<vmem>>
      %swap3A_1455 = tpu.memref_squeeze %swap3A_1454 : memref<1x163x128xf32, #tpu.memory_space<vmem>> -> memref<163x128xf32, #tpu.memory_space<vmem>>
      %swap3A_1456 = arith.index_cast %sub3A_1451 : i32 to index
      %swap3A_1457 = arith.constant 112 : index
      %swap3A_1458 = tpu.vector_load %swap3A_1455[%swap3A_1456, %swap3A_1457] {strides = array<i32>} : memref<163x128xf32, #tpu.memory_space<vmem>>, vector<16xf32>,
      tpu.vector_store %swap3A_1455[%swap3A_1456, %swap3A_1457], %get3A_1447 {strides = array<i32>} : memref<163x128xf32, #tpu.memory_space<vmem>>, vector<16xf32>,
      %scan3A_1459 = arith.constant 0 : i32
      scf.yield %scan3A_1459 : i32
    }
    %scan3A_1022 = arith.constant 49 : i32
    %scan3A_1023 = arith.constant 1 : i32
    %scan3A_1024 = arith.constant 0 : i32
    %scan3A_1025 = arith.constant 50 : i32
    %scan3A_1026 = arith.constant 64 : i32
    %scan3A_1027 = arith.addi %scan3A_1025, %scan3A_1026 : i32
    %scan3A_1028 = arith.constant 1 : i32
    %scan3A_1029 = scf.for %scan3A_1315 = %scan3A_1025 to %scan3A_1027 step %scan3A_1028 iter_args(%scan3A_1316 = %scan3A_1024) -> (i32)  : i32 {
      %swap3A = arith.constant 0 : i32
      %swap3A_1317 = arith.constant 0 : i32
      %swap3A_1318 = tpu.memref_slice %arg6[%scan3A_1023, %swap3A, %swap3A_1317] : memref<2x163x128xf32, #tpu.memory_space<vmem>> -> memref<1x163x128xf32, #tpu.memory_space<vmem>>
      %swap3A_1319 = tpu.memref_squeeze %swap3A_1318 : memref<1x163x128xf32, #tpu.memory_space<vmem>> -> memref<163x128xf32, #tpu.memory_space<vmem>>
      %swap3A_1320 = arith.index_cast %scan3A_1315 : i32 to index
      %swap3A_1321 = arith.constant 0 : index
      %swap3A_1322 = tpu.vector_load %swap3A_1319[%swap3A_1320, %swap3A_1321] {strides = array<i32>} : memref<163x128xf32, #tpu.memory_space<vmem>>, vector<16xf32>,
      tpu.vector_store %swap3A_1319[%swap3A_1320, %swap3A_1321], %broadcast_in_dim3A_1 {strides = array<i32>} : memref<163x128xf32, #tpu.memory_space<vmem>>, vector<16xf32>,
      %swap3A_1323 = arith.constant 0 : i32
      %swap3A_1324 = arith.constant 0 : i32
      %swap3A_1325 = tpu.memref_slice %arg6[%scan3A_1023, %swap3A_1323, %swap3A_1324] : memref<2x163x128xf32, #tpu.memory_space<vmem>> -> memref<1x163x128xf32, #tpu.memory_space<vmem>>
      %swap3A_1326 = tpu.memref_squeeze %swap3A_1325 : memref<1x163x128xf32, #tpu.memory_space<vmem>> -> memref<163x128xf32, #tpu.memory_space<vmem>>
      %swap3A_1327 = arith.index_cast %scan3A_1315 : i32 to index
      %swap3A_1328 = arith.constant 16 : index
      %swap3A_1329 = tpu.vector_load %swap3A_1326[%swap3A_1327, %swap3A_1328] {strides = array<i32>} : memref<163x128xf32, #tpu.memory_space<vmem>>, vector<16xf32>,
      tpu.vector_store %swap3A_1326[%swap3A_1327, %swap3A_1328], %broadcast_in_dim3A_1 {strides = array<i32>} : memref<163x128xf32, #tpu.memory_space<vmem>>, vector<16xf32>,
      %swap3A_1330 = arith.constant 0 : i32
      %swap3A_1331 = arith.constant 0 : i32
      %swap3A_1332 = tpu.memref_slice %arg6[%scan3A_1023, %swap3A_1330, %swap3A_1331] : memref<2x163x128xf32, #tpu.memory_space<vmem>> -> memref<1x163x128xf32, #tpu.memory_space<vmem>>
      %swap3A_1333 = tpu.memref_squeeze %swap3A_1332 : memref<1x163x128xf32, #tpu.memory_space<vmem>> -> memref<163x128xf32, #tpu.memory_space<vmem>>
      %swap3A_1334 = arith.index_cast %scan3A_1315 : i32 to index
      %swap3A_1335 = arith.constant 32 : index
      %swap3A_1336 = tpu.vector_load %swap3A_1333[%swap3A_1334, %swap3A_1335] {strides = array<i32>} : memref<163x128xf32, #tpu.memory_space<vmem>>, vector<16xf32>,
      tpu.vector_store %swap3A_1333[%swap3A_1334, %swap3A_1335], %broadcast_in_dim3A_1 {strides = array<i32>} : memref<163x128xf32, #tpu.memory_space<vmem>>, vector<16xf32>,
      %swap3A_1337 = arith.constant 0 : i32
      %swap3A_1338 = arith.constant 0 : i32
      %swap3A_1339 = tpu.memref_slice %arg6[%scan3A_1023, %swap3A_1337, %swap3A_1338] : memref<2x163x128xf32, #tpu.memory_space<vmem>> -> memref<1x163x128xf32, #tpu.memory_space<vmem>>
      %swap3A_1340 = tpu.memref_squeeze %swap3A_1339 : memref<1x163x128xf32, #tpu.memory_space<vmem>> -> memref<163x128xf32, #tpu.memory_space<vmem>>
      %swap3A_1341 = arith.index_cast %scan3A_1315 : i32 to index
      %swap3A_1342 = arith.constant 48 : index
      %swap3A_1343 = tpu.vector_load %swap3A_1340[%swap3A_1341, %swap3A_1342] {strides = array<i32>} : memref<163x128xf32, #tpu.memory_space<vmem>>, vector<16xf32>,
      tpu.vector_store %swap3A_1340[%swap3A_1341, %swap3A_1342], %broadcast_in_dim3A_1 {strides = array<i32>} : memref<163x128xf32, #tpu.memory_space<vmem>>, vector<16xf32>,
      %swap3A_1344 = arith.constant 0 : i32
      %swap3A_1345 = arith.constant 0 : i32
      %swap3A_1346 = tpu.memref_slice %arg6[%scan3A_1023, %swap3A_1344, %swap3A_1345] : memref<2x163x128xf32, #tpu.memory_space<vmem>> -> memref<1x163x128xf32, #tpu.memory_space<vmem>>
      %swap3A_1347 = tpu.memref_squeeze %swap3A_1346 : memref<1x163x128xf32, #tpu.memory_space<vmem>> -> memref<163x128xf32, #tpu.memory_space<vmem>>
      %swap3A_1348 = arith.index_cast %scan3A_1315 : i32 to index
      %swap3A_1349 = arith.constant 64 : index
      %swap3A_1350 = tpu.vector_load %swap3A_1347[%swap3A_1348, %swap3A_1349] {strides = array<i32>} : memref<163x128xf32, #tpu.memory_space<vmem>>, vector<16xf32>,
      tpu.vector_store %swap3A_1347[%swap3A_1348, %swap3A_1349], %broadcast_in_dim3A_1 {strides = array<i32>} : memref<163x128xf32, #tpu.memory_space<vmem>>, vector<16xf32>,
      %swap3A_1351 = arith.constant 0 : i32
      %swap3A_1352 = arith.constant 0 : i32
      %swap3A_1353 = tpu.memref_slice %arg6[%scan3A_1023, %swap3A_1351, %swap3A_1352] : memref<2x163x128xf32, #tpu.memory_space<vmem>> -> memref<1x163x128xf32, #tpu.memory_space<vmem>>
      %swap3A_1354 = tpu.memref_squeeze %swap3A_1353 : memref<1x163x128xf32, #tpu.memory_space<vmem>> -> memref<163x128xf32, #tpu.memory_space<vmem>>
      %swap3A_1355 = arith.index_cast %scan3A_1315 : i32 to index
      %swap3A_1356 = arith.constant 80 : index
      %swap3A_1357 = tpu.vector_load %swap3A_1354[%swap3A_1355, %swap3A_1356] {strides = array<i32>} : memref<163x128xf32, #tpu.memory_space<vmem>>, vector<16xf32>,
      tpu.vector_store %swap3A_1354[%swap3A_1355, %swap3A_1356], %broadcast_in_dim3A_1 {strides = array<i32>} : memref<163x128xf32, #tpu.memory_space<vmem>>, vector<16xf32>,
      %swap3A_1358 = arith.constant 0 : i32
      %swap3A_1359 = arith.constant 0 : i32
      %swap3A_1360 = tpu.memref_slice %arg6[%scan3A_1023, %swap3A_1358, %swap3A_1359] : memref<2x163x128xf32, #tpu.memory_space<vmem>> -> memref<1x163x128xf32, #tpu.memory_space<vmem>>
      %swap3A_1361 = tpu.memref_squeeze %swap3A_1360 : memref<1x163x128xf32, #tpu.memory_space<vmem>> -> memref<163x128xf32, #tpu.memory_space<vmem>>
      %swap3A_1362 = arith.index_cast %scan3A_1315 : i32 to index
      %swap3A_1363 = arith.constant 96 : index
      %swap3A_1364 = tpu.vector_load %swap3A_1361[%swap3A_1362, %swap3A_1363] {strides = array<i32>} : memref<163x128xf32, #tpu.memory_space<vmem>>, vector<16xf32>,
      tpu.vector_store %swap3A_1361[%swap3A_1362, %swap3A_1363], %broadcast_in_dim3A_1 {strides = array<i32>} : memref<163x128xf32, #tpu.memory_space<vmem>>, vector<16xf32>,
      %swap3A_1365 = arith.constant 0 : i32
      %swap3A_1366 = arith.constant 0 : i32
      %swap3A_1367 = tpu.memref_slice %arg6[%scan3A_1023, %swap3A_1365, %swap3A_1366] : memref<2x163x128xf32, #tpu.memory_space<vmem>> -> memref<1x163x128xf32, #tpu.memory_space<vmem>>
      %swap3A_1368 = tpu.memref_squeeze %swap3A_1367 : memref<1x163x128xf32, #tpu.memory_space<vmem>> -> memref<163x128xf32, #tpu.memory_space<vmem>>
      %swap3A_1369 = arith.index_cast %scan3A_1315 : i32 to index
      %swap3A_1370 = arith.constant 112 : index
      %swap3A_1371 = tpu.vector_load %swap3A_1368[%swap3A_1369, %swap3A_1370] {strides = array<i32>} : memref<163x128xf32, #tpu.memory_space<vmem>>, vector<16xf32>,
      tpu.vector_store %swap3A_1368[%swap3A_1369, %swap3A_1370], %broadcast_in_dim3A_1 {strides = array<i32>} : memref<163x128xf32, #tpu.memory_space<vmem>>, vector<16xf32>,
      %scan3A_1372 = arith.constant 0 : i32
      scf.yield %scan3A_1372 : i32
    }
    %scan3A_1030 = arith.constant 64 : i32
    %add3A_1031 = arith.constant 0 : i32
    %add3A_1032 = vector.broadcast %add3A_1031 : i32 to vector<16xi32>
    %add3A_1033 = arith.addi %iota3A, %add3A_1032 : vector<16xi32>
    %get3A_1034 = arith.constant 3 : i32
    %get3A_1035 = arith.constant 50 : i32
    %get3A_1036 = arith.constant 0 : i32
    %get3A_1037 = arith.constant 0 : i32
    %get3A_1038 = tpu.memref_slice %arg5[%get3A_1034, %get3A_1036, %get3A_1037] : memref<4x100x128xf32, #tpu.memory_space<vmem>> -> memref<1x100x128xf32, #tpu.memory_space<vmem>>
    %get3A_1039 = tpu.memref_squeeze %get3A_1038 : memref<1x100x128xf32, #tpu.memory_space<vmem>> -> memref<100x128xf32, #tpu.memory_space<vmem>>
    %get3A_1040 = arith.index_cast %get3A_1035 : i32 to index
    %get3A_1041 = arith.constant 0 : index
    %get3A_1042 = tpu.vector_load %get3A_1039[%get3A_1040, %get3A_1041] {strides = array<i32>} : memref<100x128xf32, #tpu.memory_space<vmem>>, vector<16xf32>,
    %convert_element_type3A_1043 = arith.fptosi %get3A_1042 : vector<16xf32> to vector<16xi32>
    %ge3A_1044 = arith.constant 0 : i32
    %ge3A_1045 = vector.broadcast %ge3A_1044 : i32 to vector<16xi32>
    %ge3A_1046 = arith.cmpi sge, %convert_element_type3A_1043, %ge3A_1045 : vector<16xi32>
    %lt3A_1047 = arith.constant 64 : i32
    %lt3A_1048 = vector.broadcast %lt3A_1047 : i32 to vector<16xi32>
    %lt3A_1049 = arith.cmpi slt, %convert_element_type3A_1043, %lt3A_1048 : vector<16xi32>
    %and3A_1050 = arith.andi %ge3A_1046, %lt3A_1049 : vector<16xi1>
    %add3A_1051 = arith.constant 50 : i32
    %add3A_1052 = vector.broadcast %add3A_1051 : i32 to vector<16xi32>
    %add3A_1053 = arith.addi %convert_element_type3A_1043, %add3A_1052 : vector<16xi32>
    %scatter3A_1054 = arith.constant 1 : i32
    %scatter3A_1055 = arith.constant 0 : i32
    %scatter3A_1056 = arith.constant 0 : i32
    %scatter3A_1057 = tpu.memref_slice %arg6[%scatter3A_1054, %scatter3A_1055, %scatter3A_1056] : memref<2x163x128xf32, #tpu.memory_space<vmem>> -> memref<1x163x128xf32, #tpu.memory_space<vmem>>
    %scatter3A_1058 = tpu.memref_squeeze %scatter3A_1057 : memref<1x163x128xf32, #tpu.memory_space<vmem>> -> memref<163x128xf32, #tpu.memory_space<vmem>>
    tpu.vector_store_idx %scatter3A_1058[%add3A_1053, %add3A_1033], %get3A_81 masked %and3A_1050 : memref<163x128xf32, #tpu.memory_space<vmem>>[vector<16xi32>, vector<16xi32>], vector<16xf32>, vector<16xi1>
    %add3A_1059 = arith.constant 16 : i32
    %add3A_1060 = vector.broadcast %add3A_1059 : i32 to vector<16xi32>
    %add3A_1061 = arith.addi %iota3A, %add3A_1060 : vector<16xi32>
    %get3A_1062 = arith.constant 3 : i32
    %get3A_1063 = arith.constant 50 : i32
    %get3A_1064 = arith.constant 0 : i32
    %get3A_1065 = arith.constant 0 : i32
    %get3A_1066 = tpu.memref_slice %arg5[%get3A_1062, %get3A_1064, %get3A_1065] : memref<4x100x128xf32, #tpu.memory_space<vmem>> -> memref<1x100x128xf32, #tpu.memory_space<vmem>>
    %get3A_1067 = tpu.memref_squeeze %get3A_1066 : memref<1x100x128xf32, #tpu.memory_space<vmem>> -> memref<100x128xf32, #tpu.memory_space<vmem>>
    %get3A_1068 = arith.index_cast %get3A_1063 : i32 to index
    %get3A_1069 = arith.constant 16 : index
    %get3A_1070 = tpu.vector_load %get3A_1067[%get3A_1068, %get3A_1069] {strides = array<i32>} : memref<100x128xf32, #tpu.memory_space<vmem>>, vector<16xf32>,
    %convert_element_type3A_1071 = arith.fptosi %get3A_1070 : vector<16xf32> to vector<16xi32>
    %ge3A_1072 = arith.constant 0 : i32
    %ge3A_1073 = vector.broadcast %ge3A_1072 : i32 to vector<16xi32>
    %ge3A_1074 = arith.cmpi sge, %convert_element_type3A_1071, %ge3A_1073 : vector<16xi32>
    %lt3A_1075 = arith.constant 64 : i32
    %lt3A_1076 = vector.broadcast %lt3A_1075 : i32 to vector<16xi32>
    %lt3A_1077 = arith.cmpi slt, %convert_element_type3A_1071, %lt3A_1076 : vector<16xi32>
    %and3A_1078 = arith.andi %ge3A_1074, %lt3A_1077 : vector<16xi1>
    %add3A_1079 = arith.constant 50 : i32
    %add3A_1080 = vector.broadcast %add3A_1079 : i32 to vector<16xi32>
    %add3A_1081 = arith.addi %convert_element_type3A_1071, %add3A_1080 : vector<16xi32>
    %scatter3A_1082 = arith.constant 1 : i32
    %scatter3A_1083 = arith.constant 0 : i32
    %scatter3A_1084 = arith.constant 0 : i32
    %scatter3A_1085 = tpu.memref_slice %arg6[%scatter3A_1082, %scatter3A_1083, %scatter3A_1084] : memref<2x163x128xf32, #tpu.memory_space<vmem>> -> memref<1x163x128xf32, #tpu.memory_space<vmem>>
    %scatter3A_1086 = tpu.memref_squeeze %scatter3A_1085 : memref<1x163x128xf32, #tpu.memory_space<vmem>> -> memref<163x128xf32, #tpu.memory_space<vmem>>
    tpu.vector_store_idx %scatter3A_1086[%add3A_1081, %add3A_1061], %get3A_81 masked %and3A_1078 : memref<163x128xf32, #tpu.memory_space<vmem>>[vector<16xi32>, vector<16xi32>], vector<16xf32>, vector<16xi1>
    %add3A_1087 = arith.constant 32 : i32
    %add3A_1088 = vector.broadcast %add3A_1087 : i32 to vector<16xi32>
    %add3A_1089 = arith.addi %iota3A, %add3A_1088 : vector<16xi32>
    %get3A_1090 = arith.constant 3 : i32
    %get3A_1091 = arith.constant 50 : i32
    %get3A_1092 = arith.constant 0 : i32
    %get3A_1093 = arith.constant 0 : i32
    %get3A_1094 = tpu.memref_slice %arg5[%get3A_1090, %get3A_1092, %get3A_1093] : memref<4x100x128xf32, #tpu.memory_space<vmem>> -> memref<1x100x128xf32, #tpu.memory_space<vmem>>
    %get3A_1095 = tpu.memref_squeeze %get3A_1094 : memref<1x100x128xf32, #tpu.memory_space<vmem>> -> memref<100x128xf32, #tpu.memory_space<vmem>>
    %get3A_1096 = arith.index_cast %get3A_1091 : i32 to index
    %get3A_1097 = arith.constant 32 : index
    %get3A_1098 = tpu.vector_load %get3A_1095[%get3A_1096, %get3A_1097] {strides = array<i32>} : memref<100x128xf32, #tpu.memory_space<vmem>>, vector<16xf32>,
    %convert_element_type3A_1099 = arith.fptosi %get3A_1098 : vector<16xf32> to vector<16xi32>
    %ge3A_1100 = arith.constant 0 : i32
    %ge3A_1101 = vector.broadcast %ge3A_1100 : i32 to vector<16xi32>
    %ge3A_1102 = arith.cmpi sge, %convert_element_type3A_1099, %ge3A_1101 : vector<16xi32>
    %lt3A_1103 = arith.constant 64 : i32
    %lt3A_1104 = vector.broadcast %lt3A_1103 : i32 to vector<16xi32>
    %lt3A_1105 = arith.cmpi slt, %convert_element_type3A_1099, %lt3A_1104 : vector<16xi32>
    %and3A_1106 = arith.andi %ge3A_1102, %lt3A_1105 : vector<16xi1>
    %add3A_1107 = arith.constant 50 : i32
    %add3A_1108 = vector.broadcast %add3A_1107 : i32 to vector<16xi32>
    %add3A_1109 = arith.addi %convert_element_type3A_1099, %add3A_1108 : vector<16xi32>
    %scatter3A_1110 = arith.constant 1 : i32
    %scatter3A_1111 = arith.constant 0 : i32
    %scatter3A_1112 = arith.constant 0 : i32
    %scatter3A_1113 = tpu.memref_slice %arg6[%scatter3A_1110, %scatter3A_1111, %scatter3A_1112] : memref<2x163x128xf32, #tpu.memory_space<vmem>> -> memref<1x163x128xf32, #tpu.memory_space<vmem>>
    %scatter3A_1114 = tpu.memref_squeeze %scatter3A_1113 : memref<1x163x128xf32, #tpu.memory_space<vmem>> -> memref<163x128xf32, #tpu.memory_space<vmem>>
    tpu.vector_store_idx %scatter3A_1114[%add3A_1109, %add3A_1089], %get3A_81 masked %and3A_1106 : memref<163x128xf32, #tpu.memory_space<vmem>>[vector<16xi32>, vector<16xi32>], vector<16xf32>, vector<16xi1>
    %add3A_1115 = arith.constant 48 : i32
    %add3A_1116 = vector.broadcast %add3A_1115 : i32 to vector<16xi32>
    %add3A_1117 = arith.addi %iota3A, %add3A_1116 : vector<16xi32>
    %get3A_1118 = arith.constant 3 : i32
    %get3A_1119 = arith.constant 50 : i32
    %get3A_1120 = arith.constant 0 : i32
    %get3A_1121 = arith.constant 0 : i32
    %get3A_1122 = tpu.memref_slice %arg5[%get3A_1118, %get3A_1120, %get3A_1121] : memref<4x100x128xf32, #tpu.memory_space<vmem>> -> memref<1x100x128xf32, #tpu.memory_space<vmem>>
    %get3A_1123 = tpu.memref_squeeze %get3A_1122 : memref<1x100x128xf32, #tpu.memory_space<vmem>> -> memref<100x128xf32, #tpu.memory_space<vmem>>
    %get3A_1124 = arith.index_cast %get3A_1119 : i32 to index
    %get3A_1125 = arith.constant 48 : index
    %get3A_1126 = tpu.vector_load %get3A_1123[%get3A_1124, %get3A_1125] {strides = array<i32>} : memref<100x128xf32, #tpu.memory_space<vmem>>, vector<16xf32>,
    %convert_element_type3A_1127 = arith.fptosi %get3A_1126 : vector<16xf32> to vector<16xi32>
    %ge3A_1128 = arith.constant 0 : i32
    %ge3A_1129 = vector.broadcast %ge3A_1128 : i32 to vector<16xi32>
    %ge3A_1130 = arith.cmpi sge, %convert_element_type3A_1127, %ge3A_1129 : vector<16xi32>
    %lt3A_1131 = arith.constant 64 : i32
    %lt3A_1132 = vector.broadcast %lt3A_1131 : i32 to vector<16xi32>
    %lt3A_1133 = arith.cmpi slt, %convert_element_type3A_1127, %lt3A_1132 : vector<16xi32>
    %and3A_1134 = arith.andi %ge3A_1130, %lt3A_1133 : vector<16xi1>
    %add3A_1135 = arith.constant 50 : i32
    %add3A_1136 = vector.broadcast %add3A_1135 : i32 to vector<16xi32>
    %add3A_1137 = arith.addi %convert_element_type3A_1127, %add3A_1136 : vector<16xi32>
    %scatter3A_1138 = arith.constant 1 : i32
    %scatter3A_1139 = arith.constant 0 : i32
    %scatter3A_1140 = arith.constant 0 : i32
    %scatter3A_1141 = tpu.memref_slice %arg6[%scatter3A_1138, %scatter3A_1139, %scatter3A_1140] : memref<2x163x128xf32, #tpu.memory_space<vmem>> -> memref<1x163x128xf32, #tpu.memory_space<vmem>>
    %scatter3A_1142 = tpu.memref_squeeze %scatter3A_1141 : memref<1x163x128xf32, #tpu.memory_space<vmem>> -> memref<163x128xf32, #tpu.memory_space<vmem>>
    tpu.vector_store_idx %scatter3A_1142[%add3A_1137, %add3A_1117], %get3A_81 masked %and3A_1134 : memref<163x128xf32, #tpu.memory_space<vmem>>[vector<16xi32>, vector<16xi32>], vector<16xf32>, vector<16xi1>
    %add3A_1143 = arith.constant 64 : i32
    %add3A_1144 = vector.broadcast %add3A_1143 : i32 to vector<16xi32>
    %add3A_1145 = arith.addi %iota3A, %add3A_1144 : vector<16xi32>
    %get3A_1146 = arith.constant 3 : i32
    %get3A_1147 = arith.constant 50 : i32
    %get3A_1148 = arith.constant 0 : i32
    %get3A_1149 = arith.constant 0 : i32
    %get3A_1150 = tpu.memref_slice %arg5[%get3A_1146, %get3A_1148, %get3A_1149] : memref<4x100x128xf32, #tpu.memory_space<vmem>> -> memref<1x100x128xf32, #tpu.memory_space<vmem>>
    %get3A_1151 = tpu.memref_squeeze %get3A_1150 : memref<1x100x128xf32, #tpu.memory_space<vmem>> -> memref<100x128xf32, #tpu.memory_space<vmem>>
    %get3A_1152 = arith.index_cast %get3A_1147 : i32 to index
    %get3A_1153 = arith.constant 64 : index
    %get3A_1154 = tpu.vector_load %get3A_1151[%get3A_1152, %get3A_1153] {strides = array<i32>} : memref<100x128xf32, #tpu.memory_space<vmem>>, vector<16xf32>,
    %convert_element_type3A_1155 = arith.fptosi %get3A_1154 : vector<16xf32> to vector<16xi32>
    %ge3A_1156 = arith.constant 0 : i32
    %ge3A_1157 = vector.broadcast %ge3A_1156 : i32 to vector<16xi32>
    %ge3A_1158 = arith.cmpi sge, %convert_element_type3A_1155, %ge3A_1157 : vector<16xi32>
    %lt3A_1159 = arith.constant 64 : i32
    %lt3A_1160 = vector.broadcast %lt3A_1159 : i32 to vector<16xi32>
    %lt3A_1161 = arith.cmpi slt, %convert_element_type3A_1155, %lt3A_1160 : vector<16xi32>
    %and3A_1162 = arith.andi %ge3A_1158, %lt3A_1161 : vector<16xi1>
    %add3A_1163 = arith.constant 50 : i32
    %add3A_1164 = vector.broadcast %add3A_1163 : i32 to vector<16xi32>
    %add3A_1165 = arith.addi %convert_element_type3A_1155, %add3A_1164 : vector<16xi32>
    %scatter3A_1166 = arith.constant 1 : i32
    %scatter3A_1167 = arith.constant 0 : i32
    %scatter3A_1168 = arith.constant 0 : i32
    %scatter3A_1169 = tpu.memref_slice %arg6[%scatter3A_1166, %scatter3A_1167, %scatter3A_1168] : memref<2x163x128xf32, #tpu.memory_space<vmem>> -> memref<1x163x128xf32, #tpu.memory_space<vmem>>
    %scatter3A_1170 = tpu.memref_squeeze %scatter3A_1169 : memref<1x163x128xf32, #tpu.memory_space<vmem>> -> memref<163x128xf32, #tpu.memory_space<vmem>>
    tpu.vector_store_idx %scatter3A_1170[%add3A_1165, %add3A_1145], %get3A_81 masked %and3A_1162 : memref<163x128xf32, #tpu.memory_space<vmem>>[vector<16xi32>, vector<16xi32>], vector<16xf32>, vector<16xi1>
    %add3A_1171 = arith.constant 80 : i32
    %add3A_1172 = vector.broadcast %add3A_1171 : i32 to vector<16xi32>
    %add3A_1173 = arith.addi %iota3A, %add3A_1172 : vector<16xi32>
    %get3A_1174 = arith.constant 3 : i32
    %get3A_1175 = arith.constant 50 : i32
    %get3A_1176 = arith.constant 0 : i32
    %get3A_1177 = arith.constant 0 : i32
    %get3A_1178 = tpu.memref_slice %arg5[%get3A_1174, %get3A_1176, %get3A_1177] : memref<4x100x128xf32, #tpu.memory_space<vmem>> -> memref<1x100x128xf32, #tpu.memory_space<vmem>>
    %get3A_1179 = tpu.memref_squeeze %get3A_1178 : memref<1x100x128xf32, #tpu.memory_space<vmem>> -> memref<100x128xf32, #tpu.memory_space<vmem>>
    %get3A_1180 = arith.index_cast %get3A_1175 : i32 to index
    %get3A_1181 = arith.constant 80 : index
    %get3A_1182 = tpu.vector_load %get3A_1179[%get3A_1180, %get3A_1181] {strides = array<i32>} : memref<100x128xf32, #tpu.memory_space<vmem>>, vector<16xf32>,
    %convert_element_type3A_1183 = arith.fptosi %get3A_1182 : vector<16xf32> to vector<16xi32>
    %ge3A_1184 = arith.constant 0 : i32
    %ge3A_1185 = vector.broadcast %ge3A_1184 : i32 to vector<16xi32>
    %ge3A_1186 = arith.cmpi sge, %convert_element_type3A_1183, %ge3A_1185 : vector<16xi32>
    %lt3A_1187 = arith.constant 64 : i32
    %lt3A_1188 = vector.broadcast %lt3A_1187 : i32 to vector<16xi32>
    %lt3A_1189 = arith.cmpi slt, %convert_element_type3A_1183, %lt3A_1188 : vector<16xi32>
    %and3A_1190 = arith.andi %ge3A_1186, %lt3A_1189 : vector<16xi1>
    %add3A_1191 = arith.constant 50 : i32
    %add3A_1192 = vector.broadcast %add3A_1191 : i32 to vector<16xi32>
    %add3A_1193 = arith.addi %convert_element_type3A_1183, %add3A_1192 : vector<16xi32>
    %scatter3A_1194 = arith.constant 1 : i32
    %scatter3A_1195 = arith.constant 0 : i32
    %scatter3A_1196 = arith.constant 0 : i32
    %scatter3A_1197 = tpu.memref_slice %arg6[%scatter3A_1194, %scatter3A_1195, %scatter3A_1196] : memref<2x163x128xf32, #tpu.memory_space<vmem>> -> memref<1x163x128xf32, #tpu.memory_space<vmem>>
    %scatter3A_1198 = tpu.memref_squeeze %scatter3A_1197 : memref<1x163x128xf32, #tpu.memory_space<vmem>> -> memref<163x128xf32, #tpu.memory_space<vmem>>
    tpu.vector_store_idx %scatter3A_1198[%add3A_1193, %add3A_1173], %get3A_81 masked %and3A_1190 : memref<163x128xf32, #tpu.memory_space<vmem>>[vector<16xi32>, vector<16xi32>], vector<16xf32>, vector<16xi1>
    %add3A_1199 = arith.constant 96 : i32
    %add3A_1200 = vector.broadcast %add3A_1199 : i32 to vector<16xi32>
    %add3A_1201 = arith.addi %iota3A, %add3A_1200 : vector<16xi32>
    %get3A_1202 = arith.constant 3 : i32
    %get3A_1203 = arith.constant 50 : i32
    %get3A_1204 = arith.constant 0 : i32
    %get3A_1205 = arith.constant 0 : i32
    %get3A_1206 = tpu.memref_slice %arg5[%get3A_1202, %get3A_1204, %get3A_1205] : memref<4x100x128xf32, #tpu.memory_space<vmem>> -> memref<1x100x128xf32, #tpu.memory_space<vmem>>
    %get3A_1207 = tpu.memref_squeeze %get3A_1206 : memref<1x100x128xf32, #tpu.memory_space<vmem>> -> memref<100x128xf32, #tpu.memory_space<vmem>>
    %get3A_1208 = arith.index_cast %get3A_1203 : i32 to index
    %get3A_1209 = arith.constant 96 : index
    %get3A_1210 = tpu.vector_load %get3A_1207[%get3A_1208, %get3A_1209] {strides = array<i32>} : memref<100x128xf32, #tpu.memory_space<vmem>>, vector<16xf32>,
    %convert_element_type3A_1211 = arith.fptosi %get3A_1210 : vector<16xf32> to vector<16xi32>
    %ge3A_1212 = arith.constant 0 : i32
    %ge3A_1213 = vector.broadcast %ge3A_1212 : i32 to vector<16xi32>
    %ge3A_1214 = arith.cmpi sge, %convert_element_type3A_1211, %ge3A_1213 : vector<16xi32>
    %lt3A_1215 = arith.constant 64 : i32
    %lt3A_1216 = vector.broadcast %lt3A_1215 : i32 to vector<16xi32>
    %lt3A_1217 = arith.cmpi slt, %convert_element_type3A_1211, %lt3A_1216 : vector<16xi32>
    %and3A_1218 = arith.andi %ge3A_1214, %lt3A_1217 : vector<16xi1>
    %add3A_1219 = arith.constant 50 : i32
    %add3A_1220 = vector.broadcast %add3A_1219 : i32 to vector<16xi32>
    %add3A_1221 = arith.addi %convert_element_type3A_1211, %add3A_1220 : vector<16xi32>
    %scatter3A_1222 = arith.constant 1 : i32
    %scatter3A_1223 = arith.constant 0 : i32
    %scatter3A_1224 = arith.constant 0 : i32
    %scatter3A_1225 = tpu.memref_slice %arg6[%scatter3A_1222, %scatter3A_1223, %scatter3A_1224] : memref<2x163x128xf32, #tpu.memory_space<vmem>> -> memref<1x163x128xf32, #tpu.memory_space<vmem>>
    %scatter3A_1226 = tpu.memref_squeeze %scatter3A_1225 : memref<1x163x128xf32, #tpu.memory_space<vmem>> -> memref<163x128xf32, #tpu.memory_space<vmem>>
    tpu.vector_store_idx %scatter3A_1226[%add3A_1221, %add3A_1201], %get3A_81 masked %and3A_1218 : memref<163x128xf32, #tpu.memory_space<vmem>>[vector<16xi32>, vector<16xi32>], vector<16xf32>, vector<16xi1>
    %add3A_1227 = arith.constant 112 : i32
    %add3A_1228 = vector.broadcast %add3A_1227 : i32 to vector<16xi32>
    %add3A_1229 = arith.addi %iota3A, %add3A_1228 : vector<16xi32>
    %get3A_1230 = arith.constant 3 : i32
    %get3A_1231 = arith.constant 50 : i32
    %get3A_1232 = arith.constant 0 : i32
    %get3A_1233 = arith.constant 0 : i32
    %get3A_1234 = tpu.memref_slice %arg5[%get3A_1230, %get3A_1232, %get3A_1233] : memref<4x100x128xf32, #tpu.memory_space<vmem>> -> memref<1x100x128xf32, #tpu.memory_space<vmem>>
    %get3A_1235 = tpu.memref_squeeze %get3A_1234 : memref<1x100x128xf32, #tpu.memory_space<vmem>> -> memref<100x128xf32, #tpu.memory_space<vmem>>
    %get3A_1236 = arith.index_cast %get3A_1231 : i32 to index
    %get3A_1237 = arith.constant 112 : index
    %get3A_1238 = tpu.vector_load %get3A_1235[%get3A_1236, %get3A_1237] {strides = array<i32>} : memref<100x128xf32, #tpu.memory_space<vmem>>, vector<16xf32>,
    %convert_element_type3A_1239 = arith.fptosi %get3A_1238 : vector<16xf32> to vector<16xi32>
    %ge3A_1240 = arith.constant 0 : i32
    %ge3A_1241 = vector.broadcast %ge3A_1240 : i32 to vector<16xi32>
    %ge3A_1242 = arith.cmpi sge, %convert_element_type3A_1239, %ge3A_1241 : vector<16xi32>
    %lt3A_1243 = arith.constant 64 : i32
    %lt3A_1244 = vector.broadcast %lt3A_1243 : i32 to vector<16xi32>
    %lt3A_1245 = arith.cmpi slt, %convert_element_type3A_1239, %lt3A_1244 : vector<16xi32>
    %and3A_1246 = arith.andi %ge3A_1242, %lt3A_1245 : vector<16xi1>
    %add3A_1247 = arith.constant 50 : i32
    %add3A_1248 = vector.broadcast %add3A_1247 : i32 to vector<16xi32>
    %add3A_1249 = arith.addi %convert_element_type3A_1239, %add3A_1248 : vector<16xi32>
    %scatter3A_1250 = arith.constant 1 : i32
    %scatter3A_1251 = arith.constant 0 : i32
    %scatter3A_1252 = arith.constant 0 : i32
    %scatter3A_1253 = tpu.memref_slice %arg6[%scatter3A_1250, %scatter3A_1251, %scatter3A_1252] : memref<2x163x128xf32, #tpu.memory_space<vmem>> -> memref<1x163x128xf32, #tpu.memory_space<vmem>>
    %scatter3A_1254 = tpu.memref_squeeze %scatter3A_1253 : memref<1x163x128xf32, #tpu.memory_space<vmem>> -> memref<163x128xf32, #tpu.memory_space<vmem>>
    tpu.vector_store_idx %scatter3A_1254[%add3A_1249, %add3A_1229], %get3A_81 masked %and3A_1246 : memref<163x128xf32, #tpu.memory_space<vmem>>[vector<16xi32>, vector<16xi32>], vector<16xf32>, vector<16xi1>
    %mul3A_1255 = arith.constant 512 : i32
    %mul3A_1256 = arith.muli %add3A, %mul3A_1255 : i32
    %add3A_1257 = arith.constant 384 : i32
    %add3A_1258 = arith.addi %mul3A_1256, %add3A_1257 : i32
    %dma_start3A_1259 = arith.constant 1 : i32
    %dma_start3A_1260 = arith.constant 1 : i32
    %dma_start3A_1261 = arith.constant 0 : i32
    %dma_start3A_1262 = arith.constant 0 : i32
    %dma_start3A_1263 = tpu.memref_slice %arg6[%dma_start3A_1259, %dma_start3A_1261, %dma_start3A_1262] : memref<2x163x128xf32, #tpu.memory_space<vmem>> -> memref<1x163x128xf32, #tpu.memory_space<vmem>>
    %dma_start3A_1264 = tpu.memref_squeeze %dma_start3A_1263 : memref<1x163x128xf32, #tpu.memory_space<vmem>> -> memref<163x128xf32, #tpu.memory_space<vmem>>
    %dma_start3A_1265 = arith.constant 0 : i32
    %dma_start3A_1266 = tpu.memref_slice %arg4[%dma_start3A_1265, %add3A_1258] : memref<163x16384xf32, #tpu.memory_space<hbm>> -> memref<163x128xf32, #tpu.memory_space<hbm>>
    %dma_start3A_1267 = tpu.memref_slice %arg9[%dma_start3A_1260] : memref<2x!tpu.dma_semaphore, #tpu.memory_space<semaphore_mem>> -> memref<1x!tpu.dma_semaphore, #tpu.memory_space<semaphore_mem>>
    %dma_start3A_1268 = tpu.memref_squeeze %dma_start3A_1267 : memref<1x!tpu.dma_semaphore, #tpu.memory_space<semaphore_mem>> -> memref<!tpu.dma_semaphore, #tpu.memory_space<semaphore_mem>>
    %dma_start3A_1269 = arith.constant 0 : i32
    %dma_start3A_1270 = tpu.memref_slice %arg4[%dma_start3A_1269, %add3A_1258] : memref<163x16384xf32, #tpu.memory_space<hbm>> -> memref<163x128xf32, #tpu.memory_space<hbm>>
    %dma_start3A_1271 = arith.constant 0 : i32
    %dma_start3A_1272 = arith.constant 0 : i32
    %dma_start3A_1273 = tpu.memref_slice %arg6[%dma_start3A_1259, %dma_start3A_1271, %dma_start3A_1272] : memref<2x163x128xf32, #tpu.memory_space<vmem>> -> memref<1x163x128xf32, #tpu.memory_space<vmem>>
    %dma_start3A_1274 = tpu.memref_squeeze %dma_start3A_1273 : memref<1x163x128xf32, #tpu.memory_space<vmem>> -> memref<163x128xf32, #tpu.memory_space<vmem>>
    tpu.enqueue_dma source(%dma_start3A_1274 : memref<163x128xf32, #tpu.memory_space<vmem>>) target(%dma_start3A_1270 : memref<163x128xf32, #tpu.memory_space<hbm>>) target_semaphore(%dma_start3A_1268 : memref<!tpu.dma_semaphore, #tpu.memory_space<semaphore_mem>>)
    %mul3A_1275 = arith.constant 512 : i32
    %mul3A_1276 = arith.muli %add3A, %mul3A_1275 : i32
    %add3A_1277 = arith.constant 256 : i32
    %add3A_1278 = arith.addi %mul3A_1276, %add3A_1277 : i32
    %dma_wait3A_1279 = arith.constant 0 : i32
    %dma_wait3A_1280 = arith.constant 0 : i32
    %dma_wait3A_1281 = arith.constant 0 : i32
    %dma_wait3A_1282 = arith.constant 0 : i32
    %dma_wait3A_1283 = tpu.memref_slice %arg6[%dma_wait3A_1279, %dma_wait3A_1281, %dma_wait3A_1282] : memref<2x163x128xf32, #tpu.memory_space<vmem>> -> memref<1x163x128xf32, #tpu.memory_space<vmem>>
    %dma_wait3A_1284 = tpu.memref_squeeze %dma_wait3A_1283 : memref<1x163x128xf32, #tpu.memory_space<vmem>> -> memref<163x128xf32, #tpu.memory_space<vmem>>
    %dma_wait3A_1285 = arith.constant 0 : i32
    %dma_wait3A_1286 = tpu.memref_slice %arg4[%dma_wait3A_1285, %add3A_1278] : memref<163x16384xf32, #tpu.memory_space<hbm>> -> memref<163x128xf32, #tpu.memory_space<hbm>>
    %dma_wait3A_1287 = tpu.memref_slice %arg9[%dma_wait3A_1280] : memref<2x!tpu.dma_semaphore, #tpu.memory_space<semaphore_mem>> -> memref<1x!tpu.dma_semaphore, #tpu.memory_space<semaphore_mem>>
    %dma_wait3A_1288 = tpu.memref_squeeze %dma_wait3A_1287 : memref<1x!tpu.dma_semaphore, #tpu.memory_space<semaphore_mem>> -> memref<!tpu.dma_semaphore, #tpu.memory_space<semaphore_mem>>
    %dma_wait3A_1289 = arith.constant 0 : i32
    %dma_wait3A_1290 = tpu.memref_slice %arg4[%dma_wait3A_1289, %add3A_1278] : memref<163x16384xf32, #tpu.memory_space<hbm>> -> memref<163x128xf32, #tpu.memory_space<hbm>>
    %dma_wait3A_1291 = arith.constant 0 : i32
    %dma_wait3A_1292 = arith.constant 0 : i32
    %dma_wait3A_1293 = tpu.memref_slice %arg6[%dma_wait3A_1279, %dma_wait3A_1291, %dma_wait3A_1292] : memref<2x163x128xf32, #tpu.memory_space<vmem>> -> memref<1x163x128xf32, #tpu.memory_space<vmem>>
    %dma_wait3A_1294 = tpu.memref_squeeze %dma_wait3A_1293 : memref<1x163x128xf32, #tpu.memory_space<vmem>> -> memref<163x128xf32, #tpu.memory_space<vmem>>
    tpu.wait_dma2 semaphore(%dma_wait3A_1288 : memref<!tpu.dma_semaphore, #tpu.memory_space<semaphore_mem>>) src(%dma_wait3A_1294 : memref<163x128xf32, #tpu.memory_space<vmem>>) dst(%dma_wait3A_1290 : memref<163x128xf32, #tpu.memory_space<hbm>>)
    %mul3A_1295 = arith.constant 512 : i32
    %mul3A_1296 = arith.muli %add3A, %mul3A_1295 : i32
    %add3A_1297 = arith.constant 384 : i32
    %add3A_1298 = arith.addi %mul3A_1296, %add3A_1297 : i32
    %dma_wait3A_1299 = arith.constant 1 : i32
    %dma_wait3A_1300 = arith.constant 1 : i32
    %dma_wait3A_1301 = arith.constant 0 : i32
    %dma_wait3A_1302 = arith.constant 0 : i32
    %dma_wait3A_1303 = tpu.memref_slice %arg6[%dma_wait3A_1299, %dma_wait3A_1301, %dma_wait3A_1302] : memref<2x163x128xf32, #tpu.memory_space<vmem>> -> memref<1x163x128xf32, #tpu.memory_space<vmem>>
    %dma_wait3A_1304 = tpu.memref_squeeze %dma_wait3A_1303 : memref<1x163x128xf32, #tpu.memory_space<vmem>> -> memref<163x128xf32, #tpu.memory_space<vmem>>
    %dma_wait3A_1305 = arith.constant 0 : i32
    %dma_wait3A_1306 = tpu.memref_slice %arg4[%dma_wait3A_1305, %add3A_1298] : memref<163x16384xf32, #tpu.memory_space<hbm>> -> memref<163x128xf32, #tpu.memory_space<hbm>>
    %dma_wait3A_1307 = tpu.memref_slice %arg9[%dma_wait3A_1300] : memref<2x!tpu.dma_semaphore, #tpu.memory_space<semaphore_mem>> -> memref<1x!tpu.dma_semaphore, #tpu.memory_space<semaphore_mem>>
    %dma_wait3A_1308 = tpu.memref_squeeze %dma_wait3A_1307 : memref<1x!tpu.dma_semaphore, #tpu.memory_space<semaphore_mem>> -> memref<!tpu.dma_semaphore, #tpu.memory_space<semaphore_mem>>
    %dma_wait3A_1309 = arith.constant 0 : i32
    %dma_wait3A_1310 = tpu.memref_slice %arg4[%dma_wait3A_1309, %add3A_1298] : memref<163x16384xf32, #tpu.memory_space<hbm>> -> memref<163x128xf32, #tpu.memory_space<hbm>>
    %dma_wait3A_1311 = arith.constant 0 : i32
    %dma_wait3A_1312 = arith.constant 0 : i32
    %dma_wait3A_1313 = tpu.memref_slice %arg6[%dma_wait3A_1299, %dma_wait3A_1311, %dma_wait3A_1312] : memref<2x163x128xf32, #tpu.memory_space<vmem>> -> memref<1x163x128xf32, #tpu.memory_space<vmem>>
    %dma_wait3A_1314 = tpu.memref_squeeze %dma_wait3A_1313 : memref<1x163x128xf32, #tpu.memory_space<vmem>> -> memref<163x128xf32, #tpu.memory_space<vmem>>
    tpu.wait_dma2 semaphore(%dma_wait3A_1308 : memref<!tpu.dma_semaphore, #tpu.memory_space<semaphore_mem>>) src(%dma_wait3A_1314 : memref<163x128xf32, #tpu.memory_space<vmem>>) dst(%dma_wait3A_1310 : memref<163x128xf32, #tpu.memory_space<hbm>>)
    return
  }
}

</mosaic_0001>

<sc_bundles>
// kernel: kernel.3.cloned.1.call-start
scs
__scs_entry_jumppad:
0x0: {  	(pc) =	sbr.rel $0x88, $3  }
0x1: {  	(tag) =	ssettag $0x0;
	lr =	simm.s32 $0x1  }
0x2: {  	[smem:$0x3F9F] =	sst lr;
	_ =	strace $0xD0000000  }
0x3: {  	_ = 	snop  }
0x4: {  	_ = 	snop  }
0x5: {  	_ = 	snop  }
0x6: {  	_ = 	snop  }
0x7: {  	_ = 	snop  }
__scs_overlays_trampoline_lowered:
0x8: {  	[smem:$0x3FAE] =	sst s0  }
0x9: {  	[smem:$0x3FAF] =	sst s1  }
0xa: {  	[smem:$0x3FB0] =	sst s2  }
0xb: {  	[smem:$0x3FB1] =	sst s3  }
0xc: {  	[smem:$0x3FB2] =	sst s4  }
0xd: {  	[smem:$0x3FB3] =	sst s5  }
0xe: {  	[smem:$0x3FB4] =	sst s6  }
0xf: {  	[smem:$0x3FB5] =	sst s7  }
0x10: {  	[smem:$0x3FB6] =	sst s8  }
0x11: {  	[smem:$0x3FB7] =	sst s9;
	s0 =	simm.s32 @!p0 $0x0  }
0x12: {  	s1 =	sld [smem:$0x3F9D];
	s0 =	simm.s32 @p0 $0x1  }
0x13: {  	[smem:$0x3FB8] =	sst s0;
	s0 =	simm.s32 @!p1 $0x0  }
0x14: {  	s2 =	sld [smem:$0x3F9C];
	s0 =	simm.s32 @p1 $0x1  }
0x15: {  	[smem:$0x3FB9] =	sst s0;
	s0 =	simm.s32 @!p2 $0x0  }
0x16: {  	s3 =	sld [smem:$0x3FDB];
	s0 =	simm.s32 @p2 $0x1  }
0x17: {  	s4 =	simm.s32 $0x1BF5;
	[smem:$0x3FBB] =	sst s0  }
0x18: {  	s0 =	sld [smem:$0x3F9E];
	_ =	swait.ge [sflag:s4], $0x0  }
0x19: {  	s7 =	sld [smem:$0x3F9F]  }
0x1a: {  	s8 =	sadd.s32 $0xFFFFE003, lr  }
0x1b: {  	s9 =	sadd.s32 $0xFFFFFEF7, lr;
	s5 =	simm.s32 $0xFFFFFFFF;
	p2 =	slt.u32 s8, $0xFFFFF086  }
0x1c: {  	p1 =	slt.u32 s9, $0xF7A;
	s5 =	simm.s32 @!p2 $0x0  }
0x1d: {  	s5 =	simm.s32 @p1 $0x1;
	p0 =	seq.s32 s7, s2  }
0x1e: {  	s7 =	smul.u32 @!p0 $0xF7A, s2;
	p2 =	seq.s32 @!p0 s5, $0x0  }
0x1f: {  	s9 =	smul.u32 $0xF7A, s1;
	s8 =	simm.s32 @!p0 $0x1BF5;
	p2 =	por !p2, p0  }
0x20: {  	[sflag:s8] =	ssyncset.s32 @!p0 $0xFFFFF086;
	s6 =	sadd.s32 @!p0 s3, s7;
	s7 =	simm.s32 @!p0 $0x108  }
0x21: {  	s3 =	sadd.s32 s3, s9;
	s6 =	sadd.s32 @!p0 $0x88, s6;
	s7 =	simm.s32 @p2 $0x1082  }
0x22: {  	[simem:s7], [sflag:s8] =	dma.local @!p0 [hbm:s6], $0xF7A  }
0x23: {  	s9 =	sor.u32 $0xD0000000, s2;
	s6 =	simm.s32 $0x108;
	_ =	swait.ge @!p0 [sflag:s8], $0x0  }
0x24: {  	s3 =	sadd.s32 $0x88, s3;
	s6 =	simm.s32 @!p1 $0x1082;
	[sflag:s4] =	ssyncset.s32 $0xFFFFF086  }
0x25: {  	[simem:s6], [sflag:s4] =	dma.local [hbm:s3], $0xF7A  }
0x26: {  	[smem:$0x3F9F] =	sst s1;
	(tag) =	ssettag s2;
	_ =	strace s9  }
0x27: {  	s1 =	sld [smem:$0x3FAF]  }
0x28: {  	s2 =	sld [smem:$0x3FB0]  }
0x29: {  	s4 =	sld [smem:$0x3FB2]  }
0x2a: {  	p0 =	seq.s32 s5, $0x0;
	s5 =	sld [smem:$0x3FB3]  }
0x2b: {  	s6 =	sld [smem:$0x3FB4]  }
0x2c: {  	s7 =	sld [smem:$0x3FB5]  }
0x2d: {  	s3 =	simm.s32 $0x108;
	s8 =	sld [smem:$0x3FB6]  }
0x2e: {  	s3 =	simm.s32 @!p0 $0x1082;
	s9 =	sld [smem:$0x3FB7]  }
0x2f: {  	lr =	sadd.s32 s0, s3;
	s0 =	sld [smem:$0x3FAE]  }
0x30: {  	s3 =	sld [smem:$0x3FB1]  }
0x31: {  	[smem:$0x3FBA] =	sst s10  }
0x32: {  	s10 =	sld [smem:$0x3FB8];
	_ =	sdelay $0x3  }
0x33: {  	p0 =	seq.s32 s10, $0x1;
	s10 =	sld [smem:$0x3FBA];
	_ =	sdelay $0x3  }
0x34: {  	[smem:$0x3FBA] =	sst s10  }
0x35: {  	s10 =	sld [smem:$0x3FB9];
	_ =	sdelay $0x3  }
0x36: {  	p1 =	seq.s32 s10, $0x1;
	s10 =	sld [smem:$0x3FBA];
	_ =	sdelay $0x3  }
0x37: {  	[smem:$0x3FBA] =	sst s10  }
0x38: {  	s10 =	sld [smem:$0x3FBB]  }
0x39: {  	_ = 	snop;
	(pc) =	sbr.ind lr, $3  }
0x3a: {  	_ = 	snop  }
0x3b: {  	_ = 	snop  }
0x3c: {  	p2 =	seq.s32 s10, $0x1;
	s10 =	sld [smem:$0x3FBA]  }
0x3d: {  	_ =	shalt  }
0x3e: {  	_ =	shalt  }
0x3f: {  	_ =	shalt  }
0x40: {  	_ =	shalt  }
0x41: {  	_ =	shalt  }
0x42: {  	_ =	shalt  }
0x43: {  	_ =	shalt  }
0x44: {  	_ =	shalt  }
0x45: {  	_ =	shalt  }
0x46: {  	_ =	shalt  }
0x47: {  	_ =	shalt  }
0x48: {  	_ =	shalt  }
0x49: {  	_ =	shalt  }
0x4a: {  	_ =	shalt  }
0x4b: {  	_ =	shalt  }
0x4c: {  	_ =	shalt  }
0x4d: {  	_ =	shalt  }
0x4e: {  	_ =	shalt  }
0x4f: {  	_ =	shalt  }
0x50: {  	_ =	shalt  }
0x51: {  	_ =	shalt  }
0x52: {  	_ =	shalt  }
0x53: {  	_ =	shalt  }
0x54: {  	_ =	shalt  }
0x55: {  	_ =	shalt  }
0x56: {  	_ =	shalt  }
0x57: {  	_ =	shalt  }
0x58: {  	_ =	shalt  }
0x59: {  	_ =	shalt  }
0x5a: {  	_ =	shalt  }
0x5b: {  	_ =	shalt  }
0x5c: {  	_ =	shalt  }
0x5d: {  	_ =	shalt  }
0x5e: {  	_ =	shalt  }
0x5f: {  	_ =	shalt  }
0x60: {  	_ =	shalt  }
0x61: {  	_ =	shalt  }
0x62: {  	_ =	shalt  }
0x63: {  	_ =	shalt  }
0x64: {  	_ =	shalt  }
0x65: {  	_ =	shalt  }
0x66: {  	_ =	shalt  }
0x67: {  	_ =	shalt  }
0x68: {  	_ =	shalt  }
0x69: {  	_ =	shalt  }
0x6a: {  	_ =	shalt  }
0x6b: {  	_ =	shalt  }
0x6c: {  	_ =	shalt  }
0x6d: {  	_ =	shalt  }
0x6e: {  	_ =	shalt  }
0x6f: {  	_ =	shalt  }
0x70: {  	_ =	shalt  }
0x71: {  	_ =	shalt  }
0x72: {  	_ =	shalt  }
0x73: {  	_ =	shalt  }
0x74: {  	_ =	shalt  }
0x75: {  	_ =	shalt  }
0x76: {  	_ =	shalt  }
0x77: {  	_ =	shalt  }
0x78: {  	_ =	shalt  }
0x79: {  	_ =	shalt  }
0x7a: {  	_ =	shalt  }
0x7b: {  	_ =	shalt  }
0x7c: {  	_ =	shalt  }
0x7d: {  	_ =	shalt  }
0x7e: {  	_ =	shalt  }
0x7f: {  	_ =	shalt  }
0x80: {  	_ =	shalt  }
0x81: {  	_ =	shalt  }
0x82: {  	_ =	shalt  }
0x83: {  	_ =	shalt  }
0x84: {  	_ =	shalt  }
0x85: {  	_ =	shalt  }
0x86: {  	_ =	shalt  }
0x87: {  	_ =	shalt  }
.Lfunc_end0:
.L_simem_size_0:
called_computation_lowered:
.L_overlay_start_0:
0x88: {  	s2 =	sld [smem:$0x3FD9]  }
0x89: {  	s3 =	sld [smem:$0x3FFE];
	_ =	sdelay $0x1  }
0x8a: {  	s1 =	srdreg.scid  }
0x8b: {  	s0 =	sand.u32 $0x1, s1  }
0x8c: {  	s17 =	sshll.u32 s0, $0xA;
	s2 =	sadd.s32 s3, s2  }
0x8d: {  	s2 =	sadd.s32 s2, s17  }
0x8e: {  	[smem:$0x3FC6] =	sst s2  }
0x8f: {  	_ = 	snop  }
0x90: {  	s2 =	sld [smem:$0x3FC9]  }
0x91: {  	s18 =	sld [smem:$0x3FD0];
	(tm) =	ssettm $0x1  }
0x92: {  	s4 =	sld [smem:$0x3FFB];
	_ =	sdelay $0x3  }
0x93: {  	_ =	strace s4  }
0x94: {  	s4 =	sld [smem:$0x3FFC];
	_ =	sdelay $0x3  }
0x95: {  	_ =	strace s4  }
0x96: {  	s4 =	sld [smem:$0x3FFD];
	_ =	sdelay $0x3  }
0x97: {  	_ =	strace s4  }
0x98: {  	_ =	strace $0x8FFFFFFF  }
0x99: {  	s19 =	sld [smem:$0x3FDB];
	_ =	sdelay $0x1  }
0x9a: {  	s5 =	simm.s32 $_scs_section_size  }
0x9b: {  	s6 =	simm.s32 $_size__tile_overlayer_lowered;
	s7 =	simm.s32 $_tile_overlayer_lowered  }
0x9c: {  	s22 =	simm.s32 $0x1BFF;
	s21 =	sshll.u32 s7, $0x1;
	s4 =	sadd.s32 s5, s19  }
0x9d: {  	s8 =	simm.s32 $0x0;
	s20 =	sshll.u32 s6, $0x1;
	s6 =	sadd.s32 s21, s4  }
0x9e: {  	[timem:s8], [sflag:s22] =	dma.local [hbm:s6], s20  }
0x9f: {  	_ =	swait.ge [sflag:s22], s20  }
0xa0: {  	s5 =	ssub.s32 $0x0, s20;
	[sflag:s22] =	ssyncset.done $0x0  }
0xa1: {  	[sflag:s22] =	ssyncadd.s32 s5;
	_ =	sdelay $0x1  }
0xa2: {  	s23 =	simm.s32 $0x1B8B  }
0xa3: {  	_ =	swait.ge [sflag:s23], $0x1  }
0xa4: {  	[sflag:s23] =	ssyncset.done $0x0  }
0xa5: {  	s25 =	simm.s32 $0x1B8E;
	s24 =	sld [smem:$0x3FFE];
	[sflag:s23] =	ssyncadd.s32 $0xFFFFFFFF  }
0xa6: {  	s26 =	simm.s32 $execute0_lowered;
	[smem:$0x3FD2] =	sst s25  }
0xa7: {  	s6 =	sshll.u32 s26, $0x1;
	_ =	strace $0x80000046;
	[dreg:$0x1] =	wrdreg $0xFFFFFFFF  }
0xa8: {  	s28 =	simm.s32 $_size_execute0_lowered;
	s4 =	sadd.s32 s4, s6;
	[dreg:$0x0] =	wrdreg $0x0  }
0xa9: {  	s6 =	sshll.u32 s28, $0x1;
	[dreg:$0x2] =	wrdreg s4  }
0xaa: {  	[dreg:$0x3] =	wrdreg s6  }
0xab: {  	[dreg:$0x4] =	wrdreg $0xC0  }
0xac: {  	_ =	task [dreg:s8], $0x5FFFF  }
0xad: {  	[dreg:$0x1] =	wrdreg $0xFFFFFFFF  }
0xae: {  	[dreg:$0x0] =	wrdreg $0x60  }
0xaf: {  	[dreg:$0x2] =	wrdreg s2  }
0xb0: {  	[dreg:$0x3] =	wrdreg s24  }
0xb1: {  	[dreg:$0x4] =	wrdreg s18  }
0xb2: {  	[dreg:$0x5] =	wrdreg $0x9  }
0xb3: {  	_ =	task.clear_ibuf [dreg:s8], $0x6FFFF;
	_ =	strace $0x90000046  }
0xb4: {  	s29 =	simm.s32 $0x9;
	_ =	strace $0x80000048  }
0xb5: {  	_ =	swait.ge [sflag:s29], $0x1  }
0xb6: {  	[sflag:s29] =	ssyncadd.s32 $0xFFFFFFFF  }
0xb7: {  	_ =	strace $0x90000048  }
0xb8: {  	_ =	sfence  }
0xb9: {  	s30 =	sld [smem:$0x0];
	_ =	sdelay $0x2  }
0xba: {  	s31 =	sshll.u32 s1, $0xD;
	s1 =	sshrl.u32 s1, $0x2  }
0xbb: {  	s3 =	sand.u32 $0x4000, s31;
	s1 =	sadd.s32 s1, s30  }
0xbc: {  	s0 =	sor.u32 s3, s0;
	s1 =	sshll.u32 s1, $0x11  }
0xbd: {  	s0 =	sor.u32 s1, s0  }
0xbe: {  	s0 =	sadd.s32 $0x8F2B, s0  }
0xbf: {  	[sflag:s0] =	ssyncadd.remote.s32 $0x1  }
0xc0: {  	_ =	sfence.sel $0xFFFF  }
0xc1: {  	[dreg:$0x0] =	wrdreg $0xFFFFFFFF;
	(pc) =	sbr.abs _section_cstart, $3  }
0xc2: {  	[dreg:$0x1] =	wrdreg $0xFFFFFFFF  }
0xc3: {  	_ =	task.clear_ibuf [dreg:s8], $0x2FFFF;
	_ =	strace $0x9FFFFFFF  }
0xc4: {  	(tm) =	ssettm $0x7FFFFFFF  }
0xc5: {  	_ =	shalt  }
tec
execute0_lowered:
.L_overlay_start_1:
0x0: {  	(tag) =	ssettag $0x1  }
0x1: {  	s0 =	rddreg [dreg:$0x0]  }
0x2: {  	s1 =	rddreg [dreg:$0x1]  }
0x3: {  	s4 =	rddreg [dreg:$0x2];
	s2 =	srdreg.scid  }
0x4: {  	s5 =	stileid.u32;
	s17 =	simm.s32 $0x400;
	s18 =	simm.s32 $0x20000  }
0x5: {  	s28 =	simm.s32 $0x7;
	s29 =	simm.s32 $0x1;
	s30 =	simm.s32 $0xD000  }
0x6: {  	s31 =	simm.s32 $0x12000;
	s19 =	simm.s32 $0x17400;
	s20 =	simm.s32 $0x3  }
0x7: {  	s21 =	simm.s32 $0x5;
	s22 =	simm.s32 $0x4;
	s3 =	sand.u32 $0x1, s2  }
0x8: {  	s2 =	simm.s32 $0x0;
	s5 =	sshll.u32 s5, $0xA;
	s1 =	sadd.s32 $0x400, s1  }
0x9: {  	s6 =	sshll.u32 s3, $0x9;
	[smem:$0x7FF] =	sst s2;
	s7 =	ssub.s32 $0x2, s3  }
0xa: {  	s5 =	sor.u32 s6, s5;
	_ =	strace $0x80000047;
	s23 =	sshrl.u32 s7, $0x1  }
0xb: {  	[dreg:$0x4] =	wrdreg s1;
	s1 =	simm.s32 $0x12400;
	s3 =	sadd.s32 s0, s5  }
0xc: {  	s24 =	ssub.s32 s7, s23;
	s9 =	sor.u32 $0x80, s5;
	s14 =	sor.u32 $0x100, s5  }
0xd: {  	s15 =	sor.u32 $0x180, s5;
	s12 =	sadd.s32 s4, s5;
	s23 =	simm.s32 $0x6  }
0xe: {  	s25 =	sadd.s32 $0x30000, s3;
	s6 =	sadd.s32 s0, s9;
	s7 =	sadd.s32 s0, s14  }
0xf: {  	v8 =	vlaneseq.u32;
	s8 =	sadd.s32 s0, s15;
	s13 =	sadd.s32 s4, s9;
	s14 =	sadd.s32 s4, s14  }
0x10: {  	v0 =	vimm.f32 $0.0e+00;
	v1 =	vor.u32 $0x1900, v8;
	v2 =	vor.u32 $0x1910, v8;
	s15 =	sadd.s32 s4, s15;
	s16 =	smax.u32 s24, $0x1;
	s0 =	simm.s32 $0x2  }
0x11: {  	v3 =	vor.u32 $0x1920, v8;
	v4 =	vor.u32 $0x1930, v8;
	v5 =	vor.u32 $0x1940, v8;
	s24 =	simm.s32 $0x0;
	[dreg:$0x5] =	wrdreg s25;
	s26 =	sadd.s32 $0x30000, s6  }
0x12: {  	v6 =	vor.u32 $0x1950, v8;
	v7 =	vor.u32 $0x1960, v8;
	v8 =	vor.u32 $0x1970, v8;
	s10 =	sadd.s32 $0x30000, s7;
	s11 =	sadd.s32 $0x30000, s8;
	[dreg:$0x6] =	wrdreg s26  }
.LBB2_1:
0x13: {  	[tilespmem:s2], [sflag:$0x1] =	stream.strided.gather [hbm4b:s3+s17], $0x3000, s18, s17, $0x38;
	[tilespmem:$0x17880] =	vst v63  }
0x14: {  	s4 =	rddreg [dreg:$0x5];
	s5 =	simm.s32 $0x3000  }
0x15: {  	[tilespmem:s5], [sflag:$0x1] =	stream.linear.gather [hbm4b:s4+s2], $0x200, $0x38;
	[tilespmem:$0x17880] =	vst v63  }
0x16: {  	s26 =	simm.s32 $0x3400  }
0x17: {  	[tilespmem:s26], [sflag:$0x2] =	stream.strided.gather [hbm4b:s6+s17], $0x3000, s18, s17, $0x38;
	[tilespmem:$0x17880] =	vst v63  }
0x18: {  	s9 =	simm.s32 $0x6400;
	s5 =	rddreg [dreg:$0x6]  }
0x19: {  	[tilespmem:s9], [sflag:$0x2] =	stream.linear.gather [hbm4b:s5+s2], $0x200, $0x38;
	[tilespmem:$0x17880] =	vst v63  }
0x1a: {  	s25 =	simm.s32 $0x6800  }
0x1b: {  	[tilespmem:s25], [sflag:$0x3] =	stream.strided.gather [hbm4b:s7+s17], $0x3000, s18, s17, $0x38;
	[tilespmem:$0x17880] =	vst v63  }
0x1c: {  	s26 =	simm.s32 $0x9800  }
0x1d: {  	[tilespmem:s26], [sflag:$0x3] =	stream.linear.gather [hbm4b:s10+s2], $0x200, $0x38;
	[tilespmem:$0x17880] =	vst v63  }
0x1e: {  	s5 =	simm.s32 $0x9C00  }
0x1f: {  	[tilespmem:s5], [sflag:$0x4] =	stream.strided.gather [hbm4b:s8+s17], $0x3000, s18, s17, $0x38;
	[tilespmem:$0x17880] =	vst v63  }
0x20: {  	s9 =	simm.s32 $0xCC00  }
0x21: {  	[tilespmem:s9], [sflag:$0x4] =	stream.linear.gather [hbm4b:s11+s2], $0x200, $0x38;
	[tilespmem:$0x17880] =	vst v63  }
0x22: {  	s25 =	rddreg [dreg:$0x4];
	s26 =	simm.s32 $0x17800  }
0x23: {  	[tilespmem:s26], [sflag:$0x7] =	stream.linear.gather [hbm4b:s25+s2], $0x80, $0x38;
	[tilespmem:$0x17880] =	vst v63  }
0x24: {  	_ =	swait.ge [sflag:s28], $0x80  }
0x25: {  	[sflag:s28] =	ssyncset.done $0x0  }
0x26: {  	[sflag:s28] =	ssyncadd.s32 $0xFFFFFF80  }
0x27: {  	v9 =	vld [tilespmem:$0x17800];
	_ =	swait.ge [sflag:s29], $0x3200  }
0x28: {  	[sflag:s29] =	ssyncset.done $0x0  }
0x29: {  	s4 =	simm.s32 $0x0;
	[sflag:s29] =	ssyncadd.s32 $0xFFFFCE00  }
0x2a: {  	v13 =	vld [tilespmem:s4+$0x70]  }
0x2b: {  	v14 =	vld [tilespmem:s4+$0x0]  }
0x2c: {  	v15 =	vld [tilespmem:s4+$0x10]  }
0x2d: {  	v12 =	vld [tilespmem:s4+$0x20]  }
0x2e: {  	v10 =	vld [tilespmem:s4+$0x30]  }
0x2f: {  	v11 =	vld [tilespmem:s4+$0x40];
	[tilespmem:s4+$0xD070] =	vst v13  }
0x30: {  	[tilespmem:s4+$0xD000] =	vst v14;
	v13 =	vld [tilespmem:s4+$0x50]  }
0x31: {  	s5 =	simm.s32 $0x80;
	s9 =	simm.s32 $0x400;
	[tilespmem:s4+$0xD010] =	vst v15;
	v14 =	vld [tilespmem:s4+$0x60]  }
.LBB2_2:
0x32: {  	p0 =	sne.s32 s9, $0x6200;
	v15 =	vld [tilespmem:s5+$0x70];
	[tilespmem:s4+$0xD020] =	vst v12  }
0x33: {  	v16 =	vld [tilespmem:s5+$0x0];
	[tilespmem:s4+$0xD030] =	vst v10  }
0x34: {  	v17 =	vld [tilespmem:s5+$0x10];
	[tilespmem:s4+$0xD040] =	vst v11  }
.Ltmp0:
0x35: {  	v12 =	vld [tilespmem:s5+$0x20];
	[tilespmem:s4+$0xD050] =	vst v13;
	(pc) =	sbr.rel @p0 .LBB2_2-.Ltmp0, $4  }
0x36: {  	v10 =	vld [tilespmem:s5+$0x30];
	[tilespmem:s4+$0xD060] =	vst v14;
	s4 =	smov.u32 s5  }
0x37: {  	v11 =	vld [tilespmem:s4+$0x40];
	[tilespmem:s4+$0xD070] =	vst v15  }
0x38: {  	[tilespmem:s4+$0xD000] =	vst v16;
	v13 =	vld [tilespmem:s4+$0x50]  }
0x39: {  	s5 =	sshra.s32 s9, $0x2;
	s9 =	sadd.s32 $0x200, s9;
	[tilespmem:s4+$0xD010] =	vst v17;
	v14 =	vld [tilespmem:s4+$0x60]  }
0x3a: {  	v15 =	vld [tilespmem:s5+$0x70];
	[tilespmem:s4+$0xD020] =	vst v12  }
0x3b: {  	v12 =	vld [tilespmem:s5+$0x0];
	[tilespmem:s4+$0xD030] =	vst v10  }
0x3c: {  	v10 =	vld [tilespmem:s5+$0x10];
	[tilespmem:s4+$0xD040] =	vst v11  }
0x3d: {  	v11 =	vld [tilespmem:s5+$0x20];
	[tilespmem:s4+$0xD050] =	vst v13  }
0x3e: {  	v13 =	vld [tilespmem:s5+$0x30];
	[tilespmem:s4+$0xD060] =	vst v14  }
0x3f: {  	v14 =	vld [tilespmem:s5+$0x40];
	[tilespmem:s5+$0xD070] =	vst v15  }
0x40: {  	[tilespmem:s5+$0xD000] =	vst v12;
	v12 =	vld [tilespmem:s5+$0x50]  }
0x41: {  	p1 =	por $0x1, $0x1;
	[tilespmem:s5+$0xD010] =	vst v10;
	v10 =	vld [tilespmem:s5+$0x60]  }
.Ltmp1:
0x42: {  	[tilespmem:s5+$0xD020] =	vst v11;
	(pc) =	sbr.rel @!p1 .LBB2_7-.Ltmp1, $4  }
0x43: {  	[tilespmem:s5+$0xD030] =	vst v13  }
0x44: {  	[tilespmem:s5+$0xD040] =	vst v14  }
0x45: {  	s25 =	simm.s32 $0x0;
	[tilespmem:s5+$0xD050] =	vst v12  }
0x46: {  	s26 =	simm.s32 $0x200;
	p0 =	por $0x0, $0x0;
	s4 =	simm.s32 $0x0;
	[tilespmem:s5+$0xD060] =	vst v10  }
0x47: {  	v13 =	vld [tilespmem:s25+$0x19F0]  }
0x48: {  	v14 =	vld [tilespmem:s25+$0x1980]  }
0x49: {  	v15 =	vld [tilespmem:s25+$0x1990];
	p1 =	por $0x1, $0x1  }
.Ltmp2:
0x4a: {  	v10 =	vld [tilespmem:s25+$0x19A0];
	(pc) =	sbr.rel @!p1 .LBB2_5-.Ltmp2, $4  }
0x4b: {  	v11 =	vld [tilespmem:s25+$0x19B0]  }
0x4c: {  	v12 =	vld [tilespmem:s25+$0x19C0];
	[tilespmem:s25+$0x10970] =	vst v13  }
0x4d: {  	s4 =	simm.s32 $0x80;
	[tilespmem:s25+$0x10900] =	vst v14;
	v13 =	vld [tilespmem:s25+$0x19D0]  }
0x4e: {  	s9 =	simm.s32 $0x400;
	p0 =	por $0x1, $0x1;
	s5 =	simm.s32 $0x0;
	[tilespmem:s25+$0x10910] =	vst v15;
	v14 =	vld [tilespmem:s25+$0x19E0]  }
.LBB2_6:
0x4f: {  	p1 =	sne.s32 s9, $0x6000;
	v15 =	vld [tilespmem:s4+$0x19F0];
	[tilespmem:s5+$0x10920] =	vst v10  }
0x50: {  	v16 =	vld [tilespmem:s4+$0x1980];
	[tilespmem:s5+$0x10930] =	vst v11  }
0x51: {  	v17 =	vld [tilespmem:s4+$0x1990];
	[tilespmem:s5+$0x10940] =	vst v12  }
.Ltmp3:
0x52: {  	v10 =	vld [tilespmem:s4+$0x19A0];
	[tilespmem:s5+$0x10950] =	vst v13;
	(pc) =	sbr.rel @p1 .LBB2_6-.Ltmp3, $4  }
0x53: {  	v11 =	vld [tilespmem:s4+$0x19B0];
	[tilespmem:s5+$0x10960] =	vst v14;
	s5 =	smov.u32 s4  }
0x54: {  	v12 =	vld [tilespmem:s5+$0x19C0];
	[tilespmem:s5+$0x10970] =	vst v15  }
0x55: {  	[tilespmem:s5+$0x10900] =	vst v16;
	v13 =	vld [tilespmem:s5+$0x19D0]  }
0x56: {  	s4 =	sshra.s32 s9, $0x2;
	s9 =	sadd.s32 $0x200, s9;
	[tilespmem:s5+$0x10910] =	vst v17;
	v14 =	vld [tilespmem:s5+$0x19E0]  }
.LBB2_7:
0x57: {  	v15 =	vld [tilespmem:s4+$0x19F0];
	[tilespmem:s5+$0x10920] =	vst @p0 v10  }
0x58: {  	v10 =	vld [tilespmem:s4+$0x1980];
	[tilespmem:s5+$0x10930] =	vst @p0 v11  }
0x59: {  	v11 =	vld [tilespmem:s4+$0x1990];
	[tilespmem:s5+$0x10940] =	vst @p0 v12  }
0x5a: {  	v12 =	vld [tilespmem:s4+$0x19A0];
	[tilespmem:s5+$0x10950] =	vst @p0 v13  }
0x5b: {  	v13 =	vld [tilespmem:s4+$0x19B0];
	[tilespmem:s5+$0x10960] =	vst @p0 v14  }
0x5c: {  	v14 =	vld [tilespmem:s4+$0x19C0];
	[tilespmem:s4+$0x10970] =	vst v15  }
0x5d: {  	[tilespmem:s4+$0x10900] =	vst v10;
	v10 =	vld [tilespmem:s4+$0x19D0]  }
0x5e: {  	p0 =	por $0x1, $0x1;
	[tilespmem:s4+$0x10910] =	vst v11;
	v11 =	vld [tilespmem:s4+$0x19E0]  }
.Ltmp4:
0x5f: {  	[tilespmem:s4+$0x10920] =	vst v12;
	(pc) =	sbr.rel @!p0 .LBB2_9-.Ltmp4, $4  }
0x60: {  	[tilespmem:s4+$0x10930] =	vst v13  }
0x61: {  	[tilespmem:s4+$0x10940] =	vst v14  }
0x62: {  	[tilespmem:s4+$0x10950] =	vst v10  }
0x63: {  	[tilespmem:s4+$0x10960] =	vst v11  }
.LBB2_8:
0x64: {  	p0 =	sne.s32 s26, $0x7E00;
	[tilespmem:s25+$0xE970] =	vst v0  }
0x65: {  	[tilespmem:s25+$0xE900] =	vst v0  }
0x66: {  	[tilespmem:s25+$0xE910] =	vst v0  }
.Ltmp5:
0x67: {  	[tilespmem:s25+$0xE920] =	vst v0;
	(pc) =	sbr.rel @p0 .LBB2_8-.Ltmp5, $4  }
0x68: {  	[tilespmem:s25+$0xE930] =	vst v0  }
0x69: {  	[tilespmem:s25+$0xE940] =	vst v0  }
0x6a: {  	[tilespmem:s25+$0xE950] =	vst v0  }
0x6b: {  	[tilespmem:s25+$0xE960] =	vst v0;
	s25 =	sshra.s32 s26, $0x2;
	s26 =	sadd.s32 $0x200, s26  }
.LBB2_9:
0x6c: {  	[tilespmem:s25+$0xE970] =	vst v0  }
0x6d: {  	[tilespmem:s25+$0xE900] =	vst v0  }
0x6e: {  	[tilespmem:s25+$0xE910] =	vst v0  }
0x6f: {  	[tilespmem:s25+$0xE920] =	vst v0  }
0x70: {  	[tilespmem:s25+$0xE930] =	vst v0  }
0x71: {  	[tilespmem:s25+$0xE940] =	vst v0  }
0x72: {  	[tilespmem:s25+$0xE950] =	vst v0  }
0x73: {  	[tilespmem:s25+$0xE960] =	vst v0  }
0x74: {  	v10 =	vld [tilespmem:$0x1900];
	_ =	sdelay $0x4  }
0x75: {  	v10 =	vtrunc.f32 v10  }
0x76: {  	v10 =	vcvt.f32.s32 v10;
	_ =	sdelay $0x1  }
0x77: {  	vm0 =	vlt.u32 v10, $0x40;
	v10 =	vshll.u32 v10, $0x7  }
0x78: {  	v10 =	vadd.s32 v1, v10;
	_ =	sdelay $0x4  }
0x79: {  	[tilespmem:v10+s30+$0x0] =	vst.idx.msk vm0, v9  }
0x7a: {  	v10 =	vld [tilespmem:$0x1910];
	_ =	sdelay $0x4  }
0x7b: {  	v10 =	vtrunc.f32 v10  }
0x7c: {  	v10 =	vcvt.f32.s32 v10;
	_ =	sdelay $0x1  }
0x7d: {  	vm9 =	vlt.u32 v10, $0x40;
	v10 =	vshll.u32 v10, $0x7  }
0x7e: {  	v10 =	vadd.s32 v2, v10;
	_ =	sdelay $0x4  }
0x7f: {  	[tilespmem:v10+s30+$0x0] =	vst.idx.msk vm9, v9  }
0x80: {  	v10 =	vld [tilespmem:$0x1920];
	_ =	sdelay $0x4  }
0x81: {  	v10 =	vtrunc.f32 v10  }
0x82: {  	v10 =	vcvt.f32.s32 v10;
	_ =	sdelay $0x1  }
0x83: {  	vm10 =	vlt.u32 v10, $0x40;
	v10 =	vshll.u32 v10, $0x7  }
0x84: {  	v10 =	vadd.s32 v3, v10;
	_ =	sdelay $0x4  }
0x85: {  	[tilespmem:v10+s30+$0x0] =	vst.idx.msk vm10, v9  }
0x86: {  	v10 =	vld [tilespmem:$0x1930];
	_ =	sdelay $0x4  }
0x87: {  	v10 =	vtrunc.f32 v10  }
0x88: {  	v10 =	vcvt.f32.s32 v10;
	_ =	sdelay $0x1  }
0x89: {  	vm11 =	vlt.u32 v10, $0x40;
	v10 =	vshll.u32 v10, $0x7  }
0x8a: {  	v10 =	vadd.s32 v4, v10;
	_ =	sdelay $0x4  }
0x8b: {  	[tilespmem:v10+s30+$0x0] =	vst.idx.msk vm11, v9  }
0x8c: {  	v10 =	vld [tilespmem:$0x1940];
	_ =	sdelay $0x4  }
0x8d: {  	v10 =	vtrunc.f32 v10  }
0x8e: {  	v10 =	vcvt.f32.s32 v10;
	_ =	sdelay $0x1  }
0x8f: {  	vm12 =	vlt.u32 v10, $0x40;
	v10 =	vshll.u32 v10, $0x7  }
0x90: {  	v10 =	vadd.s32 v5, v10;
	_ =	sdelay $0x4  }
0x91: {  	[tilespmem:v10+s30+$0x0] =	vst.idx.msk vm12, v9  }
0x92: {  	v10 =	vld [tilespmem:$0x1950];
	_ =	sdelay $0x4  }
0x93: {  	v10 =	vtrunc.f32 v10  }
0x94: {  	v10 =	vcvt.f32.s32 v10;
	_ =	sdelay $0x1  }
0x95: {  	vm13 =	vlt.u32 v10, $0x40;
	v10 =	vshll.u32 v10, $0x7  }
0x96: {  	v10 =	vadd.s32 v6, v10;
	_ =	sdelay $0x4  }
0x97: {  	[tilespmem:v10+s30+$0x0] =	vst.idx.msk vm13, v9  }
0x98: {  	v10 =	vld [tilespmem:$0x1960];
	_ =	sdelay $0x4  }
0x99: {  	v10 =	vtrunc.f32 v10  }
0x9a: {  	v10 =	vcvt.f32.s32 v10;
	_ =	sdelay $0x1  }
0x9b: {  	vm14 =	vlt.u32 v10, $0x40;
	v10 =	vshll.u32 v10, $0x7  }
0x9c: {  	v10 =	vadd.s32 v7, v10;
	_ =	sdelay $0x4  }
0x9d: {  	[tilespmem:v10+s30+$0x0] =	vst.idx.msk vm14, v9  }
0x9e: {  	v10 =	vld [tilespmem:$0x1970];
	_ =	sdelay $0x4  }
0x9f: {  	v10 =	vtrunc.f32 v10  }
0xa0: {  	v10 =	vcvt.f32.s32 v10;
	_ =	sdelay $0x1  }
0xa1: {  	vm15 =	vlt.u32 v10, $0x40;
	v10 =	vshll.u32 v10, $0x7  }
0xa2: {  	v10 =	vadd.s32 v8, v10;
	_ =	sdelay $0x4  }
0xa3: {  	[tilespmem:v10+s30+$0x0] =	vst.idx.msk vm15, v9  }
0xa4: {  	[hbm4b:s12+s17] =	stream.strided.scatter [tilespmem:s30], [sflag:$0x5], $0x5000, s18, s17, $0x38;
	[tilespmem:$0x17880] =	vst v63  }
0xa5: {  	s4 =	sadd.s32 $0x50000, s12;
	s5 =	simm.s32 $0x0  }
0xa6: {  	[hbm4b:s4+s5] =	stream.linear.scatter [tilespmem:s31], [sflag:$0x5], $0x180, $0x38;
	[tilespmem:$0x17880] =	vst v63  }
0xa7: {  	_ =	swait.ge [sflag:s0], $0x3200  }
0xa8: {  	[sflag:s0] =	ssyncset.done $0x0  }
0xa9: {  	s25 =	simm.s32 $0x0;
	[sflag:s0] =	ssyncadd.s32 $0xFFFFCE00  }
0xaa: {  	v13 =	vld [tilespmem:s25+$0x3470]  }
0xab: {  	v14 =	vld [tilespmem:s25+$0x3400]  }
0xac: {  	v15 =	vld [tilespmem:s25+$0x3410]  }
0xad: {  	v12 =	vld [tilespmem:s25+$0x3420]  }
0xae: {  	v10 =	vld [tilespmem:s25+$0x3430]  }
0xaf: {  	v11 =	vld [tilespmem:s25+$0x3440];
	[tilespmem:s25+$0x12470] =	vst v13  }
0xb0: {  	[tilespmem:s25+$0x12400] =	vst v14;
	v13 =	vld [tilespmem:s25+$0x3450]  }
0xb1: {  	s9 =	simm.s32 $0x400;
	s4 =	simm.s32 $0x80;
	s5 =	simm.s32 $0x0;
	[tilespmem:s25+$0x12410] =	vst v15;
	v14 =	vld [tilespmem:s25+$0x3460]  }
.LBB2_10:
0xb2: {  	p0 =	sne.s32 s9, $0x6200;
	v15 =	vld [tilespmem:s4+$0x3470];
	[tilespmem:s5+$0x12420] =	vst v12  }
0xb3: {  	v16 =	vld [tilespmem:s4+$0x3400];
	[tilespmem:s5+$0x12430] =	vst v10  }
0xb4: {  	v17 =	vld [tilespmem:s4+$0x3410];
	[tilespmem:s5+$0x12440] =	vst v11  }
.Ltmp6:
0xb5: {  	v12 =	vld [tilespmem:s4+$0x3420];
	[tilespmem:s5+$0x12450] =	vst v13;
	(pc) =	sbr.rel @p0 .LBB2_10-.Ltmp6, $4  }
0xb6: {  	v10 =	vld [tilespmem:s4+$0x3430];
	[tilespmem:s5+$0x12460] =	vst v14;
	s5 =	smov.u32 s4  }
0xb7: {  	v11 =	vld [tilespmem:s5+$0x3440];
	[tilespmem:s5+$0x12470] =	vst v15  }
0xb8: {  	[tilespmem:s5+$0x12400] =	vst v16;
	v13 =	vld [tilespmem:s5+$0x3450]  }
0xb9: {  	s4 =	sshra.s32 s9, $0x2;
	s9 =	sadd.s32 $0x200, s9;
	[tilespmem:s5+$0x12410] =	vst v17;
	v14 =	vld [tilespmem:s5+$0x3460]  }
0xba: {  	v15 =	vld [tilespmem:s4+$0x3470];
	[tilespmem:s5+$0x12420] =	vst v12  }
0xbb: {  	v12 =	vld [tilespmem:s4+$0x3400];
	[tilespmem:s5+$0x12430] =	vst v10  }
0xbc: {  	v10 =	vld [tilespmem:s4+$0x3410];
	[tilespmem:s5+$0x12440] =	vst v11  }
0xbd: {  	v11 =	vld [tilespmem:s4+$0x3420];
	[tilespmem:s5+$0x12450] =	vst v13  }
0xbe: {  	v13 =	vld [tilespmem:s4+$0x3430];
	[tilespmem:s5+$0x12460] =	vst v14  }
0xbf: {  	v14 =	vld [tilespmem:s4+$0x3440];
	[tilespmem:s4+$0x12470] =	vst v15  }
0xc0: {  	[tilespmem:s4+$0x12400] =	vst v12;
	v12 =	vld [tilespmem:s4+$0x3450]  }
0xc1: {  	[tilespmem:s4+$0x12410] =	vst v10;
	v10 =	vld [tilespmem:s4+$0x3460]  }
0xc2: {  	[tilespmem:s4+$0x12420] =	vst v11  }
0xc3: {  	[tilespmem:s4+$0x12430] =	vst v13  }
0xc4: {  	[tilespmem:s4+$0x12440] =	vst v14  }
0xc5: {  	[tilespmem:s4+$0x12450] =	vst v12  }
0xc6: {  	[tilespmem:s4+$0x12460] =	vst v10  }
0xc7: {  	v13 =	vld [tilespmem:s25+$0x4DF0]  }
0xc8: {  	v14 =	vld [tilespmem:s25+$0x4D80]  }
0xc9: {  	v15 =	vld [tilespmem:s25+$0x4D90]  }
0xca: {  	v12 =	vld [tilespmem:s25+$0x4DA0]  }
0xcb: {  	v10 =	vld [tilespmem:s25+$0x4DB0]  }
0xcc: {  	v11 =	vld [tilespmem:s25+$0x4DC0];
	[tilespmem:s25+$0x15D70] =	vst v13  }
0xcd: {  	[tilespmem:s25+$0x15D00] =	vst v14;
	v13 =	vld [tilespmem:s25+$0x4DD0]  }
0xce: {  	s5 =	simm.s32 $0x400;
	s4 =	simm.s32 $0x80;
	[tilespmem:s25+$0x15D10] =	vst v15;
	v14 =	vld [tilespmem:s25+$0x4DE0]  }
.LBB2_12:
0xcf: {  	p0 =	sne.s32 s5, $0x6000;
	v15 =	vld [tilespmem:s4+$0x4DF0];
	[tilespmem:s25+$0x15D20] =	vst v12  }
0xd0: {  	v16 =	vld [tilespmem:s4+$0x4D80];
	[tilespmem:s25+$0x15D30] =	vst v10  }
0xd1: {  	v17 =	vld [tilespmem:s4+$0x4D90];
	[tilespmem:s25+$0x15D40] =	vst v11  }
.Ltmp7:
0xd2: {  	v12 =	vld [tilespmem:s4+$0x4DA0];
	[tilespmem:s25+$0x15D50] =	vst v13;
	(pc) =	sbr.rel @p0 .LBB2_12-.Ltmp7, $4  }
0xd3: {  	v10 =	vld [tilespmem:s4+$0x4DB0];
	[tilespmem:s25+$0x15D60] =	vst v14;
	s25 =	smov.u32 s4  }
0xd4: {  	v11 =	vld [tilespmem:s25+$0x4DC0];
	[tilespmem:s25+$0x15D70] =	vst v15  }
0xd5: {  	[tilespmem:s25+$0x15D00] =	vst v16;
	v13 =	vld [tilespmem:s25+$0x4DD0]  }
0xd6: {  	s4 =	sshra.s32 s5, $0x2;
	s5 =	sadd.s32 $0x200, s5;
	[tilespmem:s25+$0x15D10] =	vst v17;
	v14 =	vld [tilespmem:s25+$0x4DE0]  }
0xd7: {  	v15 =	vld [tilespmem:s4+$0x4DF0];
	[tilespmem:s25+$0x15D20] =	vst v12  }
0xd8: {  	v12 =	vld [tilespmem:s4+$0x4D80];
	[tilespmem:s25+$0x15D30] =	vst v10  }
0xd9: {  	v10 =	vld [tilespmem:s4+$0x4D90];
	[tilespmem:s25+$0x15D40] =	vst v11  }
0xda: {  	v11 =	vld [tilespmem:s4+$0x4DA0];
	[tilespmem:s25+$0x15D50] =	vst v13  }
0xdb: {  	v13 =	vld [tilespmem:s4+$0x4DB0];
	[tilespmem:s25+$0x15D60] =	vst v14  }
0xdc: {  	v14 =	vld [tilespmem:s4+$0x4DC0];
	[tilespmem:s4+$0x15D70] =	vst v15  }
0xdd: {  	v63 =	vld [tilespmem:s4+$0x4DD0];
	[tilespmem:s4+$0x15D00] =	vst v12  }
0xde: {  	[tilespmem:s4+$0x15D10] =	vst v10;
	v10 =	vld [tilespmem:s4+$0x4DE0]  }
0xdf: {  	[tilespmem:s4+$0x15D20] =	vst v11  }
0xe0: {  	[tilespmem:s4+$0x15D30] =	vst v13  }
0xe1: {  	[tilespmem:s4+$0x15D40] =	vst v14  }
0xe2: {  	[tilespmem:s4+$0x15D50] =	vst v63  }
0xe3: {  	s5 =	simm.s32 $0x200;
	[tilespmem:s4+$0x15D60] =	vst v10;
	s4 =	simm.s32 $0x0  }
.LBB2_14:
0xe4: {  	p0 =	sne.s32 s5, $0x7E00;
	[tilespmem:s4+$0x13D70] =	vst v0  }
0xe5: {  	[tilespmem:s4+$0x13D00] =	vst v0  }
0xe6: {  	[tilespmem:s4+$0x13D10] =	vst v0  }
.Ltmp8:
0xe7: {  	[tilespmem:s4+$0x13D20] =	vst v0;
	(pc) =	sbr.rel @p0 .LBB2_14-.Ltmp8, $4  }
0xe8: {  	[tilespmem:s4+$0x13D30] =	vst v0  }
0xe9: {  	[tilespmem:s4+$0x13D40] =	vst v0  }
0xea: {  	[tilespmem:s4+$0x13D50] =	vst v0  }
0xeb: {  	[tilespmem:s4+$0x13D60] =	vst v0;
	s4 =	sshra.s32 s5, $0x2;
	s5 =	sadd.s32 $0x200, s5  }
0xec: {  	[tilespmem:s4+$0x13D70] =	vst v0  }
0xed: {  	[tilespmem:s4+$0x13D00] =	vst v0  }
0xee: {  	[tilespmem:s4+$0x13D10] =	vst v0  }
0xef: {  	[tilespmem:s4+$0x13D20] =	vst v0  }
0xf0: {  	[tilespmem:s4+$0x13D30] =	vst v0  }
0xf1: {  	[tilespmem:s4+$0x13D40] =	vst v0  }
0xf2: {  	[tilespmem:s4+$0x13D50] =	vst v0  }
0xf3: {  	[tilespmem:s4+$0x13D60] =	vst v0  }
0xf4: {  	v10 =	vld [tilespmem:$0x4D00];
	_ =	sdelay $0x4  }
0xf5: {  	v10 =	vtrunc.f32 v10  }
0xf6: {  	v10 =	vcvt.f32.s32 v10;
	_ =	sdelay $0x1  }
0xf7: {  	vm0 =	vlt.u32 v10, $0x40;
	v10 =	vshll.u32 v10, $0x7  }
0xf8: {  	v10 =	vadd.s32 v1, v10;
	_ =	sdelay $0x4  }
0xf9: {  	[tilespmem:v10+s1+$0x0] =	vst.idx.msk vm0, v9  }
0xfa: {  	v10 =	vld [tilespmem:$0x4D10];
	_ =	sdelay $0x4  }
0xfb: {  	v10 =	vtrunc.f32 v10  }
0xfc: {  	v10 =	vcvt.f32.s32 v10;
	_ =	sdelay $0x1  }
0xfd: {  	vm9 =	vlt.u32 v10, $0x40;
	v10 =	vshll.u32 v10, $0x7  }
0xfe: {  	v10 =	vadd.s32 v2, v10;
	_ =	sdelay $0x4  }
0xff: {  	[tilespmem:v10+s1+$0x0] =	vst.idx.msk vm9, v9  }
0x100: {  	v10 =	vld [tilespmem:$0x4D20];
	_ =	sdelay $0x4  }
0x101: {  	v10 =	vtrunc.f32 v10  }
0x102: {  	v10 =	vcvt.f32.s32 v10;
	_ =	sdelay $0x1  }
0x103: {  	vm10 =	vlt.u32 v10, $0x40;
	v10 =	vshll.u32 v10, $0x7  }
0x104: {  	v10 =	vadd.s32 v3, v10;
	_ =	sdelay $0x4  }
0x105: {  	[tilespmem:v10+s1+$0x0] =	vst.idx.msk vm10, v9  }
0x106: {  	v10 =	vld [tilespmem:$0x4D30];
	_ =	sdelay $0x4  }
0x107: {  	v10 =	vtrunc.f32 v10  }
0x108: {  	v10 =	vcvt.f32.s32 v10;
	_ =	sdelay $0x1  }
0x109: {  	vm11 =	vlt.u32 v10, $0x40;
	v10 =	vshll.u32 v10, $0x7  }
0x10a: {  	v10 =	vadd.s32 v4, v10;
	_ =	sdelay $0x4  }
0x10b: {  	[tilespmem:v10+s1+$0x0] =	vst.idx.msk vm11, v9  }
0x10c: {  	v10 =	vld [tilespmem:$0x4D40];
	_ =	sdelay $0x4  }
0x10d: {  	v10 =	vtrunc.f32 v10  }
0x10e: {  	v10 =	vcvt.f32.s32 v10;
	_ =	sdelay $0x1  }
0x10f: {  	vm12 =	vlt.u32 v10, $0x40;
	v10 =	vshll.u32 v10, $0x7  }
0x110: {  	v10 =	vadd.s32 v5, v10;
	_ =	sdelay $0x4  }
0x111: {  	[tilespmem:v10+s1+$0x0] =	vst.idx.msk vm12, v9  }
0x112: {  	v10 =	vld [tilespmem:$0x4D50];
	_ =	sdelay $0x4  }
0x113: {  	v10 =	vtrunc.f32 v10  }
0x114: {  	v10 =	vcvt.f32.s32 v10;
	_ =	sdelay $0x1  }
0x115: {  	vm13 =	vlt.u32 v10, $0x40;
	v10 =	vshll.u32 v10, $0x7  }
0x116: {  	v10 =	vadd.s32 v6, v10;
	_ =	sdelay $0x4  }
0x117: {  	[tilespmem:v10+s1+$0x0] =	vst.idx.msk vm13, v9  }
0x118: {  	v10 =	vld [tilespmem:$0x4D60];
	_ =	sdelay $0x4  }
0x119: {  	v10 =	vtrunc.f32 v10  }
0x11a: {  	v10 =	vcvt.f32.s32 v10;
	_ =	sdelay $0x1  }
0x11b: {  	vm14 =	vlt.u32 v10, $0x40;
	v10 =	vshll.u32 v10, $0x7  }
0x11c: {  	v10 =	vadd.s32 v7, v10;
	_ =	sdelay $0x4  }
0x11d: {  	[tilespmem:v10+s1+$0x0] =	vst.idx.msk vm14, v9  }
0x11e: {  	v10 =	vld [tilespmem:$0x4D70];
	_ =	sdelay $0x4  }
0x11f: {  	v10 =	vtrunc.f32 v10  }
0x120: {  	v10 =	vcvt.f32.s32 v10;
	_ =	sdelay $0x1  }
0x121: {  	vm15 =	vlt.u32 v10, $0x40;
	v10 =	vshll.u32 v10, $0x7  }
0x122: {  	v10 =	vadd.s32 v8, v10;
	_ =	sdelay $0x4  }
0x123: {  	[tilespmem:v10+s1+$0x0] =	vst.idx.msk vm15, v9  }
0x124: {  	[hbm4b:s13+s17] =	stream.strided.scatter [tilespmem:s1], [sflag:$0x6], $0x5000, s18, s17, $0x38;
	[tilespmem:$0x17880] =	vst v63  }
0x125: {  	s26 =	sadd.s32 $0x50000, s13;
	s5 =	simm.s32 $0x0  }
0x126: {  	[hbm4b:s26+s5] =	stream.linear.scatter [tilespmem:s19], [sflag:$0x6], $0x180, $0x38;
	[tilespmem:$0x17880] =	vst v63  }
0x127: {  	_ =	swait.ge [sflag:s20], $0x3200  }
0x128: {  	[sflag:s20] =	ssyncset.done $0x0  }
0x129: {  	[sflag:s20] =	ssyncadd.s32 $0xFFFFCE00  }
0x12a: {  	_ =	swait.ge [sflag:s21], $0x5180  }
0x12b: {  	[sflag:s21] =	ssyncset.done $0x0  }
0x12c: {  	s25 =	simm.s32 $0x0;
	[sflag:s21] =	ssyncadd.s32 $0xFFFFAE80  }
0x12d: {  	v13 =	vld [tilespmem:s25+$0x6870]  }
0x12e: {  	v14 =	vld [tilespmem:s25+$0x6800]  }
0x12f: {  	v15 =	vld [tilespmem:s25+$0x6810]  }
0x130: {  	v12 =	vld [tilespmem:s25+$0x6820]  }
0x131: {  	v10 =	vld [tilespmem:s25+$0x6830]  }
0x132: {  	v11 =	vld [tilespmem:s25+$0x6840];
	[tilespmem:s25+$0xD070] =	vst v13  }
0x133: {  	[tilespmem:s25+$0xD000] =	vst v14;
	v13 =	vld [tilespmem:s25+$0x6850]  }
0x134: {  	s4 =	simm.s32 $0x80;
	s9 =	simm.s32 $0x400;
	s5 =	simm.s32 $0x0;
	[tilespmem:s25+$0xD010] =	vst v15;
	v14 =	vld [tilespmem:s25+$0x6860]  }
.LBB2_16:
0x135: {  	p0 =	sne.s32 s9, $0x6200;
	v15 =	vld [tilespmem:s4+$0x6870];
	[tilespmem:s5+$0xD020] =	vst v12  }
0x136: {  	v16 =	vld [tilespmem:s4+$0x6800];
	[tilespmem:s5+$0xD030] =	vst v10  }
0x137: {  	v17 =	vld [tilespmem:s4+$0x6810];
	[tilespmem:s5+$0xD040] =	vst v11  }
.Ltmp9:
0x138: {  	v12 =	vld [tilespmem:s4+$0x6820];
	[tilespmem:s5+$0xD050] =	vst v13;
	(pc) =	sbr.rel @p0 .LBB2_16-.Ltmp9, $4  }
0x139: {  	v10 =	vld [tilespmem:s4+$0x6830];
	[tilespmem:s5+$0xD060] =	vst v14;
	s5 =	smov.u32 s4  }
0x13a: {  	v11 =	vld [tilespmem:s5+$0x6840];
	[tilespmem:s5+$0xD070] =	vst v15  }
0x13b: {  	[tilespmem:s5+$0xD000] =	vst v16;
	v13 =	vld [tilespmem:s5+$0x6850]  }
0x13c: {  	s4 =	sshra.s32 s9, $0x2;
	s9 =	sadd.s32 $0x200, s9;
	[tilespmem:s5+$0xD010] =	vst v17;
	v14 =	vld [tilespmem:s5+$0x6860]  }
0x13d: {  	v15 =	vld [tilespmem:s4+$0x6870];
	[tilespmem:s5+$0xD020] =	vst v12  }
0x13e: {  	v12 =	vld [tilespmem:s4+$0x6800];
	[tilespmem:s5+$0xD030] =	vst v10  }
0x13f: {  	v10 =	vld [tilespmem:s4+$0x6810];
	[tilespmem:s5+$0xD040] =	vst v11  }
0x140: {  	v11 =	vld [tilespmem:s4+$0x6820];
	[tilespmem:s5+$0xD050] =	vst v13  }
0x141: {  	v13 =	vld [tilespmem:s4+$0x6830];
	[tilespmem:s5+$0xD060] =	vst v14  }
0x142: {  	v14 =	vld [tilespmem:s4+$0x6840];
	[tilespmem:s4+$0xD070] =	vst v15  }
0x143: {  	[tilespmem:s4+$0xD000] =	vst v12;
	v12 =	vld [tilespmem:s4+$0x6850]  }
0x144: {  	[tilespmem:s4+$0xD010] =	vst v10;
	v10 =	vld [tilespmem:s4+$0x6860]  }
0x145: {  	[tilespmem:s4+$0xD020] =	vst v11  }
0x146: {  	[tilespmem:s4+$0xD030] =	vst v13  }
0x147: {  	[tilespmem:s4+$0xD040] =	vst v14  }
0x148: {  	[tilespmem:s4+$0xD050] =	vst v12  }
0x149: {  	[tilespmem:s4+$0xD060] =	vst v10  }
0x14a: {  	v13 =	vld [tilespmem:s25+$0x81F0]  }
0x14b: {  	v14 =	vld [tilespmem:s25+$0x8180]  }
0x14c: {  	v15 =	vld [tilespmem:s25+$0x8190]  }
0x14d: {  	v12 =	vld [tilespmem:s25+$0x81A0]  }
0x14e: {  	v10 =	vld [tilespmem:s25+$0x81B0]  }
0x14f: {  	v11 =	vld [tilespmem:s25+$0x81C0];
	[tilespmem:s25+$0x10970] =	vst v13  }
0x150: {  	[tilespmem:s25+$0x10900] =	vst v14;
	v13 =	vld [tilespmem:s25+$0x81D0]  }
0x151: {  	s5 =	simm.s32 $0x400;
	s4 =	simm.s32 $0x80;
	[tilespmem:s25+$0x10910] =	vst v15;
	v14 =	vld [tilespmem:s25+$0x81E0]  }
.LBB2_18:
0x152: {  	p0 =	sne.s32 s5, $0x6000;
	v15 =	vld [tilespmem:s4+$0x81F0];
	[tilespmem:s25+$0x10920] =	vst v12  }
0x153: {  	v16 =	vld [tilespmem:s4+$0x8180];
	[tilespmem:s25+$0x10930] =	vst v10  }
0x154: {  	v17 =	vld [tilespmem:s4+$0x8190];
	[tilespmem:s25+$0x10940] =	vst v11  }
.Ltmp10:
0x155: {  	v12 =	vld [tilespmem:s4+$0x81A0];
	[tilespmem:s25+$0x10950] =	vst v13;
	(pc) =	sbr.rel @p0 .LBB2_18-.Ltmp10, $4  }
0x156: {  	v10 =	vld [tilespmem:s4+$0x81B0];
	[tilespmem:s25+$0x10960] =	vst v14;
	s25 =	smov.u32 s4  }
0x157: {  	v11 =	vld [tilespmem:s25+$0x81C0];
	[tilespmem:s25+$0x10970] =	vst v15  }
0x158: {  	[tilespmem:s25+$0x10900] =	vst v16;
	v13 =	vld [tilespmem:s25+$0x81D0]  }
0x159: {  	s4 =	sshra.s32 s5, $0x2;
	s5 =	sadd.s32 $0x200, s5;
	[tilespmem:s25+$0x10910] =	vst v17;
	v14 =	vld [tilespmem:s25+$0x81E0]  }
0x15a: {  	v15 =	vld [tilespmem:s4+$0x81F0];
	[tilespmem:s25+$0x10920] =	vst v12  }
0x15b: {  	v12 =	vld [tilespmem:s4+$0x8180];
	[tilespmem:s25+$0x10930] =	vst v10  }
0x15c: {  	v10 =	vld [tilespmem:s4+$0x8190];
	[tilespmem:s25+$0x10940] =	vst v11  }
0x15d: {  	v11 =	vld [tilespmem:s4+$0x81A0];
	[tilespmem:s25+$0x10950] =	vst v13  }
0x15e: {  	v13 =	vld [tilespmem:s4+$0x81B0];
	[tilespmem:s25+$0x10960] =	vst v14  }
0x15f: {  	v14 =	vld [tilespmem:s4+$0x81C0];
	[tilespmem:s4+$0x10970] =	vst v15  }
0x160: {  	v63 =	vld [tilespmem:s4+$0x81D0];
	[tilespmem:s4+$0x10900] =	vst v12  }
0x161: {  	[tilespmem:s4+$0x10910] =	vst v10;
	v10 =	vld [tilespmem:s4+$0x81E0]  }
0x162: {  	[tilespmem:s4+$0x10920] =	vst v11  }
0x163: {  	[tilespmem:s4+$0x10930] =	vst v13  }
0x164: {  	[tilespmem:s4+$0x10940] =	vst v14  }
0x165: {  	[tilespmem:s4+$0x10950] =	vst v63  }
0x166: {  	s5 =	simm.s32 $0x200;
	[tilespmem:s4+$0x10960] =	vst v10;
	s4 =	simm.s32 $0x0  }
.LBB2_20:
0x167: {  	p0 =	sne.s32 s5, $0x7E00;
	[tilespmem:s4+$0xE970] =	vst v0  }
0x168: {  	[tilespmem:s4+$0xE900] =	vst v0  }
0x169: {  	[tilespmem:s4+$0xE910] =	vst v0  }
.Ltmp11:
0x16a: {  	[tilespmem:s4+$0xE920] =	vst v0;
	(pc) =	sbr.rel @p0 .LBB2_20-.Ltmp11, $4  }
0x16b: {  	[tilespmem:s4+$0xE930] =	vst v0  }
0x16c: {  	[tilespmem:s4+$0xE940] =	vst v0  }
0x16d: {  	[tilespmem:s4+$0xE950] =	vst v0  }
0x16e: {  	[tilespmem:s4+$0xE960] =	vst v0;
	s4 =	sshra.s32 s5, $0x2;
	s5 =	sadd.s32 $0x200, s5  }
0x16f: {  	[tilespmem:s4+$0xE970] =	vst v0  }
0x170: {  	[tilespmem:s4+$0xE900] =	vst v0  }
0x171: {  	[tilespmem:s4+$0xE910] =	vst v0  }
0x172: {  	[tilespmem:s4+$0xE920] =	vst v0  }
0x173: {  	[tilespmem:s4+$0xE930] =	vst v0  }
0x174: {  	[tilespmem:s4+$0xE940] =	vst v0  }
0x175: {  	[tilespmem:s4+$0xE950] =	vst v0  }
0x176: {  	[tilespmem:s4+$0xE960] =	vst v0  }
0x177: {  	v10 =	vld [tilespmem:$0x8100];
	_ =	sdelay $0x4  }
0x178: {  	v10 =	vtrunc.f32 v10  }
0x179: {  	v10 =	vcvt.f32.s32 v10;
	_ =	sdelay $0x1  }
0x17a: {  	vm0 =	vlt.u32 v10, $0x40;
	v10 =	vshll.u32 v10, $0x7  }
0x17b: {  	v10 =	vadd.s32 v1, v10;
	_ =	sdelay $0x4  }
0x17c: {  	[tilespmem:v10+s30+$0x0] =	vst.idx.msk vm0, v9  }
0x17d: {  	v10 =	vld [tilespmem:$0x8110];
	_ =	sdelay $0x4  }
0x17e: {  	v10 =	vtrunc.f32 v10  }
0x17f: {  	v10 =	vcvt.f32.s32 v10;
	_ =	sdelay $0x1  }
0x180: {  	vm9 =	vlt.u32 v10, $0x40;
	v10 =	vshll.u32 v10, $0x7  }
0x181: {  	v10 =	vadd.s32 v2, v10;
	_ =	sdelay $0x4  }
0x182: {  	[tilespmem:v10+s30+$0x0] =	vst.idx.msk vm9, v9  }
0x183: {  	v10 =	vld [tilespmem:$0x8120];
	_ =	sdelay $0x4  }
0x184: {  	v10 =	vtrunc.f32 v10  }
0x185: {  	v10 =	vcvt.f32.s32 v10;
	_ =	sdelay $0x1  }
0x186: {  	vm10 =	vlt.u32 v10, $0x40;
	v10 =	vshll.u32 v10, $0x7  }
0x187: {  	v10 =	vadd.s32 v3, v10;
	_ =	sdelay $0x4  }
0x188: {  	[tilespmem:v10+s30+$0x0] =	vst.idx.msk vm10, v9  }
0x189: {  	v10 =	vld [tilespmem:$0x8130];
	_ =	sdelay $0x4  }
0x18a: {  	v10 =	vtrunc.f32 v10  }
0x18b: {  	v10 =	vcvt.f32.s32 v10;
	_ =	sdelay $0x1  }
0x18c: {  	vm11 =	vlt.u32 v10, $0x40;
	v10 =	vshll.u32 v10, $0x7  }
0x18d: {  	v10 =	vadd.s32 v4, v10;
	_ =	sdelay $0x4  }
0x18e: {  	[tilespmem:v10+s30+$0x0] =	vst.idx.msk vm11, v9  }
0x18f: {  	v10 =	vld [tilespmem:$0x8140];
	_ =	sdelay $0x4  }
0x190: {  	v10 =	vtrunc.f32 v10  }
0x191: {  	v10 =	vcvt.f32.s32 v10;
	_ =	sdelay $0x1  }
0x192: {  	vm12 =	vlt.u32 v10, $0x40;
	v10 =	vshll.u32 v10, $0x7  }
0x193: {  	v10 =	vadd.s32 v5, v10;
	_ =	sdelay $0x4  }
0x194: {  	[tilespmem:v10+s30+$0x0] =	vst.idx.msk vm12, v9  }
0x195: {  	v10 =	vld [tilespmem:$0x8150];
	_ =	sdelay $0x4  }
0x196: {  	v10 =	vtrunc.f32 v10  }
0x197: {  	v10 =	vcvt.f32.s32 v10;
	_ =	sdelay $0x1  }
0x198: {  	vm13 =	vlt.u32 v10, $0x40;
	v10 =	vshll.u32 v10, $0x7  }
0x199: {  	v10 =	vadd.s32 v6, v10;
	_ =	sdelay $0x4  }
0x19a: {  	[tilespmem:v10+s30+$0x0] =	vst.idx.msk vm13, v9  }
0x19b: {  	v10 =	vld [tilespmem:$0x8160];
	_ =	sdelay $0x4  }
0x19c: {  	v10 =	vtrunc.f32 v10  }
0x19d: {  	v10 =	vcvt.f32.s32 v10;
	_ =	sdelay $0x1  }
0x19e: {  	vm14 =	vlt.u32 v10, $0x40;
	v10 =	vshll.u32 v10, $0x7  }
0x19f: {  	v10 =	vadd.s32 v7, v10;
	_ =	sdelay $0x4  }
0x1a0: {  	[tilespmem:v10+s30+$0x0] =	vst.idx.msk vm14, v9  }
0x1a1: {  	v10 =	vld [tilespmem:$0x8170];
	_ =	sdelay $0x4  }
0x1a2: {  	v10 =	vtrunc.f32 v10  }
0x1a3: {  	v10 =	vcvt.f32.s32 v10;
	_ =	sdelay $0x1  }
0x1a4: {  	vm15 =	vlt.u32 v10, $0x40;
	v10 =	vshll.u32 v10, $0x7  }
0x1a5: {  	v10 =	vadd.s32 v8, v10;
	_ =	sdelay $0x4  }
0x1a6: {  	[tilespmem:v10+s30+$0x0] =	vst.idx.msk vm15, v9  }
0x1a7: {  	[hbm4b:s14+s17] =	stream.strided.scatter [tilespmem:s30], [sflag:$0x5], $0x5000, s18, s17, $0x38;
	[tilespmem:$0x17880] =	vst v63  }
0x1a8: {  	s26 =	sadd.s32 $0x50000, s14;
	s5 =	simm.s32 $0x0  }
0x1a9: {  	[hbm4b:s26+s5] =	stream.linear.scatter [tilespmem:s31], [sflag:$0x5], $0x180, $0x38;
	[tilespmem:$0x17880] =	vst v63  }
0x1aa: {  	_ =	swait.ge [sflag:s22], $0x3200  }
0x1ab: {  	[sflag:s22] =	ssyncset.done $0x0  }
0x1ac: {  	[sflag:s22] =	ssyncadd.s32 $0xFFFFCE00  }
0x1ad: {  	_ =	swait.ge [sflag:s23], $0x5180  }
0x1ae: {  	[sflag:s23] =	ssyncset.done $0x0  }
0x1af: {  	s25 =	simm.s32 $0x0;
	[sflag:s23] =	ssyncadd.s32 $0xFFFFAE80  }
0x1b0: {  	v13 =	vld [tilespmem:s25+$0x9C70]  }
0x1b1: {  	v14 =	vld [tilespmem:s25+$0x9C00]  }
0x1b2: {  	v15 =	vld [tilespmem:s25+$0x9C10]  }
0x1b3: {  	v12 =	vld [tilespmem:s25+$0x9C20]  }
0x1b4: {  	v10 =	vld [tilespmem:s25+$0x9C30]  }
0x1b5: {  	v11 =	vld [tilespmem:s25+$0x9C40];
	[tilespmem:s25+$0x12470] =	vst v13  }
0x1b6: {  	[tilespmem:s25+$0x12400] =	vst v14;
	v13 =	vld [tilespmem:s25+$0x9C50]  }
0x1b7: {  	s4 =	simm.s32 $0x80;
	s9 =	simm.s32 $0x400;
	s5 =	simm.s32 $0x0;
	[tilespmem:s25+$0x12410] =	vst v15;
	v14 =	vld [tilespmem:s25+$0x9C60]  }
.LBB2_22:
0x1b8: {  	p0 =	sne.s32 s9, $0x6200;
	v15 =	vld [tilespmem:s4+$0x9C70];
	[tilespmem:s5+$0x12420] =	vst v12  }
0x1b9: {  	v16 =	vld [tilespmem:s4+$0x9C00];
	[tilespmem:s5+$0x12430] =	vst v10  }
0x1ba: {  	v17 =	vld [tilespmem:s4+$0x9C10];
	[tilespmem:s5+$0x12440] =	vst v11  }
.Ltmp12:
0x1bb: {  	v12 =	vld [tilespmem:s4+$0x9C20];
	[tilespmem:s5+$0x12450] =	vst v13;
	(pc) =	sbr.rel @p0 .LBB2_22-.Ltmp12, $4  }
0x1bc: {  	v10 =	vld [tilespmem:s4+$0x9C30];
	[tilespmem:s5+$0x12460] =	vst v14;
	s5 =	smov.u32 s4  }
0x1bd: {  	v11 =	vld [tilespmem:s5+$0x9C40];
	[tilespmem:s5+$0x12470] =	vst v15  }
0x1be: {  	[tilespmem:s5+$0x12400] =	vst v16;
	v13 =	vld [tilespmem:s5+$0x9C50]  }
0x1bf: {  	s4 =	sshra.s32 s9, $0x2;
	s9 =	sadd.s32 $0x200, s9;
	[tilespmem:s5+$0x12410] =	vst v17;
	v14 =	vld [tilespmem:s5+$0x9C60]  }
0x1c0: {  	v15 =	vld [tilespmem:s4+$0x9C70];
	[tilespmem:s5+$0x12420] =	vst v12  }
0x1c1: {  	v12 =	vld [tilespmem:s4+$0x9C00];
	[tilespmem:s5+$0x12430] =	vst v10  }
0x1c2: {  	v10 =	vld [tilespmem:s4+$0x9C10];
	[tilespmem:s5+$0x12440] =	vst v11  }
0x1c3: {  	v11 =	vld [tilespmem:s4+$0x9C20];
	[tilespmem:s5+$0x12450] =	vst v13  }
0x1c4: {  	v13 =	vld [tilespmem:s4+$0x9C30];
	[tilespmem:s5+$0x12460] =	vst v14  }
0x1c5: {  	v14 =	vld [tilespmem:s4+$0x9C40];
	[tilespmem:s4+$0x12470] =	vst v15  }
0x1c6: {  	[tilespmem:s4+$0x12400] =	vst v12;
	v12 =	vld [tilespmem:s4+$0x9C50]  }
0x1c7: {  	[tilespmem:s4+$0x12410] =	vst v10;
	v10 =	vld [tilespmem:s4+$0x9C60]  }
0x1c8: {  	[tilespmem:s4+$0x12420] =	vst v11  }
0x1c9: {  	[tilespmem:s4+$0x12430] =	vst v13  }
0x1ca: {  	[tilespmem:s4+$0x12440] =	vst v14  }
0x1cb: {  	[tilespmem:s4+$0x12450] =	vst v12  }
0x1cc: {  	[tilespmem:s4+$0x12460] =	vst v10  }
0x1cd: {  	v13 =	vld [tilespmem:s25+$0xB5F0]  }
0x1ce: {  	v14 =	vld [tilespmem:s25+$0xB580]  }
0x1cf: {  	v15 =	vld [tilespmem:s25+$0xB590]  }
0x1d0: {  	v12 =	vld [tilespmem:s25+$0xB5A0]  }
0x1d1: {  	v10 =	vld [tilespmem:s25+$0xB5B0]  }
0x1d2: {  	v11 =	vld [tilespmem:s25+$0xB5C0];
	[tilespmem:s25+$0x15D70] =	vst v13  }
0x1d3: {  	[tilespmem:s25+$0x15D00] =	vst v14;
	v13 =	vld [tilespmem:s25+$0xB5D0]  }
0x1d4: {  	s5 =	simm.s32 $0x400;
	s4 =	simm.s32 $0x80;
	[tilespmem:s25+$0x15D10] =	vst v15;
	v14 =	vld [tilespmem:s25+$0xB5E0]  }
.LBB2_24:
0x1d5: {  	p0 =	sne.s32 s5, $0x6000;
	v15 =	vld [tilespmem:s4+$0xB5F0];
	[tilespmem:s25+$0x15D20] =	vst v12  }
0x1d6: {  	v16 =	vld [tilespmem:s4+$0xB580];
	[tilespmem:s25+$0x15D30] =	vst v10  }
0x1d7: {  	v17 =	vld [tilespmem:s4+$0xB590];
	[tilespmem:s25+$0x15D40] =	vst v11  }
.Ltmp13:
0x1d8: {  	v12 =	vld [tilespmem:s4+$0xB5A0];
	[tilespmem:s25+$0x15D50] =	vst v13;
	(pc) =	sbr.rel @p0 .LBB2_24-.Ltmp13, $4  }
0x1d9: {  	v10 =	vld [tilespmem:s4+$0xB5B0];
	[tilespmem:s25+$0x15D60] =	vst v14;
	s25 =	smov.u32 s4  }
0x1da: {  	v11 =	vld [tilespmem:s25+$0xB5C0];
	[tilespmem:s25+$0x15D70] =	vst v15  }
0x1db: {  	[tilespmem:s25+$0x15D00] =	vst v16;
	v13 =	vld [tilespmem:s25+$0xB5D0]  }
0x1dc: {  	s4 =	sshra.s32 s5, $0x2;
	s5 =	sadd.s32 $0x200, s5;
	[tilespmem:s25+$0x15D10] =	vst v17;
	v14 =	vld [tilespmem:s25+$0xB5E0]  }
0x1dd: {  	v15 =	vld [tilespmem:s4+$0xB5F0];
	[tilespmem:s25+$0x15D20] =	vst v12  }
0x1de: {  	v12 =	vld [tilespmem:s4+$0xB580];
	[tilespmem:s25+$0x15D30] =	vst v10  }
0x1df: {  	v10 =	vld [tilespmem:s4+$0xB590];
	[tilespmem:s25+$0x15D40] =	vst v11  }
0x1e0: {  	v11 =	vld [tilespmem:s4+$0xB5A0];
	[tilespmem:s25+$0x15D50] =	vst v13  }
0x1e1: {  	v13 =	vld [tilespmem:s4+$0xB5B0];
	[tilespmem:s25+$0x15D60] =	vst v14  }
0x1e2: {  	v14 =	vld [tilespmem:s4+$0xB5C0];
	[tilespmem:s4+$0x15D70] =	vst v15  }
0x1e3: {  	v63 =	vld [tilespmem:s4+$0xB5D0];
	[tilespmem:s4+$0x15D00] =	vst v12  }
0x1e4: {  	[tilespmem:s4+$0x15D10] =	vst v10;
	v10 =	vld [tilespmem:s4+$0xB5E0]  }
0x1e5: {  	[tilespmem:s4+$0x15D20] =	vst v11  }
0x1e6: {  	[tilespmem:s4+$0x15D30] =	vst v13  }
0x1e7: {  	[tilespmem:s4+$0x15D40] =	vst v14  }
0x1e8: {  	[tilespmem:s4+$0x15D50] =	vst v63  }
0x1e9: {  	s5 =	simm.s32 $0x200;
	[tilespmem:s4+$0x15D60] =	vst v10;
	s4 =	simm.s32 $0x0  }
.LBB2_26:
0x1ea: {  	p0 =	sne.s32 s5, $0x7E00;
	[tilespmem:s4+$0x13D70] =	vst v0  }
0x1eb: {  	[tilespmem:s4+$0x13D00] =	vst v0  }
0x1ec: {  	[tilespmem:s4+$0x13D10] =	vst v0  }
.Ltmp14:
0x1ed: {  	[tilespmem:s4+$0x13D20] =	vst v0;
	(pc) =	sbr.rel @p0 .LBB2_26-.Ltmp14, $4  }
0x1ee: {  	[tilespmem:s4+$0x13D30] =	vst v0  }
0x1ef: {  	[tilespmem:s4+$0x13D40] =	vst v0  }
0x1f0: {  	[tilespmem:s4+$0x13D50] =	vst v0  }
0x1f1: {  	[tilespmem:s4+$0x13D60] =	vst v0;
	s4 =	sshra.s32 s5, $0x2;
	s5 =	sadd.s32 $0x200, s5  }
0x1f2: {  	[tilespmem:s4+$0x13D70] =	vst v0  }
0x1f3: {  	[tilespmem:s4+$0x13D00] =	vst v0  }
0x1f4: {  	[tilespmem:s4+$0x13D10] =	vst v0  }
0x1f5: {  	[tilespmem:s4+$0x13D20] =	vst v0  }
0x1f6: {  	[tilespmem:s4+$0x13D30] =	vst v0  }
0x1f7: {  	[tilespmem:s4+$0x13D40] =	vst v0  }
0x1f8: {  	[tilespmem:s4+$0x13D50] =	vst v0  }
0x1f9: {  	[tilespmem:s4+$0x13D60] =	vst v0  }
0x1fa: {  	v10 =	vld [tilespmem:$0xB500];
	_ =	sdelay $0x4  }
0x1fb: {  	v10 =	vtrunc.f32 v10  }
0x1fc: {  	v10 =	vcvt.f32.s32 v10;
	_ =	sdelay $0x1  }
0x1fd: {  	vm0 =	vlt.u32 v10, $0x40;
	v10 =	vshll.u32 v10, $0x7  }
0x1fe: {  	v10 =	vadd.s32 v1, v10;
	_ =	sdelay $0x4  }
0x1ff: {  	[tilespmem:v10+s1+$0x0] =	vst.idx.msk vm0, v9  }
0x200: {  	v10 =	vld [tilespmem:$0xB510];
	_ =	sdelay $0x4  }
0x201: {  	v10 =	vtrunc.f32 v10  }
0x202: {  	v10 =	vcvt.f32.s32 v10;
	_ =	sdelay $0x1  }
0x203: {  	vm9 =	vlt.u32 v10, $0x40;
	v10 =	vshll.u32 v10, $0x7  }
0x204: {  	v10 =	vadd.s32 v2, v10;
	_ =	sdelay $0x4  }
0x205: {  	[tilespmem:v10+s1+$0x0] =	vst.idx.msk vm9, v9  }
0x206: {  	v10 =	vld [tilespmem:$0xB520];
	_ =	sdelay $0x4  }
0x207: {  	v10 =	vtrunc.f32 v10  }
0x208: {  	v10 =	vcvt.f32.s32 v10;
	_ =	sdelay $0x1  }
0x209: {  	vm10 =	vlt.u32 v10, $0x40;
	v10 =	vshll.u32 v10, $0x7  }
0x20a: {  	v10 =	vadd.s32 v3, v10;
	_ =	sdelay $0x4  }
0x20b: {  	[tilespmem:v10+s1+$0x0] =	vst.idx.msk vm10, v9  }
0x20c: {  	v10 =	vld [tilespmem:$0xB530];
	_ =	sdelay $0x4  }
0x20d: {  	v10 =	vtrunc.f32 v10  }
0x20e: {  	v10 =	vcvt.f32.s32 v10;
	_ =	sdelay $0x1  }
0x20f: {  	vm11 =	vlt.u32 v10, $0x40;
	v10 =	vshll.u32 v10, $0x7  }
0x210: {  	v10 =	vadd.s32 v4, v10;
	_ =	sdelay $0x4  }
0x211: {  	[tilespmem:v10+s1+$0x0] =	vst.idx.msk vm11, v9  }
0x212: {  	v10 =	vld [tilespmem:$0xB540];
	_ =	sdelay $0x4  }
0x213: {  	v10 =	vtrunc.f32 v10  }
0x214: {  	v10 =	vcvt.f32.s32 v10;
	_ =	sdelay $0x1  }
0x215: {  	vm12 =	vlt.u32 v10, $0x40;
	v10 =	vshll.u32 v10, $0x7  }
0x216: {  	v10 =	vadd.s32 v5, v10;
	_ =	sdelay $0x4  }
0x217: {  	[tilespmem:v10+s1+$0x0] =	vst.idx.msk vm12, v9  }
0x218: {  	v10 =	vld [tilespmem:$0xB550];
	_ =	sdelay $0x4  }
0x219: {  	v10 =	vtrunc.f32 v10  }
0x21a: {  	v10 =	vcvt.f32.s32 v10;
	_ =	sdelay $0x1  }
0x21b: {  	vm13 =	vlt.u32 v10, $0x40;
	v10 =	vshll.u32 v10, $0x7  }
0x21c: {  	v10 =	vadd.s32 v6, v10;
	_ =	sdelay $0x4  }
0x21d: {  	[tilespmem:v10+s1+$0x0] =	vst.idx.msk vm13, v9  }
0x21e: {  	v10 =	vld [tilespmem:$0xB560];
	_ =	sdelay $0x4  }
0x21f: {  	v10 =	vtrunc.f32 v10  }
0x220: {  	v10 =	vcvt.f32.s32 v10;
	_ =	sdelay $0x1  }
0x221: {  	vm14 =	vlt.u32 v10, $0x40;
	v10 =	vshll.u32 v10, $0x7  }
0x222: {  	v10 =	vadd.s32 v7, v10;
	_ =	sdelay $0x4  }
0x223: {  	[tilespmem:v10+s1+$0x0] =	vst.idx.msk vm14, v9  }
0x224: {  	v10 =	vld [tilespmem:$0xB570];
	_ =	sdelay $0x4  }
0x225: {  	v10 =	vtrunc.f32 v10  }
0x226: {  	v10 =	vcvt.f32.s32 v10;
	_ =	sdelay $0x1  }
0x227: {  	vm15 =	vlt.u32 v10, $0x40;
	v10 =	vshll.u32 v10, $0x7  }
0x228: {  	v10 =	vadd.s32 v8, v10;
	_ =	sdelay $0x4  }
0x229: {  	[tilespmem:v10+s1+$0x0] =	vst.idx.msk vm15, v9  }
0x22a: {  	[hbm4b:s15+s17] =	stream.strided.scatter [tilespmem:s1], [sflag:$0x6], $0x5000, s18, s17, $0x38;
	[tilespmem:$0x17880] =	vst v63  }
0x22b: {  	s26 =	sadd.s32 $0x50000, s15;
	s24 =	sadd.s32 $0x1, s24  }
0x22c: {  	[hbm4b:s26+s2] =	stream.linear.scatter [tilespmem:s19], [sflag:$0x6], $0x180, $0x38;
	[tilespmem:$0x17880] =	vst v63  }
0x22d: {  	p0 =	sne.s32 s24, s16;
	_ =	swait.ge [sflag:s21], $0x5180  }
.Ltmp15:
0x22e: {  	[sflag:s21] =	ssyncset.done $0x0;
	(pc) =	sbr.rel @p0 .LBB2_1-.Ltmp15, $4  }
.Ltmp16:
0x22f: {  	[sflag:s21] =	ssyncadd.s32 $0xFFFFAE80;
	(pc) =	sbr.rel @!p0 .LBB2_28-.Ltmp16, $4  }
0x230: {  	_ =	swait.ge [sflag:s23], $0x5180  }
0x231: {  	[sflag:s23] =	ssyncset.done $0x0  }
0x232: {  	[sflag:s23] =	ssyncadd.s32 $0xFFFFAE80  }
0x233: {  	_ = 	snop  }
.LBB2_5:
.Ltmp17:
0x234: {  	(pc) =	sbr.rel .LBB2_7-.Ltmp17, $2  }
0x235: {  	_ =	sdelay $0x2  }
0x236: {  	s5 =	simm.s32 $0x0  }
.LBB2_28:
0x237: {  	_ =	sfence.sel $0x180000  }
0x238: {  	[bflag:$0x0] =	sbarrier.arrive $0xFFFF  }
0x239: {  	_ =	strace $0x90000047  }
0x23a: {  	s0 =	stileid.u32;
	[bflag:$0x2] =	sbarrier.arrive $0xFFFF  }
0x23b: {  	p0 =	sne.s32 s0, $0x0;
	s0 =	rddreg [dreg:$0x3]  }
0x23c: {  	s0 =	sadd.s32 @!p0 $0x100000, s0  }
0x23d: {  	[sflag:s0] =	ssyncadd.tile.s32 @!p0 $0x1;
	_ =	shalt  }
.Lfunc_end2:
_tile_overlayer_lowered:
.L_overlay_start_2:
0x23e: {  	(tag) =	ssettag $0x2  }
0x23f: {  	s0 =	rddreg [dreg:$0x0];
	s2 =	stileid.u32  }
0x240: {  	s1 =	rddreg [dreg:$0x1];
	p0 =	sne.s32 s2, $0x0  }
0x241: {  	s3 =	rddreg [dreg:$0x2];
	[bflag:$0x3] =	sbarrier.arrive $0xFFFF;
	s2 =	simm.s32 @!p0 $0x1C07  }
0x242: {  	[timem:s3], [sflag:s2] =	dma.local @!p0 [hbm:s0], s1  }
0x243: {  	s0 =	simm.s32 @!p0 $0x7  }
0x244: {  	_ =	swait.ge @!p0 [sflag:s0], s1  }
0x245: {  	s1 =	ssub.s32 @!p0 $0x0, s1;
	[sflag:s0] =	ssyncset.done @!p0 $0x0  }
0x246: {  	[sflag:s0] =	ssyncadd.s32 @!p0 s1  }
0x247: {  	[bflag:$0x3] =	sbarrier.arrive $0xFFFF  }
0x248: {  	_ =	shalt  }

</sc_bundles>
